<compile_context>
chip_gen: v7x
topology: tpu7x:2x2x1
jax: 0.10.2.dev20260603
libtpu: 0.0.44.dev20260713+nightly
codegen_flags: <defaults>
</compile_context>

<pallas_src>
import functools

import jax
import jax.numpy as jnp
from jax import lax
from jax.experimental import pallas as pl
from jax.experimental.pallas import tpu as pltpu
from jax.experimental.pallas import tpu_sc as plsc

_NC = 2
_NS = 16
_NW = _NC * _NS
_NPAD = 10240

_EPS = 1e-8



def _acos(x):
    a = jnp.abs(x)
    p = jnp.float32(-0.0012624911)
    for c in (0.0066700901, -0.0170881256, 0.0308918810, -0.0501743046,
              0.0889789874, -0.2145988016, 1.5707963050):
        p = p * a + jnp.float32(c)
    r = jnp.sqrt(jnp.maximum(1.0 - a, 0.0)) * p
    return jnp.where(x >= 0.0, r, jnp.float32(3.14159265358979) - r)


def _edge_raw_body(eattr_ref, we_ref, be_ref, w3g_ref, b2ng_ref, ef_ref):
    raw = jax.nn.relu(
        jnp.dot(eattr_ref[...], we_ref[...],
                preferred_element_type=jnp.float32) + be_ref[...])
    ef_ref[...] = (jnp.dot(raw, w3g_ref[...],
                           preferred_element_type=jnp.float32) + b2ng_ref[...])


def _tc_edge_raw(edge_attr, W_eattr, b_eattr, W3g, b2ng):
    E = edge_attr.shape[0]
    EB = 6400
    nb = E // EB
    H = W3g.shape[1]
    consts = [W_eattr, b_eattr.reshape(1, -1), W3g, b2ng]
    const_specs = [pl.BlockSpec(c.shape, lambda i: (0, 0)) for c in consts]
    return pl.pallas_call(
        _edge_raw_body,
        grid=(nb,),
        in_specs=[pl.BlockSpec((EB, edge_attr.shape[1]), lambda i: (i, 0))]
                 + const_specs,
        out_specs=pl.BlockSpec((EB, H), lambda i: (i, 0)),
        out_shape=jax.ShapeDtypeStruct((E, H), jnp.float32),
    )(edge_attr, *consts)


def _dang_body(d2_ref, dot_ref, ni2_ref, nj2_ref, d_ref, ang_ref):
    d_ref[...] = jnp.sqrt(d2_ref[...])
    denom = jnp.sqrt(ni2_ref[...]) * jnp.sqrt(nj2_ref[...]) + _EPS
    ang_ref[...] = _acos(jnp.clip(dot_ref[...] / denom, -1.0, 1.0))


def _tc_dang(d2, dot, ni2, nj2):
    E = d2.shape[0]
    g2 = (E // 128, 128)
    spec = pl.BlockSpec(g2, lambda: (0, 0))
    return pl.pallas_call(
        _dang_body,
        in_specs=[spec, spec, spec, spec],
        out_specs=[spec, spec],
        out_shape=[jax.ShapeDtypeStruct(g2, jnp.float32),
                   jax.ShapeDtypeStruct(g2, jnp.float32)],
    )(d2.reshape(g2), dot.reshape(g2), ni2.reshape(g2), nj2.reshape(g2))



def _z_body(x_ref, a0_ref, a1_ref, sd_ref, sa_ref, wn_ref, bn_ref, wga_ref,
            u1_ref, u2_ref, z_ref):
    ne = jax.nn.relu(
        jnp.dot(x_ref[...], wn_ref[...], preferred_element_type=jnp.float32)
        + bn_ref[...])
    z_ref[...] = (
        jnp.dot(ne, wga_ref[...], preferred_element_type=jnp.float32)
        + a0_ref[...] + a1_ref[...]
        + sd_ref[...] * u1_ref[...] + sa_ref[...] * u2_ref[...])


def _tc_z(x, agg0, agg1, sd, sa, W_node, b_node, W_g1a, u1, u2):
    N, D = x.shape
    H = W_g1a.shape[1]
    BN = 1000
    nb = N // BN
    consts = [W_node, b_node.reshape(1, -1), W_g1a, u1, u2]
    const_specs = [pl.BlockSpec(c.shape, lambda i: (0, 0)) for c in consts]
    return pl.pallas_call(
        _z_body,
        grid=(nb,),
        in_specs=[pl.BlockSpec((BN, D), lambda i: (i, 0)),
                  pl.BlockSpec((BN, H), lambda i: (i, 0)),
                  pl.BlockSpec((BN, H), lambda i: (i, 0)),
                  pl.BlockSpec((BN, 1), lambda i: (i, 0)),
                  pl.BlockSpec((BN, 1), lambda i: (i, 0))] + const_specs,
        out_specs=pl.BlockSpec((BN, H), lambda i: (i, 0)),
        out_shape=jax.ShapeDtypeStruct((N, H), jnp.float32),
    )(x, agg0, agg1, sd.reshape(N, 1), sa.reshape(N, 1), *consts)



def _final_body(z_ref, n0_ref, n1_ref, b_ref, bg1_ref, wg2_ref, bg2_ref,
                wf1_ref, bf1_ref, wf2_ref, bf2_ref, out_ref,
                s_scr, c_scr, *, nb, ng):
    i = pl.program_id(0)

    @pl.when(i == 0)
    def _init():
        s_scr[...] = jnp.zeros_like(s_scr)
        c_scr[...] = jnp.zeros_like(c_scr)

    h1 = jax.nn.relu(z_ref[...] + n0_ref[...] + n1_ref[...] + bg1_ref[...])
    h = (jnp.dot(h1, wg2_ref[...], preferred_element_type=jnp.float32)
         + bg2_ref[...])
    out = jax.nn.relu(h)
    bv = b_ref[0]
    seg = lax.broadcasted_iota(jnp.int32, (ng, bv.shape[1]), 0)
    onehot_t = (seg == bv).astype(jnp.float32)
    s_scr[...] += jnp.dot(onehot_t, out, preferred_element_type=jnp.float32)
    c_scr[...] += jnp.sum(onehot_t, axis=1, keepdims=True)

    @pl.when(i == nb - 1)
    def _fin():
        ge = s_scr[...] / jnp.maximum(c_scr[...], 1.0)
        r = jax.nn.relu(
            jnp.dot(ge, wf1_ref[...], preferred_element_type=jnp.float32)
            + bf1_ref[...])
        out_ref[...] = (
            jnp.dot(r, wf2_ref[...], preferred_element_type=jnp.float32)
            + bf2_ref[...])


def _tc_final(z, n0, n1, batch, b_g1, W_g2, b_g2, W_f1, b_f1, W_f2, b_f2,
              ng):
    N, H = z.shape
    BN = 1000
    nb = N // BN
    b3 = batch.reshape(nb, 1, BN)
    consts = [b_g1.reshape(1, -1), W_g2, b_g2.reshape(1, -1),
              W_f1, b_f1.reshape(1, -1), W_f2, b_f2.reshape(1, -1)]
    const_specs = [pl.BlockSpec(c.shape, lambda i: (0, 0)) for c in consts]
    body = functools.partial(_final_body, nb=nb, ng=ng)
    return pl.pallas_call(
        body,
        grid=(nb,),
        in_specs=[pl.BlockSpec((BN, H), lambda i: (i, 0)),
                  pl.BlockSpec((BN, H), lambda i: (i, 0)),
                  pl.BlockSpec((BN, H), lambda i: (i, 0)),
                  pl.BlockSpec((1, 1, BN), lambda i: (i, 0, 0))]
                 + const_specs,
        out_specs=pl.BlockSpec((ng, 1), lambda i: (0, 0)),
        out_shape=jax.ShapeDtypeStruct((ng, 1), jnp.float32),
        scratch_shapes=[pltpu.VMEM((ng, H), jnp.float32),
                        pltpu.VMEM((ng, 1), jnp.float32)],
    )(z, n0, n1, b3, *consts)



def _sc_scatter128(src, col, row=None):
    C = src.shape[1]
    E = col.shape[0]
    n = _NPAD
    K = 80
    per_w = E // _NW
    steps = per_w // K
    nloop = steps // 2
    rows_t = n // _NS
    zeros = jnp.zeros((rows_t, C), jnp.float32)
    gather = row is not None
    if not gather:
        row = col
    mesh = plsc.VectorSubcoreMesh(core_axis_name="c", subcore_axis_name="s")

    @functools.partial(
        pl.kernel,
        out_type=jax.ShapeDtypeStruct((_NC, n, C), jnp.float32),
        mesh=mesh,
        scratch_types=[pltpu.VMEM((K,), jnp.int32),
                       pltpu.VMEM((K,), jnp.int32),
                       pltpu.VMEM((K,), jnp.int32),
                       pltpu.VMEM((K,), jnp.int32),
                       pltpu.VMEM((K, C), jnp.float32),
                       pltpu.VMEM((K, C), jnp.float32),
                       pltpu.VMEM_SHARED((n, C), jnp.float32),
                       pltpu.SemaphoreType.DMA,
                       pltpu.SemaphoreType.DMA,
                       pltpu.SemaphoreType.DMA,
                       pltpu.SemaphoreType.DMA,
                       pltpu.SemaphoreType.DMA,
                       pltpu.SemaphoreType.DMA],
    )
    def scat(src_hbm, col_hbm, row_hbm, z_hbm, out_hbm,
             ci0, ci1, ri0, ri1, rb0, rb1, acc_sh,
             gs0, gs1, ss0, ss1, is0, is1):
        c = lax.axis_index("c")
        s = lax.axis_index("s")
        wid = c * _NS + s
        base = wid * per_w
        cibuf = (ci0, ci1)
        ribuf = (ri0, ri1)
        rbuf = (rb0, rb1)
        gsem = (gs0, gs1)
        ssem = (ss0, ss1)
        isem = (is0, is1)

        def issue(j, b):
            pltpu.async_copy(
                col_hbm.at[pl.ds(base + j * K, K)], cibuf[b], isem[b])
            if gather:
                pltpu.async_copy(
                    row_hbm.at[pl.ds(base + j * K, K)], ribuf[b], isem[b])
                pltpu.make_async_copy(
                    row_hbm.at[pl.ds(base + j * K, K)], ribuf[b],
                    isem[b]).wait()
                pltpu.make_async_copy(
                    col_hbm.at[pl.ds(base + j * K, K)], cibuf[b],
                    isem[b]).wait()
                pltpu.async_copy(src_hbm.at[ribuf[b]], rbuf[b], gsem[b])
            else:
                pltpu.make_async_copy(
                    col_hbm.at[pl.ds(base + j * K, K)], cibuf[b],
                    isem[b]).wait()
                pltpu.async_copy(
                    src_hbm.at[pl.ds(base + j * K, K)], rbuf[b], gsem[b])

        def wait_and_scatter(j, b):
            if gather:
                pltpu.make_async_copy(
                    src_hbm.at[ribuf[b]], rbuf[b], gsem[b]).wait()
            else:
                pltpu.make_async_copy(
                    src_hbm.at[pl.ds(base + j * K, K)], rbuf[b],
                    gsem[b]).wait()
            pltpu.async_copy(rbuf[b], acc_sh.at[cibuf[b]], ssem[b], add=True)

        def wait_scatter(b):
            pltpu.make_async_copy(rbuf[b], acc_sh.at[cibuf[b]],
                                  ssem[b]).wait()

        pltpu.sync_copy(z_hbm, acc_sh.at[pl.ds(s * rows_t, rows_t)])
        plsc.subcore_barrier()
        issue(0, 0)
        issue(1, 1)

        def step(m, carry):
            for b in (0, 1):
                j = 2 * m + b
                wait_and_scatter(j, b)
                if b == 0:
                    wait_scatter(b)
                    issue(j + 2, b)
                else:
                    @pl.when(m < nloop - 1)
                    def _prep():
                        wait_scatter(b)
                        issue(j + 2, b)

            return carry

        lax.fori_loop(0, nloop, step, 0)
        wait_and_scatter(steps - 1, 0)
        wait_scatter(0)
        wait_scatter(1)
        plsc.subcore_barrier()
        pltpu.sync_copy(acc_sh.at[pl.ds(s * rows_t, rows_t)],
                        out_hbm.at[c, pl.ds(s * rows_t, rows_t)])

    out = scat(src, col, row, zeros)
    return out[0], out[1]


def _sc_scatter_edges(ef, dv, av, col):
    C = ef.shape[1]
    E = col.shape[0]
    n = _NPAD
    K = 80
    per_w = E // _NW
    steps = per_w // K
    nloop = steps // 2
    rows_t = n // _NS
    zeros = jnp.zeros((rows_t, C), jnp.float32)
    zeros1 = jnp.zeros((rows_t,), jnp.float32)
    mesh = plsc.VectorSubcoreMesh(core_axis_name="c", subcore_axis_name="s")

    @functools.partial(
        pl.kernel,
        out_type=(jax.ShapeDtypeStruct((_NC, n, C), jnp.float32),
                  jax.ShapeDtypeStruct((_NC, n), jnp.float32),
                  jax.ShapeDtypeStruct((_NC, n), jnp.float32)),
        mesh=mesh,
        scratch_types=[pltpu.VMEM((K,), jnp.int32),
                       pltpu.VMEM((K,), jnp.int32),
                       pltpu.VMEM((K, C), jnp.float32),
                       pltpu.VMEM((K, C), jnp.float32),
                       pltpu.VMEM((K,), jnp.float32),
                       pltpu.VMEM((K,), jnp.float32),
                       pltpu.VMEM((K,), jnp.float32),
                       pltpu.VMEM((K,), jnp.float32),
                       pltpu.VMEM_SHARED((n, C), jnp.float32),
                       pltpu.VMEM_SHARED((n,), jnp.float32),
                       pltpu.VMEM_SHARED((n,), jnp.float32),
                       pltpu.SemaphoreType.DMA,
                       pltpu.SemaphoreType.DMA,
                       pltpu.SemaphoreType.DMA,
                       pltpu.SemaphoreType.DMA,
                       pltpu.SemaphoreType.DMA,
                       pltpu.SemaphoreType.DMA],
    )
    def scat(ef_hbm, d_hbm, a_hbm, col_hbm, z_hbm, z1_hbm,
             out_hbm, outd_hbm, outa_hbm,
             ci0, ci1, rb0, rb1, db0, db1, ab0, ab1,
             acc_sh, accd_sh, acca_sh,
             gs0, gs1, ss0, ss1, is0, is1):
        c = lax.axis_index("c")
        s = lax.axis_index("s")
        wid = c * _NS + s
        base = wid * per_w
        cibuf = (ci0, ci1)
        rbuf = (rb0, rb1)
        dbuf = (db0, db1)
        abuf = (ab0, ab1)
        gsem = (gs0, gs1)
        ssem = (ss0, ss1)
        isem = (is0, is1)

        def issue(j, b):
            pltpu.async_copy(
                col_hbm.at[pl.ds(base + j * K, K)], cibuf[b], isem[b])
            pltpu.make_async_copy(
                col_hbm.at[pl.ds(base + j * K, K)], cibuf[b], isem[b]).wait()
            sl = pl.ds(base + j * K, K)
            pltpu.async_copy(ef_hbm.at[sl], rbuf[b], gsem[b])
            pltpu.async_copy(d_hbm.at[sl], dbuf[b], gsem[b])
            pltpu.async_copy(a_hbm.at[sl], abuf[b], gsem[b])

        def wait_and_scatter(j, b):
            sl = pl.ds(base + j * K, K)
            pltpu.make_async_copy(ef_hbm.at[sl], rbuf[b], gsem[b]).wait()
            pltpu.make_async_copy(d_hbm.at[sl], dbuf[b], gsem[b]).wait()
            pltpu.make_async_copy(a_hbm.at[sl], abuf[b], gsem[b]).wait()
            pltpu.async_copy(rbuf[b], acc_sh.at[cibuf[b]], ssem[b], add=True)
            pltpu.async_copy(dbuf[b], accd_sh.at[cibuf[b]], ssem[b], add=True)
            pltpu.async_copy(abuf[b], acca_sh.at[cibuf[b]], ssem[b], add=True)

        def wait_scatter(b):
            pltpu.make_async_copy(rbuf[b], acc_sh.at[cibuf[b]],
                                  ssem[b]).wait()
            pltpu.make_async_copy(dbuf[b], accd_sh.at[cibuf[b]],
                                  ssem[b]).wait()
            pltpu.make_async_copy(abuf[b], acca_sh.at[cibuf[b]],
                                  ssem[b]).wait()

        sl_t = pl.ds(s * rows_t, rows_t)
        pltpu.sync_copy(z_hbm, acc_sh.at[sl_t])
        pltpu.sync_copy(z1_hbm, accd_sh.at[sl_t])
        pltpu.sync_copy(z1_hbm, acca_sh.at[sl_t])
        plsc.subcore_barrier()
        issue(0, 0)
        issue(1, 1)

        def step(m, carry):
            for b in (0, 1):
                j = 2 * m + b
                wait_and_scatter(j, b)
                if b == 0:
                    wait_scatter(b)
                    issue(j + 2, b)
                else:
                    @pl.when(m < nloop - 1)
                    def _prep():
                        wait_scatter(b)
                        issue(j + 2, b)

            return carry

        lax.fori_loop(0, nloop, step, 0)
        wait_and_scatter(steps - 1, 0)
        wait_scatter(0)
        wait_scatter(1)
        plsc.subcore_barrier()
        pltpu.sync_copy(acc_sh.at[sl_t], out_hbm.at[c, sl_t])
        pltpu.sync_copy(accd_sh.at[sl_t], outd_hbm.at[c, sl_t])
        pltpu.sync_copy(acca_sh.at[sl_t], outa_hbm.at[c, sl_t])

    return scat(ef, dv, av, col, zeros, zeros1)



def _sc_geometry(cx, cy, cz, row, col):
    E = row.shape[0]
    per_w = E // _NW
    nsteps = per_w // 16
    mesh = plsc.VectorSubcoreMesh(core_axis_name="c", subcore_axis_name="s")
    out_t = jax.ShapeDtypeStruct((E,), jnp.float32)
    fvec = pltpu.VMEM((per_w,), jnp.float32)

    @functools.partial(
        pl.kernel,
        out_type=(out_t, out_t, out_t, out_t),
        mesh=mesh,
        scratch_types=[pltpu.VMEM((per_w,), jnp.int32),
                       pltpu.VMEM((per_w,), jnp.int32),
                       fvec, fvec, fvec, fvec, fvec, fvec,
                       pltpu.SemaphoreType.DMA],
    )
    def geom(cx_hbm, cy_hbm, cz_hbm, row_hbm, col_hbm,
             d2_hbm, dot_hbm, ni2_hbm, nj2_hbm,
             ridx_v, cidx_v, xi_v, yi_v, zi_v, xj_v, yj_v, zj_v, sem):
        c = lax.axis_index("c")
        s = lax.axis_index("s")
        wid = c * _NS + s
        base = wid * per_w
        pltpu.sync_copy(row_hbm.at[pl.ds(base, per_w)], ridx_v)
        pltpu.sync_copy(col_hbm.at[pl.ds(base, per_w)], cidx_v)
        pairs = ((cx_hbm, ridx_v, xi_v), (cy_hbm, ridx_v, yi_v),
                 (cz_hbm, ridx_v, zi_v), (cx_hbm, cidx_v, xj_v),
                 (cy_hbm, cidx_v, yj_v), (cz_hbm, cidx_v, zj_v))
        for tab, idx, dst in pairs:
            pltpu.async_copy(tab.at[idx], dst, sem)
        for tab, idx, dst in pairs:
            pltpu.make_async_copy(tab.at[idx], dst, sem).wait()

        def step(i, carry):
            off = i * 16
            xi = xi_v[pl.ds(off, 16)]
            yi = yi_v[pl.ds(off, 16)]
            zi = zi_v[pl.ds(off, 16)]
            xj = xj_v[pl.ds(off, 16)]
            yj = yj_v[pl.ds(off, 16)]
            zj = zj_v[pl.ds(off, 16)]
            dx = xi - xj
            dy = yi - yj
            dz = zi - zj
            xi_v[pl.ds(off, 16)] = dx * dx + dy * dy + dz * dz
            xj_v[pl.ds(off, 16)] = xi * xj + yi * yj + zi * zj
            yi_v[pl.ds(off, 16)] = xi * xi + yi * yi + zi * zi
            yj_v[pl.ds(off, 16)] = xj * xj + yj * yj + zj * zj
            return carry

        lax.fori_loop(0, nsteps, step, 0)
        pltpu.sync_copy(xi_v, d2_hbm.at[pl.ds(base, per_w)])
        pltpu.sync_copy(xj_v, dot_hbm.at[pl.ds(base, per_w)])
        pltpu.sync_copy(yi_v, ni2_hbm.at[pl.ds(base, per_w)])
        pltpu.sync_copy(yj_v, nj2_hbm.at[pl.ds(base, per_w)])

    return geom(cx, cy, cz, row, col)



def kernel(x, edge_index, edge_attr, batch, W_node, b_node, W_dist, b_dist,
           W_ang, b_ang, W_eattr, b_eattr, W_e2n, b_e2n, W_g1, b_g1,
           W_g2, b_g2, W_f1, b_f1, W_f2, b_f2):
    N, D = x.shape
    H = W_g1.shape[1]
    ng = 64
    row = edge_index[0]
    col = edge_index[1]
    cx = x[:, 0]; cy = x[:, 1]; cz = x[:, 2]

    ped = W_dist.shape[1]
    W_g1b = W_g1[D:]
    w1 = W_e2n[:ped]
    w2 = W_e2n[ped:2 * ped]
    w3 = W_e2n[2 * ped:]
    u1 = jax.nn.relu(W_dist) @ w1 @ W_g1b
    u2 = jax.nn.relu(W_ang) @ w2 @ W_g1b
    W3g = w3 @ W_g1b
    b2ng = (b_e2n.reshape(1, -1) @ W_g1b)

    ef128 = _tc_edge_raw(edge_attr, W_eattr, b_eattr, W3g, b2ng)
    d2, dot, ni2, nj2 = _sc_geometry(cx, cy, cz, row, col)
    dg, ag = _tc_dang(d2, dot, ni2, nj2)
    E = row.shape[0]
    agg, sd2, sa2 = _sc_scatter_edges(ef128, dg.reshape(E), ag.reshape(E),
                                      col)
    sd = (sd2[0] + sd2[1])[:N]
    sa = (sa2[0] + sa2[1])[:N]
    z = _tc_z(x, agg[0][:N], agg[1][:N], sd, sa, W_node, b_node,
              W_g1[:D], u1, u2)
    n0, n1 = _sc_scatter128(z, col, row=row)
    return _tc_final(z, n0[:N], n1[:N], batch, b_g1, W_g2, b_g2,
                     W_f1, b_f1, W_f2, b_f2, ng)

# --- scband reference (transcript-rebuilt; emitter-appended) ---
"""Pipeline reference for scband-molecular-inspired-gnn-77378130805146 (READ-ONLY COPY).

The authoritative reference and input builder live on the scoring server;
editing this copy changes nothing except your own understanding.
"""

import jax, jax.numpy as jnp
import numpy as np

N = 10000
E = 320000
D_IN = 128
H = 128
PED = 32
D_EDGE = 16
NG = 64
OUT_DIM = 1
EPS = 1e-8
GIN_EPS = 0.0

def setup_inputs(seed: int = 0):
    key = jax.random.key(seed)
    ks = jax.random.split(key, 24)
    inp = {}
    inp['x'] = jax.random.normal(ks[0], (N, D_IN), dtype=jnp.float32)
    row = jax.random.randint(ks[1], (E,), 0, N, dtype=jnp.int32)
    off = jax.random.randint(ks[13], (E,), 1, N, dtype=jnp.int32)
    col = (row + off) % N
    inp['edge_index'] = jnp.stack([row, col], axis=0)
    inp['edge_attr'] = jax.random.normal(ks[2], (E, D_EDGE), dtype=jnp.float32)
    inp['batch'] = jnp.sort(jax.random.randint(ks[3], (N,), 0, NG, dtype=jnp.int32))
    def w(k, shape):
        return jax.random.normal(k, shape, dtype=jnp.float32) * 0.05
    inp['W_node'] = w(ks[4], (D_IN, H)); inp['b_node'] = jnp.zeros((H,), jnp.float32)
    inp['W_dist'] = w(ks[5], (1, PED)); inp['b_dist'] = jnp.zeros((PED,), jnp.float32)
    inp['W_ang'] = w(ks[6], (1, PED)); inp['b_ang'] = jnp.zeros((PED,), jnp.float32)
    inp['W_eattr'] = w(ks[7], (D_EDGE, PED)); inp['b_eattr'] = jnp.zeros((PED,), jnp.float32)
    inp['W_e2n'] = w(ks[8], (3 * PED, H // 2)); inp['b_e2n'] = jnp.zeros((H // 2,), jnp.float32)
    inp['W_g1'] = w(ks[9], (H + H // 2, H)); inp['b_g1'] = jnp.zeros((H,), jnp.float32)
    inp['W_g2'] = w(ks[10], (H, H)); inp['b_g2'] = jnp.zeros((H,), jnp.float32)
    inp['W_f1'] = w(ks[11], (H, H)); inp['b_f1'] = jnp.zeros((H,), jnp.float32)
    inp['W_f2'] = w(ks[12], (H, OUT_DIM)); inp['b_f2'] = jnp.zeros((OUT_DIM,), jnp.float32)
    return inp

def _forward(x, edge_attr, params, edge_index, batch):
    (W_node, b_node, W_dist, b_dist, W_ang, b_ang, W_eattr, b_eattr,
     W_e2n, b_e2n, W_g1, b_g1, W_g2, b_g2, W_f1, b_f1, W_f2, b_f2) = params
    coords = x[:, :3]
    node_emb = jax.nn.relu(x @ W_node + b_node)
    row = edge_index[0]
    col = edge_index[1]
    ci = coords[row]
    cj = coords[col]
    distances = jnp.linalg.norm(ci - cj, axis=1, keepdims=True)
    dist_emb = jax.nn.relu(distances @ W_dist + b_dist)
    dot = jnp.sum(ci * cj, axis=1, keepdims=True)
    ni = jnp.linalg.norm(ci, axis=1, keepdims=True)
    nj = jnp.linalg.norm(cj, axis=1, keepdims=True)
    cos_angle = jnp.clip(dot / (ni * nj + EPS), -1.0, 1.0)
    angles = jnp.arccos(cos_angle)
    angle_emb = jax.nn.relu(angles @ W_ang + b_ang)
    raw_proj = jax.nn.relu(edge_attr @ W_eattr + b_eattr)
    edge_features = jnp.concatenate([dist_emb, angle_emb, raw_proj], axis=-1)
    edge_features = edge_features @ W_e2n + b_e2n
    node_edge_agg = jnp.zeros((x.shape[0], edge_features.shape[1]), jnp.float32).at[col].add(edge_features)
    enhanced_x = jnp.concatenate([node_emb, node_edge_agg], axis=-1)
    neigh = jnp.zeros_like(enhanced_x).at[col].add(enhanced_x[row])
    h = (1.0 + GIN_EPS) * enhanced_x + neigh
    h = jax.nn.relu(h @ W_g1 + b_g1) @ W_g2 + b_g2
    out = jax.nn.relu(h)
    sums = jax.ops.segment_sum(out, batch, num_segments=NG)
    counts = jax.ops.segment_sum(jnp.ones((x.shape[0],), jnp.float32), batch, num_segments=NG)
    graph_emb = sums / jnp.maximum(counts, 1.0)[:, None]
    return jax.nn.relu(graph_emb @ W_f1 + b_f1) @ W_f2 + b_f2

def reference(x, edge_index, edge_attr, batch, W_node, b_node, W_dist, b_dist, W_ang, b_ang, W_eattr, b_eattr, W_e2n, b_e2n, W_g1, b_g1, W_g2, b_g2, W_f1, b_f1, W_f2, b_f2):
    params = (W_node, b_node, W_dist, b_dist, W_ang, b_ang, W_eattr, b_eattr, W_e2n, b_e2n, W_g1, b_g1, W_g2, b_g2, W_f1, b_f1, W_f2, b_f2)
    return _forward(x, edge_attr, params, edge_index, batch)

if __name__ == "__main__":
    import jax
    _d = setup_inputs()
    print(jax.jit(kernel)(*tuple(_d.values())))

</pallas_src>

<mosaic_0001>
#map = affine_map<(d0, d1) -> (0, 0)>
#map1 = affine_map<(d0, d1) -> (0)>
#map2 = affine_map<(d0, d1) -> (0, 0, 0)>
module attributes {stable_mosaic.version = 14 : i64} {
  func.func @scat(%arg0: i32, %arg1: i32, %arg2: memref<320000x128xf32, #tpu.memory_space<hbm>>, %arg3: memref<320000xf32, #tpu.memory_space<hbm>>, %arg4: memref<320000xf32, #tpu.memory_space<hbm>>, %arg5: memref<320000xi32, #tpu.memory_space<hbm>>, %arg6: memref<640x128xf32, #tpu.memory_space<hbm>>, %arg7: memref<640xf32, #tpu.memory_space<hbm>>, %arg8: memref<2x10240x128xf32, #tpu.memory_space<hbm>>, %arg9: memref<2x10240xf32, #tpu.memory_space<hbm>>, %arg10: memref<2x10240xf32, #tpu.memory_space<hbm>>, %arg11: memref<80xi32, #tpu.memory_space<vmem>>, %arg12: memref<80xi32, #tpu.memory_space<vmem>>, %arg13: memref<80x128xf32, #tpu.memory_space<vmem>>, %arg14: memref<80x128xf32, #tpu.memory_space<vmem>>, %arg15: memref<80xf32, #tpu.memory_space<vmem>>, %arg16: memref<80xf32, #tpu.memory_space<vmem>>, %arg17: memref<80xf32, #tpu.memory_space<vmem>>, %arg18: memref<80xf32, #tpu.memory_space<vmem>>, %arg19: memref<10240x128xf32, #tpu.memory_space<vmem_shared>>, %arg20: memref<10240xf32, #tpu.memory_space<vmem_shared>>, %arg21: memref<10240xf32, #tpu.memory_space<vmem_shared>>, %arg22: memref<!tpu.dma_semaphore, #tpu.memory_space<semaphore_mem>>, %arg23: memref<!tpu.dma_semaphore, #tpu.memory_space<semaphore_mem>>, %arg24: memref<!tpu.dma_semaphore, #tpu.memory_space<semaphore_mem>>, %arg25: memref<!tpu.dma_semaphore, #tpu.memory_space<semaphore_mem>>, %arg26: memref<!tpu.dma_semaphore, #tpu.memory_space<semaphore_mem>>, %arg27: memref<!tpu.dma_semaphore, #tpu.memory_space<semaphore_mem>>) attributes {dimension_semantics = [#tpu.dimension_semantics<core_parallel>, #tpu.dimension_semantics<subcore_parallel>], iteration_bounds = array<i64: 2, 16>, scalar_prefetch = 0 : i64, scratch_operands = 17 : i64, tpu.core_type = #tpu.core_type<sc_vector_subcore>, window_params = [{transform_indices = #map}, {transform_indices = #map1}, {transform_indices = #map1}, {transform_indices = #map1}, {transform_indices = #map}, {transform_indices = #map1}, {transform_indices = #map2}, {transform_indices = #map}, {transform_indices = #map}]} {
    %mul3A = arith.constant 16 : i32
    %mul3A_0 = arith.muli %arg0, %mul3A : i32
    %add3A = arith.addi %mul3A_0, %arg1 : i32
    %mul3A_1 = arith.constant 10000 : i32
    %mul3A_2 = arith.muli %add3A, %mul3A_1 : i32
    %mul3A_3 = arith.constant 640 : i32
    %mul3A_4 = arith.muli %arg1, %mul3A_3 : i32
    "tpu.region"() ({
      %run_scoped3A = tpu.sem_alloc : memref<!tpu.dma_semaphore, #tpu.memory_space<semaphore_mem>>
      %dma_start3A_76 = arith.constant 0 : i32
      %dma_start3A_77 = tpu.memref_slice %arg19[%mul3A_4, %dma_start3A_76] : memref<10240x128xf32, #tpu.memory_space<vmem_shared>> -> memref<640x128xf32, #tpu.memory_space<vmem_shared>>
      tpu.enqueue_dma source(%arg6 : memref<640x128xf32, #tpu.memory_space<hbm>>) target(%dma_start3A_77 : memref<640x128xf32, #tpu.memory_space<vmem_shared>>) target_semaphore(%run_scoped3A : memref<!tpu.dma_semaphore, #tpu.memory_space<semaphore_mem>>)
      %dma_wait3A_78 = arith.constant 0 : i32
      %dma_wait3A_79 = tpu.memref_slice %arg19[%mul3A_4, %dma_wait3A_78] : memref<10240x128xf32, #tpu.memory_space<vmem_shared>> -> memref<640x128xf32, #tpu.memory_space<vmem_shared>>
      tpu.wait_dma2 semaphore(%run_scoped3A : memref<!tpu.dma_semaphore, #tpu.memory_space<semaphore_mem>>) src(%arg6 : memref<640x128xf32, #tpu.memory_space<hbm>>) dst(%dma_wait3A_79 : memref<640x128xf32, #tpu.memory_space<vmem_shared>>)
      tpu.yield
    }) : () -> ()
    "tpu.region"() ({
      %run_scoped3A = tpu.sem_alloc : memref<!tpu.dma_semaphore, #tpu.memory_space<semaphore_mem>>
      %dma_start3A_76 = tpu.memref_slice %arg20[%mul3A_4] : memref<10240xf32, #tpu.memory_space<vmem_shared>> -> memref<640xf32, #tpu.memory_space<vmem_shared>>
      tpu.enqueue_dma source(%arg7 : memref<640xf32, #tpu.memory_space<hbm>>) target(%dma_start3A_76 : memref<640xf32, #tpu.memory_space<vmem_shared>>) target_semaphore(%run_scoped3A : memref<!tpu.dma_semaphore, #tpu.memory_space<semaphore_mem>>)
      %dma_wait3A_77 = tpu.memref_slice %arg20[%mul3A_4] : memref<10240xf32, #tpu.memory_space<vmem_shared>> -> memref<640xf32, #tpu.memory_space<vmem_shared>>
      tpu.wait_dma2 semaphore(%run_scoped3A : memref<!tpu.dma_semaphore, #tpu.memory_space<semaphore_mem>>) src(%arg7 : memref<640xf32, #tpu.memory_space<hbm>>) dst(%dma_wait3A_77 : memref<640xf32, #tpu.memory_space<vmem_shared>>)
      tpu.yield
    }) : () -> ()
    "tpu.region"() ({
      %run_scoped3A = tpu.sem_alloc : memref<!tpu.dma_semaphore, #tpu.memory_space<semaphore_mem>>
      %dma_start3A_76 = tpu.memref_slice %arg21[%mul3A_4] : memref<10240xf32, #tpu.memory_space<vmem_shared>> -> memref<640xf32, #tpu.memory_space<vmem_shared>>
      tpu.enqueue_dma source(%arg7 : memref<640xf32, #tpu.memory_space<hbm>>) target(%dma_start3A_76 : memref<640xf32, #tpu.memory_space<vmem_shared>>) target_semaphore(%run_scoped3A : memref<!tpu.dma_semaphore, #tpu.memory_space<semaphore_mem>>)
      %dma_wait3A_77 = tpu.memref_slice %arg21[%mul3A_4] : memref<10240xf32, #tpu.memory_space<vmem_shared>> -> memref<640xf32, #tpu.memory_space<vmem_shared>>
      tpu.wait_dma2 semaphore(%run_scoped3A : memref<!tpu.dma_semaphore, #tpu.memory_space<semaphore_mem>>) src(%arg7 : memref<640xf32, #tpu.memory_space<hbm>>) dst(%dma_wait3A_77 : memref<640xf32, #tpu.memory_space<vmem_shared>>)
      tpu.yield
    }) : () -> ()
    %barrier3A = arith.constant 0 : index
    tpu.barrier barrier_id(%barrier3A)
    %add3A_5 = arith.constant 0 : i32
    %add3A_6 = arith.addi %mul3A_2, %add3A_5 : i32
    %dma_start3A = tpu.memref_slice %arg5[%add3A_6] : memref<320000xi32, #tpu.memory_space<hbm>> -> memref<80xi32, #tpu.memory_space<hbm>>
    %dma_start3A_7 = tpu.memref_slice %arg5[%add3A_6] : memref<320000xi32, #tpu.memory_space<hbm>> -> memref<80xi32, #tpu.memory_space<hbm>>
    tpu.enqueue_dma source(%dma_start3A_7 : memref<80xi32, #tpu.memory_space<hbm>>) target(%arg11 : memref<80xi32, #tpu.memory_space<vmem>>) target_semaphore(%arg26 : memref<!tpu.dma_semaphore, #tpu.memory_space<semaphore_mem>>)
    %add3A_8 = arith.constant 0 : i32
    %add3A_9 = arith.addi %mul3A_2, %add3A_8 : i32
    %dma_wait3A = tpu.memref_slice %arg5[%add3A_9] : memref<320000xi32, #tpu.memory_space<hbm>> -> memref<80xi32, #tpu.memory_space<hbm>>
    %dma_wait3A_10 = tpu.memref_slice %arg5[%add3A_9] : memref<320000xi32, #tpu.memory_space<hbm>> -> memref<80xi32, #tpu.memory_space<hbm>>
    tpu.wait_dma2 semaphore(%arg26 : memref<!tpu.dma_semaphore, #tpu.memory_space<semaphore_mem>>) src(%dma_wait3A_10 : memref<80xi32, #tpu.memory_space<hbm>>) dst(%arg11 : memref<80xi32, #tpu.memory_space<vmem>>)
    %add3A_11 = arith.constant 0 : i32
    %add3A_12 = arith.addi %mul3A_2, %add3A_11 : i32
    %dma_start3A_13 = arith.constant 0 : i32
    %dma_start3A_14 = tpu.memref_slice %arg2[%add3A_12, %dma_start3A_13] : memref<320000x128xf32, #tpu.memory_space<hbm>> -> memref<80x128xf32, #tpu.memory_space<hbm>>
    %dma_start3A_15 = arith.constant 0 : i32
    %dma_start3A_16 = tpu.memref_slice %arg2[%add3A_12, %dma_start3A_15] : memref<320000x128xf32, #tpu.memory_space<hbm>> -> memref<80x128xf32, #tpu.memory_space<hbm>>
    tpu.enqueue_dma source(%dma_start3A_16 : memref<80x128xf32, #tpu.memory_space<hbm>>) target(%arg13 : memref<80x128xf32, #tpu.memory_space<vmem>>) target_semaphore(%arg22 : memref<!tpu.dma_semaphore, #tpu.memory_space<semaphore_mem>>)
    %dma_start3A_17 = tpu.memref_slice %arg3[%add3A_12] : memref<320000xf32, #tpu.memory_space<hbm>> -> memref<80xf32, #tpu.memory_space<hbm>>
    %dma_start3A_18 = tpu.memref_slice %arg3[%add3A_12] : memref<320000xf32, #tpu.memory_space<hbm>> -> memref<80xf32, #tpu.memory_space<hbm>>
    tpu.enqueue_dma source(%dma_start3A_18 : memref<80xf32, #tpu.memory_space<hbm>>) target(%arg15 : memref<80xf32, #tpu.memory_space<vmem>>) target_semaphore(%arg22 : memref<!tpu.dma_semaphore, #tpu.memory_space<semaphore_mem>>)
    %dma_start3A_19 = tpu.memref_slice %arg4[%add3A_12] : memref<320000xf32, #tpu.memory_space<hbm>> -> memref<80xf32, #tpu.memory_space<hbm>>
    %dma_start3A_20 = tpu.memref_slice %arg4[%add3A_12] : memref<320000xf32, #tpu.memory_space<hbm>> -> memref<80xf32, #tpu.memory_space<hbm>>
    tpu.enqueue_dma source(%dma_start3A_20 : memref<80xf32, #tpu.memory_space<hbm>>) target(%arg17 : memref<80xf32, #tpu.memory_space<vmem>>) target_semaphore(%arg22 : memref<!tpu.dma_semaphore, #tpu.memory_space<semaphore_mem>>)
    %add3A_21 = arith.constant 80 : i32
    %add3A_22 = arith.addi %mul3A_2, %add3A_21 : i32
    %dma_start3A_23 = tpu.memref_slice %arg5[%add3A_22] : memref<320000xi32, #tpu.memory_space<hbm>> -> memref<80xi32, #tpu.memory_space<hbm>>
    %dma_start3A_24 = tpu.memref_slice %arg5[%add3A_22] : memref<320000xi32, #tpu.memory_space<hbm>> -> memref<80xi32, #tpu.memory_space<hbm>>
    tpu.enqueue_dma source(%dma_start3A_24 : memref<80xi32, #tpu.memory_space<hbm>>) target(%arg12 : memref<80xi32, #tpu.memory_space<vmem>>) target_semaphore(%arg27 : memref<!tpu.dma_semaphore, #tpu.memory_space<semaphore_mem>>)
    %add3A_25 = arith.constant 80 : i32
    %add3A_26 = arith.addi %mul3A_2, %add3A_25 : i32
    %dma_wait3A_27 = tpu.memref_slice %arg5[%add3A_26] : memref<320000xi32, #tpu.memory_space<hbm>> -> memref<80xi32, #tpu.memory_space<hbm>>
    %dma_wait3A_28 = tpu.memref_slice %arg5[%add3A_26] : memref<320000xi32, #tpu.memory_space<hbm>> -> memref<80xi32, #tpu.memory_space<hbm>>
    tpu.wait_dma2 semaphore(%arg27 : memref<!tpu.dma_semaphore, #tpu.memory_space<semaphore_mem>>) src(%dma_wait3A_28 : memref<80xi32, #tpu.memory_space<hbm>>) dst(%arg12 : memref<80xi32, #tpu.memory_space<vmem>>)
    %add3A_29 = arith.constant 80 : i32
    %add3A_30 = arith.addi %mul3A_2, %add3A_29 : i32
    %dma_start3A_31 = arith.constant 0 : i32
    %dma_start3A_32 = tpu.memref_slice %arg2[%add3A_30, %dma_start3A_31] : memref<320000x128xf32, #tpu.memory_space<hbm>> -> memref<80x128xf32, #tpu.memory_space<hbm>>
    %dma_start3A_33 = arith.constant 0 : i32
    %dma_start3A_34 = tpu.memref_slice %arg2[%add3A_30, %dma_start3A_33] : memref<320000x128xf32, #tpu.memory_space<hbm>> -> memref<80x128xf32, #tpu.memory_space<hbm>>
    tpu.enqueue_dma source(%dma_start3A_34 : memref<80x128xf32, #tpu.memory_space<hbm>>) target(%arg14 : memref<80x128xf32, #tpu.memory_space<vmem>>) target_semaphore(%arg23 : memref<!tpu.dma_semaphore, #tpu.memory_space<semaphore_mem>>)
    %dma_start3A_35 = tpu.memref_slice %arg3[%add3A_30] : memref<320000xf32, #tpu.memory_space<hbm>> -> memref<80xf32, #tpu.memory_space<hbm>>
    %dma_start3A_36 = tpu.memref_slice %arg3[%add3A_30] : memref<320000xf32, #tpu.memory_space<hbm>> -> memref<80xf32, #tpu.memory_space<hbm>>
    tpu.enqueue_dma source(%dma_start3A_36 : memref<80xf32, #tpu.memory_space<hbm>>) target(%arg16 : memref<80xf32, #tpu.memory_space<vmem>>) target_semaphore(%arg23 : memref<!tpu.dma_semaphore, #tpu.memory_space<semaphore_mem>>)
    %dma_start3A_37 = tpu.memref_slice %arg4[%add3A_30] : memref<320000xf32, #tpu.memory_space<hbm>> -> memref<80xf32, #tpu.memory_space<hbm>>
    %dma_start3A_38 = tpu.memref_slice %arg4[%add3A_30] : memref<320000xf32, #tpu.memory_space<hbm>> -> memref<80xf32, #tpu.memory_space<hbm>>
    tpu.enqueue_dma source(%dma_start3A_38 : memref<80xf32, #tpu.memory_space<hbm>>) target(%arg18 : memref<80xf32, #tpu.memory_space<vmem>>) target_semaphore(%arg23 : memref<!tpu.dma_semaphore, #tpu.memory_space<semaphore_mem>>)
    %scan3A = arith.constant 0 : i32
    %scan3A_39 = arith.constant 0 : i32
    %scan3A_40 = arith.constant 62 : i32
    %scan3A_41 = arith.addi %scan3A_39, %scan3A_40 : i32
    %scan3A_42 = arith.constant 1 : i32
    scf.for %scan3A_76 = %scan3A_39 to %scan3A_41 step %scan3A_42  : i32 {
      %mul3A_77 = arith.constant 2 : i32
      %mul3A_78 = arith.muli %mul3A_77, %scan3A_76 : i32
      %add3A_79 = arith.constant 0 : i32
      %add3A_80 = arith.addi %mul3A_78, %add3A_79 : i32
      %mul3A_81 = arith.constant 80 : i32
      %mul3A_82 = arith.muli %add3A_80, %mul3A_81 : i32
      %add3A_83 = arith.addi %mul3A_2, %mul3A_82 : i32
      %dma_wait3A_84 = arith.constant 0 : i32
      %dma_wait3A_85 = tpu.memref_slice %arg2[%add3A_83, %dma_wait3A_84] : memref<320000x128xf32, #tpu.memory_space<hbm>> -> memref<80x128xf32, #tpu.memory_space<hbm>>
      %dma_wait3A_86 = arith.constant 0 : i32
      %dma_wait3A_87 = tpu.memref_slice %arg2[%add3A_83, %dma_wait3A_86] : memref<320000x128xf32, #tpu.memory_space<hbm>> -> memref<80x128xf32, #tpu.memory_space<hbm>>
      tpu.wait_dma2 semaphore(%arg22 : memref<!tpu.dma_semaphore, #tpu.memory_space<semaphore_mem>>) src(%dma_wait3A_87 : memref<80x128xf32, #tpu.memory_space<hbm>>) dst(%arg13 : memref<80x128xf32, #tpu.memory_space<vmem>>)
      %dma_wait3A_88 = tpu.memref_slice %arg3[%add3A_83] : memref<320000xf32, #tpu.memory_space<hbm>> -> memref<80xf32, #tpu.memory_space<hbm>>
      %dma_wait3A_89 = tpu.memref_slice %arg3[%add3A_83] : memref<320000xf32, #tpu.memory_space<hbm>> -> memref<80xf32, #tpu.memory_space<hbm>>
      tpu.wait_dma2 semaphore(%arg22 : memref<!tpu.dma_semaphore, #tpu.memory_space<semaphore_mem>>) src(%dma_wait3A_89 : memref<80xf32, #tpu.memory_space<hbm>>) dst(%arg15 : memref<80xf32, #tpu.memory_space<vmem>>)
      %dma_wait3A_90 = tpu.memref_slice %arg4[%add3A_83] : memref<320000xf32, #tpu.memory_space<hbm>> -> memref<80xf32, #tpu.memory_space<hbm>>
      %dma_wait3A_91 = tpu.memref_slice %arg4[%add3A_83] : memref<320000xf32, #tpu.memory_space<hbm>> -> memref<80xf32, #tpu.memory_space<hbm>>
      tpu.wait_dma2 semaphore(%arg22 : memref<!tpu.dma_semaphore, #tpu.memory_space<semaphore_mem>>) src(%dma_wait3A_91 : memref<80xf32, #tpu.memory_space<hbm>>) dst(%arg17 : memref<80xf32, #tpu.memory_space<vmem>>)
      %dma_start3A_92 = arith.constant 0 : i32
      %dma_start3A_93 = arith.constant 0 : i32
      %dma_start3A_94 = tpu.memref_slice %arg19[%dma_start3A_92, %dma_start3A_93] : memref<10240x128xf32, #tpu.memory_space<vmem_shared>> -> memref<10240x128xf32, #tpu.memory_space<vmem_shared>>
      tpu.enqueue_indirect_dma source(%arg13 : memref<80x128xf32, #tpu.memory_space<vmem>>) target(%dma_start3A_94 : memref<10240x128xf32, #tpu.memory_space<vmem_shared>>) offsets(%arg11 : memref<80xi32, #tpu.memory_space<vmem>>) semaphore(%arg24 : memref<!tpu.dma_semaphore, #tpu.memory_space<semaphore_mem>>) {add = true}
      %dma_start3A_95 = arith.constant 0 : i32
      %dma_start3A_96 = tpu.memref_slice %arg20[%dma_start3A_95] : memref<10240xf32, #tpu.memory_space<vmem_shared>> -> memref<10240xf32, #tpu.memory_space<vmem_shared>>
      tpu.enqueue_indirect_dma source(%arg15 : memref<80xf32, #tpu.memory_space<vmem>>) target(%dma_start3A_96 : memref<10240xf32, #tpu.memory_space<vmem_shared>>) offsets(%arg11 : memref<80xi32, #tpu.memory_space<vmem>>) semaphore(%arg24 : memref<!tpu.dma_semaphore, #tpu.memory_space<semaphore_mem>>) {add = true}
      %dma_start3A_97 = arith.constant 0 : i32
      %dma_start3A_98 = tpu.memref_slice %arg21[%dma_start3A_97] : memref<10240xf32, #tpu.memory_space<vmem_shared>> -> memref<10240xf32, #tpu.memory_space<vmem_shared>>
      tpu.enqueue_indirect_dma source(%arg17 : memref<80xf32, #tpu.memory_space<vmem>>) target(%dma_start3A_98 : memref<10240xf32, #tpu.memory_space<vmem_shared>>) offsets(%arg11 : memref<80xi32, #tpu.memory_space<vmem>>) semaphore(%arg24 : memref<!tpu.dma_semaphore, #tpu.memory_space<semaphore_mem>>) {add = true}
      %dma_wait3A_99 = arith.constant 0 : i32
      %dma_wait3A_100 = arith.constant 0 : i32
      %dma_wait3A_101 = tpu.memref_slice %arg19[%dma_wait3A_99, %dma_wait3A_100] : memref<10240x128xf32, #tpu.memory_space<vmem_shared>> -> memref<10240x128xf32, #tpu.memory_space<vmem_shared>>
      tpu.wait_indirect_dma semaphore(%arg24 : memref<!tpu.dma_semaphore, #tpu.memory_space<semaphore_mem>>) src(%arg13 : memref<80x128xf32, #tpu.memory_space<vmem>>) dst(%dma_wait3A_101 : memref<10240x128xf32, #tpu.memory_space<vmem_shared>>)
      %dma_wait3A_102 = arith.constant 0 : i32
      %dma_wait3A_103 = tpu.memref_slice %arg20[%dma_wait3A_102] : memref<10240xf32, #tpu.memory_space<vmem_shared>> -> memref<10240xf32, #tpu.memory_space<vmem_shared>>
      tpu.wait_indirect_dma semaphore(%arg24 : memref<!tpu.dma_semaphore, #tpu.memory_space<semaphore_mem>>) src(%arg15 : memref<80xf32, #tpu.memory_space<vmem>>) dst(%dma_wait3A_103 : memref<10240xf32, #tpu.memory_space<vmem_shared>>)
      %dma_wait3A_104 = arith.constant 0 : i32
      %dma_wait3A_105 = tpu.memref_slice %arg21[%dma_wait3A_104] : memref<10240xf32, #tpu.memory_space<vmem_shared>> -> memref<10240xf32, #tpu.memory_space<vmem_shared>>
      tpu.wait_indirect_dma semaphore(%arg24 : memref<!tpu.dma_semaphore, #tpu.memory_space<semaphore_mem>>) src(%arg17 : memref<80xf32, #tpu.memory_space<vmem>>) dst(%dma_wait3A_105 : memref<10240xf32, #tpu.memory_space<vmem_shared>>)
      %add3A_106 = arith.constant 2 : i32
      %add3A_107 = arith.addi %add3A_80, %add3A_106 : i32
      %mul3A_108 = arith.constant 80 : i32
      %mul3A_109 = arith.muli %add3A_107, %mul3A_108 : i32
      %add3A_110 = arith.addi %mul3A_2, %mul3A_109 : i32
      %dma_start3A_111 = tpu.memref_slice %arg5[%add3A_110] : memref<320000xi32, #tpu.memory_space<hbm>> -> memref<80xi32, #tpu.memory_space<hbm>>
      %dma_start3A_112 = tpu.memref_slice %arg5[%add3A_110] : memref<320000xi32, #tpu.memory_space<hbm>> -> memref<80xi32, #tpu.memory_space<hbm>>
      tpu.enqueue_dma source(%dma_start3A_112 : memref<80xi32, #tpu.memory_space<hbm>>) target(%arg11 : memref<80xi32, #tpu.memory_space<vmem>>) target_semaphore(%arg26 : memref<!tpu.dma_semaphore, #tpu.memory_space<semaphore_mem>>)
      %mul3A_113 = arith.constant 80 : i32
      %mul3A_114 = arith.muli %add3A_107, %mul3A_113 : i32
      %add3A_115 = arith.addi %mul3A_2, %mul3A_114 : i32
      %dma_wait3A_116 = tpu.memref_slice %arg5[%add3A_115] : memref<320000xi32, #tpu.memory_space<hbm>> -> memref<80xi32, #tpu.memory_space<hbm>>
      %dma_wait3A_117 = tpu.memref_slice %arg5[%add3A_115] : memref<320000xi32, #tpu.memory_space<hbm>> -> memref<80xi32, #tpu.memory_space<hbm>>
      tpu.wait_dma2 semaphore(%arg26 : memref<!tpu.dma_semaphore, #tpu.memory_space<semaphore_mem>>) src(%dma_wait3A_117 : memref<80xi32, #tpu.memory_space<hbm>>) dst(%arg11 : memref<80xi32, #tpu.memory_space<vmem>>)
      %mul3A_118 = arith.constant 80 : i32
      %mul3A_119 = arith.muli %add3A_107, %mul3A_118 : i32
      %add3A_120 = arith.addi %mul3A_2, %mul3A_119 : i32
      %dma_start3A_121 = arith.constant 0 : i32
      %dma_start3A_122 = tpu.memref_slice %arg2[%add3A_120, %dma_start3A_121] : memref<320000x128xf32, #tpu.memory_space<hbm>> -> memref<80x128xf32, #tpu.memory_space<hbm>>
      %dma_start3A_123 = arith.constant 0 : i32
      %dma_start3A_124 = tpu.memref_slice %arg2[%add3A_120, %dma_start3A_123] : memref<320000x128xf32, #tpu.memory_space<hbm>> -> memref<80x128xf32, #tpu.memory_space<hbm>>
      tpu.enqueue_dma source(%dma_start3A_124 : memref<80x128xf32, #tpu.memory_space<hbm>>) target(%arg13 : memref<80x128xf32, #tpu.memory_space<vmem>>) target_semaphore(%arg22 : memref<!tpu.dma_semaphore, #tpu.memory_space<semaphore_mem>>)
      %dma_start3A_125 = tpu.memref_slice %arg3[%add3A_120] : memref<320000xf32, #tpu.memory_space<hbm>> -> memref<80xf32, #tpu.memory_space<hbm>>
      %dma_start3A_126 = tpu.memref_slice %arg3[%add3A_120] : memref<320000xf32, #tpu.memory_space<hbm>> -> memref<80xf32, #tpu.memory_space<hbm>>
      tpu.enqueue_dma source(%dma_start3A_126 : memref<80xf32, #tpu.memory_space<hbm>>) target(%arg15 : memref<80xf32, #tpu.memory_space<vmem>>) target_semaphore(%arg22 : memref<!tpu.dma_semaphore, #tpu.memory_space<semaphore_mem>>)
      %dma_start3A_127 = tpu.memref_slice %arg4[%add3A_120] : memref<320000xf32, #tpu.memory_space<hbm>> -> memref<80xf32, #tpu.memory_space<hbm>>
      %dma_start3A_128 = tpu.memref_slice %arg4[%add3A_120] : memref<320000xf32, #tpu.memory_space<hbm>> -> memref<80xf32, #tpu.memory_space<hbm>>
      tpu.enqueue_dma source(%dma_start3A_128 : memref<80xf32, #tpu.memory_space<hbm>>) target(%arg17 : memref<80xf32, #tpu.memory_space<vmem>>) target_semaphore(%arg22 : memref<!tpu.dma_semaphore, #tpu.memory_space<semaphore_mem>>)
      %mul3A_129 = arith.constant 2 : i32
      %mul3A_130 = arith.muli %mul3A_129, %scan3A_76 : i32
      %add3A_131 = arith.constant 1 : i32
      %add3A_132 = arith.addi %mul3A_130, %add3A_131 : i32
      %mul3A_133 = arith.constant 80 : i32
      %mul3A_134 = arith.muli %add3A_132, %mul3A_133 : i32
      %add3A_135 = arith.addi %mul3A_2, %mul3A_134 : i32
      %dma_wait3A_136 = arith.constant 0 : i32
      %dma_wait3A_137 = tpu.memref_slice %arg2[%add3A_135, %dma_wait3A_136] : memref<320000x128xf32, #tpu.memory_space<hbm>> -> memref<80x128xf32, #tpu.memory_space<hbm>>
      %dma_wait3A_138 = arith.constant 0 : i32
      %dma_wait3A_139 = tpu.memref_slice %arg2[%add3A_135, %dma_wait3A_138] : memref<320000x128xf32, #tpu.memory_space<hbm>> -> memref<80x128xf32, #tpu.memory_space<hbm>>
      tpu.wait_dma2 semaphore(%arg23 : memref<!tpu.dma_semaphore, #tpu.memory_space<semaphore_mem>>) src(%dma_wait3A_139 : memref<80x128xf32, #tpu.memory_space<hbm>>) dst(%arg14 : memref<80x128xf32, #tpu.memory_space<vmem>>)
      %dma_wait3A_140 = tpu.memref_slice %arg3[%add3A_135] : memref<320000xf32, #tpu.memory_space<hbm>> -> memref<80xf32, #tpu.memory_space<hbm>>
      %dma_wait3A_141 = tpu.memref_slice %arg3[%add3A_135] : memref<320000xf32, #tpu.memory_space<hbm>> -> memref<80xf32, #tpu.memory_space<hbm>>
      tpu.wait_dma2 semaphore(%arg23 : memref<!tpu.dma_semaphore, #tpu.memory_space<semaphore_mem>>) src(%dma_wait3A_141 : memref<80xf32, #tpu.memory_space<hbm>>) dst(%arg16 : memref<80xf32, #tpu.memory_space<vmem>>)
      %dma_wait3A_142 = tpu.memref_slice %arg4[%add3A_135] : memref<320000xf32, #tpu.memory_space<hbm>> -> memref<80xf32, #tpu.memory_space<hbm>>
      %dma_wait3A_143 = tpu.memref_slice %arg4[%add3A_135] : memref<320000xf32, #tpu.memory_space<hbm>> -> memref<80xf32, #tpu.memory_space<hbm>>
      tpu.wait_dma2 semaphore(%arg23 : memref<!tpu.dma_semaphore, #tpu.memory_space<semaphore_mem>>) src(%dma_wait3A_143 : memref<80xf32, #tpu.memory_space<hbm>>) dst(%arg18 : memref<80xf32, #tpu.memory_space<vmem>>)
      %dma_start3A_144 = arith.constant 0 : i32
      %dma_start3A_145 = arith.constant 0 : i32
      %dma_start3A_146 = tpu.memref_slice %arg19[%dma_start3A_144, %dma_start3A_145] : memref<10240x128xf32, #tpu.memory_space<vmem_shared>> -> memref<10240x128xf32, #tpu.memory_space<vmem_shared>>
      tpu.enqueue_indirect_dma source(%arg14 : memref<80x128xf32, #tpu.memory_space<vmem>>) target(%dma_start3A_146 : memref<10240x128xf32, #tpu.memory_space<vmem_shared>>) offsets(%arg12 : memref<80xi32, #tpu.memory_space<vmem>>) semaphore(%arg25 : memref<!tpu.dma_semaphore, #tpu.memory_space<semaphore_mem>>) {add = true}
      %dma_start3A_147 = arith.constant 0 : i32
      %dma_start3A_148 = tpu.memref_slice %arg20[%dma_start3A_147] : memref<10240xf32, #tpu.memory_space<vmem_shared>> -> memref<10240xf32, #tpu.memory_space<vmem_shared>>
      tpu.enqueue_indirect_dma source(%arg16 : memref<80xf32, #tpu.memory_space<vmem>>) target(%dma_start3A_148 : memref<10240xf32, #tpu.memory_space<vmem_shared>>) offsets(%arg12 : memref<80xi32, #tpu.memory_space<vmem>>) semaphore(%arg25 : memref<!tpu.dma_semaphore, #tpu.memory_space<semaphore_mem>>) {add = true}
      %dma_start3A_149 = arith.constant 0 : i32
      %dma_start3A_150 = tpu.memref_slice %arg21[%dma_start3A_149] : memref<10240xf32, #tpu.memory_space<vmem_shared>> -> memref<10240xf32, #tpu.memory_space<vmem_shared>>
      tpu.enqueue_indirect_dma source(%arg18 : memref<80xf32, #tpu.memory_space<vmem>>) target(%dma_start3A_150 : memref<10240xf32, #tpu.memory_space<vmem_shared>>) offsets(%arg12 : memref<80xi32, #tpu.memory_space<vmem>>) semaphore(%arg25 : memref<!tpu.dma_semaphore, #tpu.memory_space<semaphore_mem>>) {add = true}
      %lt3A = arith.constant 61 : i32
      %lt3A_151 = arith.cmpi slt, %scan3A_76, %lt3A : i32
      %convert_element_type3A = arith.extui %lt3A_151 : i1 to i32
      %cond3A = arith.constant 0 : i32
      %cond3A_152 = arith.cmpi ne, %convert_element_type3A, %cond3A : i32
      scf.if %cond3A_152 {
        %dma_wait3A_153 = arith.constant 0 : i32
        %dma_wait3A_154 = arith.constant 0 : i32
        %dma_wait3A_155 = tpu.memref_slice %arg19[%dma_wait3A_153, %dma_wait3A_154] : memref<10240x128xf32, #tpu.memory_space<vmem_shared>> -> memref<10240x128xf32, #tpu.memory_space<vmem_shared>>
        tpu.wait_indirect_dma semaphore(%arg25 : memref<!tpu.dma_semaphore, #tpu.memory_space<semaphore_mem>>) src(%arg14 : memref<80x128xf32, #tpu.memory_space<vmem>>) dst(%dma_wait3A_155 : memref<10240x128xf32, #tpu.memory_space<vmem_shared>>)
        %dma_wait3A_156 = arith.constant 0 : i32
        %dma_wait3A_157 = tpu.memref_slice %arg20[%dma_wait3A_156] : memref<10240xf32, #tpu.memory_space<vmem_shared>> -> memref<10240xf32, #tpu.memory_space<vmem_shared>>
        tpu.wait_indirect_dma semaphore(%arg25 : memref<!tpu.dma_semaphore, #tpu.memory_space<semaphore_mem>>) src(%arg16 : memref<80xf32, #tpu.memory_space<vmem>>) dst(%dma_wait3A_157 : memref<10240xf32, #tpu.memory_space<vmem_shared>>)
        %dma_wait3A_158 = arith.constant 0 : i32
        %dma_wait3A_159 = tpu.memref_slice %arg21[%dma_wait3A_158] : memref<10240xf32, #tpu.memory_space<vmem_shared>> -> memref<10240xf32, #tpu.memory_space<vmem_shared>>
        tpu.wait_indirect_dma semaphore(%arg25 : memref<!tpu.dma_semaphore, #tpu.memory_space<semaphore_mem>>) src(%arg18 : memref<80xf32, #tpu.memory_space<vmem>>) dst(%dma_wait3A_159 : memref<10240xf32, #tpu.memory_space<vmem_shared>>)
        %add3A_160 = arith.constant 2 : i32
        %add3A_161 = arith.addi %add3A_132, %add3A_160 : i32
        %mul3A_162 = arith.constant 80 : i32
        %mul3A_163 = arith.muli %add3A_161, %mul3A_162 : i32
        %add3A_164 = arith.addi %mul3A_2, %mul3A_163 : i32
        %dma_start3A_165 = tpu.memref_slice %arg5[%add3A_164] : memref<320000xi32, #tpu.memory_space<hbm>> -> memref<80xi32, #tpu.memory_space<hbm>>
        %dma_start3A_166 = tpu.memref_slice %arg5[%add3A_164] : memref<320000xi32, #tpu.memory_space<hbm>> -> memref<80xi32, #tpu.memory_space<hbm>>
        tpu.enqueue_dma source(%dma_start3A_166 : memref<80xi32, #tpu.memory_space<hbm>>) target(%arg12 : memref<80xi32, #tpu.memory_space<vmem>>) target_semaphore(%arg27 : memref<!tpu.dma_semaphore, #tpu.memory_space<semaphore_mem>>)
        %mul3A_167 = arith.constant 80 : i32
        %mul3A_168 = arith.muli %add3A_161, %mul3A_167 : i32
        %add3A_169 = arith.addi %mul3A_2, %mul3A_168 : i32
        %dma_wait3A_170 = tpu.memref_slice %arg5[%add3A_169] : memref<320000xi32, #tpu.memory_space<hbm>> -> memref<80xi32, #tpu.memory_space<hbm>>
        %dma_wait3A_171 = tpu.memref_slice %arg5[%add3A_169] : memref<320000xi32, #tpu.memory_space<hbm>> -> memref<80xi32, #tpu.memory_space<hbm>>
        tpu.wait_dma2 semaphore(%arg27 : memref<!tpu.dma_semaphore, #tpu.memory_space<semaphore_mem>>) src(%dma_wait3A_171 : memref<80xi32, #tpu.memory_space<hbm>>) dst(%arg12 : memref<80xi32, #tpu.memory_space<vmem>>)
        %mul3A_172 = arith.constant 80 : i32
        %mul3A_173 = arith.muli %add3A_161, %mul3A_172 : i32
        %add3A_174 = arith.addi %mul3A_2, %mul3A_173 : i32
        %dma_start3A_175 = arith.constant 0 : i32
        %dma_start3A_176 = tpu.memref_slice %arg2[%add3A_174, %dma_start3A_175] : memref<320000x128xf32, #tpu.memory_space<hbm>> -> memref<80x128xf32, #tpu.memory_space<hbm>>
        %dma_start3A_177 = arith.constant 0 : i32
        %dma_start3A_178 = tpu.memref_slice %arg2[%add3A_174, %dma_start3A_177] : memref<320000x128xf32, #tpu.memory_space<hbm>> -> memref<80x128xf32, #tpu.memory_space<hbm>>
        tpu.enqueue_dma source(%dma_start3A_178 : memref<80x128xf32, #tpu.memory_space<hbm>>) target(%arg14 : memref<80x128xf32, #tpu.memory_space<vmem>>) target_semaphore(%arg23 : memref<!tpu.dma_semaphore, #tpu.memory_space<semaphore_mem>>)
        %dma_start3A_179 = tpu.memref_slice %arg3[%add3A_174] : memref<320000xf32, #tpu.memory_space<hbm>> -> memref<80xf32, #tpu.memory_space<hbm>>
        %dma_start3A_180 = tpu.memref_slice %arg3[%add3A_174] : memref<320000xf32, #tpu.memory_space<hbm>> -> memref<80xf32, #tpu.memory_space<hbm>>
        tpu.enqueue_dma source(%dma_start3A_180 : memref<80xf32, #tpu.memory_space<hbm>>) target(%arg16 : memref<80xf32, #tpu.memory_space<vmem>>) target_semaphore(%arg23 : memref<!tpu.dma_semaphore, #tpu.memory_space<semaphore_mem>>)
        %dma_start3A_181 = tpu.memref_slice %arg4[%add3A_174] : memref<320000xf32, #tpu.memory_space<hbm>> -> memref<80xf32, #tpu.memory_space<hbm>>
        %dma_start3A_182 = tpu.memref_slice %arg4[%add3A_174] : memref<320000xf32, #tpu.memory_space<hbm>> -> memref<80xf32, #tpu.memory_space<hbm>>
        tpu.enqueue_dma source(%dma_start3A_182 : memref<80xf32, #tpu.memory_space<hbm>>) target(%arg18 : memref<80xf32, #tpu.memory_space<vmem>>) target_semaphore(%arg23 : memref<!tpu.dma_semaphore, #tpu.memory_space<semaphore_mem>>)
      } else {
      }
    }
    %scan3A_43 = arith.constant 62 : i32
    %add3A_44 = arith.constant 9920 : i32
    %add3A_45 = arith.addi %mul3A_2, %add3A_44 : i32
    %dma_wait3A_46 = arith.constant 0 : i32
    %dma_wait3A_47 = tpu.memref_slice %arg2[%add3A_45, %dma_wait3A_46] : memref<320000x128xf32, #tpu.memory_space<hbm>> -> memref<80x128xf32, #tpu.memory_space<hbm>>
    %dma_wait3A_48 = arith.constant 0 : i32
    %dma_wait3A_49 = tpu.memref_slice %arg2[%add3A_45, %dma_wait3A_48] : memref<320000x128xf32, #tpu.memory_space<hbm>> -> memref<80x128xf32, #tpu.memory_space<hbm>>
    tpu.wait_dma2 semaphore(%arg22 : memref<!tpu.dma_semaphore, #tpu.memory_space<semaphore_mem>>) src(%dma_wait3A_49 : memref<80x128xf32, #tpu.memory_space<hbm>>) dst(%arg13 : memref<80x128xf32, #tpu.memory_space<vmem>>)
    %dma_wait3A_50 = tpu.memref_slice %arg3[%add3A_45] : memref<320000xf32, #tpu.memory_space<hbm>> -> memref<80xf32, #tpu.memory_space<hbm>>
    %dma_wait3A_51 = tpu.memref_slice %arg3[%add3A_45] : memref<320000xf32, #tpu.memory_space<hbm>> -> memref<80xf32, #tpu.memory_space<hbm>>
    tpu.wait_dma2 semaphore(%arg22 : memref<!tpu.dma_semaphore, #tpu.memory_space<semaphore_mem>>) src(%dma_wait3A_51 : memref<80xf32, #tpu.memory_space<hbm>>) dst(%arg15 : memref<80xf32, #tpu.memory_space<vmem>>)
    %dma_wait3A_52 = tpu.memref_slice %arg4[%add3A_45] : memref<320000xf32, #tpu.memory_space<hbm>> -> memref<80xf32, #tpu.memory_space<hbm>>
    %dma_wait3A_53 = tpu.memref_slice %arg4[%add3A_45] : memref<320000xf32, #tpu.memory_space<hbm>> -> memref<80xf32, #tpu.memory_space<hbm>>
    tpu.wait_dma2 semaphore(%arg22 : memref<!tpu.dma_semaphore, #tpu.memory_space<semaphore_mem>>) src(%dma_wait3A_53 : memref<80xf32, #tpu.memory_space<hbm>>) dst(%arg17 : memref<80xf32, #tpu.memory_space<vmem>>)
    %dma_start3A_54 = arith.constant 0 : i32
    %dma_start3A_55 = arith.constant 0 : i32
    %dma_start3A_56 = tpu.memref_slice %arg19[%dma_start3A_54, %dma_start3A_55] : memref<10240x128xf32, #tpu.memory_space<vmem_shared>> -> memref<10240x128xf32, #tpu.memory_space<vmem_shared>>
    tpu.enqueue_indirect_dma source(%arg13 : memref<80x128xf32, #tpu.memory_space<vmem>>) target(%dma_start3A_56 : memref<10240x128xf32, #tpu.memory_space<vmem_shared>>) offsets(%arg11 : memref<80xi32, #tpu.memory_space<vmem>>) semaphore(%arg24 : memref<!tpu.dma_semaphore, #tpu.memory_space<semaphore_mem>>) {add = true}
    %dma_start3A_57 = arith.constant 0 : i32
    %dma_start3A_58 = tpu.memref_slice %arg20[%dma_start3A_57] : memref<10240xf32, #tpu.memory_space<vmem_shared>> -> memref<10240xf32, #tpu.memory_space<vmem_shared>>
    tpu.enqueue_indirect_dma source(%arg15 : memref<80xf32, #tpu.memory_space<vmem>>) target(%dma_start3A_58 : memref<10240xf32, #tpu.memory_space<vmem_shared>>) offsets(%arg11 : memref<80xi32, #tpu.memory_space<vmem>>) semaphore(%arg24 : memref<!tpu.dma_semaphore, #tpu.memory_space<semaphore_mem>>) {add = true}
    %dma_start3A_59 = arith.constant 0 : i32
    %dma_start3A_60 = tpu.memref_slice %arg21[%dma_start3A_59] : memref<10240xf32, #tpu.memory_space<vmem_shared>> -> memref<10240xf32, #tpu.memory_space<vmem_shared>>
    tpu.enqueue_indirect_dma source(%arg17 : memref<80xf32, #tpu.memory_space<vmem>>) target(%dma_start3A_60 : memref<10240xf32, #tpu.memory_space<vmem_shared>>) offsets(%arg11 : memref<80xi32, #tpu.memory_space<vmem>>) semaphore(%arg24 : memref<!tpu.dma_semaphore, #tpu.memory_space<semaphore_mem>>) {add = true}
    %dma_wait3A_61 = arith.constant 0 : i32
    %dma_wait3A_62 = arith.constant 0 : i32
    %dma_wait3A_63 = tpu.memref_slice %arg19[%dma_wait3A_61, %dma_wait3A_62] : memref<10240x128xf32, #tpu.memory_space<vmem_shared>> -> memref<10240x128xf32, #tpu.memory_space<vmem_shared>>
    tpu.wait_indirect_dma semaphore(%arg24 : memref<!tpu.dma_semaphore, #tpu.memory_space<semaphore_mem>>) src(%arg13 : memref<80x128xf32, #tpu.memory_space<vmem>>) dst(%dma_wait3A_63 : memref<10240x128xf32, #tpu.memory_space<vmem_shared>>)
    %dma_wait3A_64 = arith.constant 0 : i32
    %dma_wait3A_65 = tpu.memref_slice %arg20[%dma_wait3A_64] : memref<10240xf32, #tpu.memory_space<vmem_shared>> -> memref<10240xf32, #tpu.memory_space<vmem_shared>>
    tpu.wait_indirect_dma semaphore(%arg24 : memref<!tpu.dma_semaphore, #tpu.memory_space<semaphore_mem>>) src(%arg15 : memref<80xf32, #tpu.memory_space<vmem>>) dst(%dma_wait3A_65 : memref<10240xf32, #tpu.memory_space<vmem_shared>>)
    %dma_wait3A_66 = arith.constant 0 : i32
    %dma_wait3A_67 = tpu.memref_slice %arg21[%dma_wait3A_66] : memref<10240xf32, #tpu.memory_space<vmem_shared>> -> memref<10240xf32, #tpu.memory_space<vmem_shared>>
    tpu.wait_indirect_dma semaphore(%arg24 : memref<!tpu.dma_semaphore, #tpu.memory_space<semaphore_mem>>) src(%arg17 : memref<80xf32, #tpu.memory_space<vmem>>) dst(%dma_wait3A_67 : memref<10240xf32, #tpu.memory_space<vmem_shared>>)
    %dma_wait3A_68 = arith.constant 0 : i32
    %dma_wait3A_69 = arith.constant 0 : i32
    %dma_wait3A_70 = tpu.memref_slice %arg19[%dma_wait3A_68, %dma_wait3A_69] : memref<10240x128xf32, #tpu.memory_space<vmem_shared>> -> memref<10240x128xf32, #tpu.memory_space<vmem_shared>>
    tpu.wait_indirect_dma semaphore(%arg25 : memref<!tpu.dma_semaphore, #tpu.memory_space<semaphore_mem>>) src(%arg14 : memref<80x128xf32, #tpu.memory_space<vmem>>) dst(%dma_wait3A_70 : memref<10240x128xf32, #tpu.memory_space<vmem_shared>>)
    %dma_wait3A_71 = arith.constant 0 : i32
    %dma_wait3A_72 = tpu.memref_slice %arg20[%dma_wait3A_71] : memref<10240xf32, #tpu.memory_space<vmem_shared>> -> memref<10240xf32, #tpu.memory_space<vmem_shared>>
    tpu.wait_indirect_dma semaphore(%arg25 : memref<!tpu.dma_semaphore, #tpu.memory_space<semaphore_mem>>) src(%arg16 : memref<80xf32, #tpu.memory_space<vmem>>) dst(%dma_wait3A_72 : memref<10240xf32, #tpu.memory_space<vmem_shared>>)
    %dma_wait3A_73 = arith.constant 0 : i32
    %dma_wait3A_74 = tpu.memref_slice %arg21[%dma_wait3A_73] : memref<10240xf32, #tpu.memory_space<vmem_shared>> -> memref<10240xf32, #tpu.memory_space<vmem_shared>>
    tpu.wait_indirect_dma semaphore(%arg25 : memref<!tpu.dma_semaphore, #tpu.memory_space<semaphore_mem>>) src(%arg18 : memref<80xf32, #tpu.memory_space<vmem>>) dst(%dma_wait3A_74 : memref<10240xf32, #tpu.memory_space<vmem_shared>>)
    %barrier3A_75 = arith.constant 0 : index
    tpu.barrier barrier_id(%barrier3A_75)
    "tpu.region"() ({
      %run_scoped3A = tpu.sem_alloc : memref<!tpu.dma_semaphore, #tpu.memory_space<semaphore_mem>>
      %dma_start3A_76 = arith.constant 0 : i32
      %dma_start3A_77 = tpu.memref_slice %arg8[%arg0, %mul3A_4, %dma_start3A_76] : memref<2x10240x128xf32, #tpu.memory_space<hbm>> -> memref<1x640x128xf32, #tpu.memory_space<hbm>>
      %dma_start3A_78 = tpu.memref_squeeze %dma_start3A_77 : memref<1x640x128xf32, #tpu.memory_space<hbm>> -> memref<640x128xf32, #tpu.memory_space<hbm>>
      %dma_start3A_79 = arith.constant 0 : i32
      %dma_start3A_80 = tpu.memref_slice %arg19[%mul3A_4, %dma_start3A_79] : memref<10240x128xf32, #tpu.memory_space<vmem_shared>> -> memref<640x128xf32, #tpu.memory_space<vmem_shared>>
      tpu.enqueue_dma source(%dma_start3A_80 : memref<640x128xf32, #tpu.memory_space<vmem_shared>>) target(%dma_start3A_78 : memref<640x128xf32, #tpu.memory_space<hbm>>) target_semaphore(%run_scoped3A : memref<!tpu.dma_semaphore, #tpu.memory_space<semaphore_mem>>)
      %dma_wait3A_81 = arith.constant 0 : i32
      %dma_wait3A_82 = tpu.memref_slice %arg8[%arg0, %mul3A_4, %dma_wait3A_81] : memref<2x10240x128xf32, #tpu.memory_space<hbm>> -> memref<1x640x128xf32, #tpu.memory_space<hbm>>
      %dma_wait3A_83 = tpu.memref_squeeze %dma_wait3A_82 : memref<1x640x128xf32, #tpu.memory_space<hbm>> -> memref<640x128xf32, #tpu.memory_space<hbm>>
      %dma_wait3A_84 = arith.constant 0 : i32
      %dma_wait3A_85 = tpu.memref_slice %arg19[%mul3A_4, %dma_wait3A_84] : memref<10240x128xf32, #tpu.memory_space<vmem_shared>> -> memref<640x128xf32, #tpu.memory_space<vmem_shared>>
      tpu.wait_dma2 semaphore(%run_scoped3A : memref<!tpu.dma_semaphore, #tpu.memory_space<semaphore_mem>>) src(%dma_wait3A_85 : memref<640x128xf32, #tpu.memory_space<vmem_shared>>) dst(%dma_wait3A_83 : memref<640x128xf32, #tpu.memory_space<hbm>>)
      tpu.yield
    }) : () -> ()
    "tpu.region"() ({
      %run_scoped3A = tpu.sem_alloc : memref<!tpu.dma_semaphore, #tpu.memory_space<semaphore_mem>>
      %dma_start3A_76 = tpu.memref_slice %arg9[%arg0, %mul3A_4] : memref<2x10240xf32, #tpu.memory_space<hbm>> -> memref<1x640xf32, #tpu.memory_space<hbm>>
      %dma_start3A_77 = tpu.memref_squeeze %dma_start3A_76 : memref<1x640xf32, #tpu.memory_space<hbm>> -> memref<640xf32, #tpu.memory_space<hbm>>
      %dma_start3A_78 = tpu.memref_slice %arg20[%mul3A_4] : memref<10240xf32, #tpu.memory_space<vmem_shared>> -> memref<640xf32, #tpu.memory_space<vmem_shared>>
      tpu.enqueue_dma source(%dma_start3A_78 : memref<640xf32, #tpu.memory_space<vmem_shared>>) target(%dma_start3A_77 : memref<640xf32, #tpu.memory_space<hbm>>) target_semaphore(%run_scoped3A : memref<!tpu.dma_semaphore, #tpu.memory_space<semaphore_mem>>)
      %dma_wait3A_79 = tpu.memref_slice %arg9[%arg0, %mul3A_4] : memref<2x10240xf32, #tpu.memory_space<hbm>> -> memref<1x640xf32, #tpu.memory_space<hbm>>
      %dma_wait3A_80 = tpu.memref_squeeze %dma_wait3A_79 : memref<1x640xf32, #tpu.memory_space<hbm>> -> memref<640xf32, #tpu.memory_space<hbm>>
      %dma_wait3A_81 = tpu.memref_slice %arg20[%mul3A_4] : memref<10240xf32, #tpu.memory_space<vmem_shared>> -> memref<640xf32, #tpu.memory_space<vmem_shared>>
      tpu.wait_dma2 semaphore(%run_scoped3A : memref<!tpu.dma_semaphore, #tpu.memory_space<semaphore_mem>>) src(%dma_wait3A_81 : memref<640xf32, #tpu.memory_space<vmem_shared>>) dst(%dma_wait3A_80 : memref<640xf32, #tpu.memory_space<hbm>>)
      tpu.yield
    }) : () -> ()
    "tpu.region"() ({
      %run_scoped3A = tpu.sem_alloc : memref<!tpu.dma_semaphore, #tpu.memory_space<semaphore_mem>>
      %dma_start3A_76 = tpu.memref_slice %arg10[%arg0, %mul3A_4] : memref<2x10240xf32, #tpu.memory_space<hbm>> -> memref<1x640xf32, #tpu.memory_space<hbm>>
      %dma_start3A_77 = tpu.memref_squeeze %dma_start3A_76 : memref<1x640xf32, #tpu.memory_space<hbm>> -> memref<640xf32, #tpu.memory_space<hbm>>
      %dma_start3A_78 = tpu.memref_slice %arg21[%mul3A_4] : memref<10240xf32, #tpu.memory_space<vmem_shared>> -> memref<640xf32, #tpu.memory_space<vmem_shared>>
      tpu.enqueue_dma source(%dma_start3A_78 : memref<640xf32, #tpu.memory_space<vmem_shared>>) target(%dma_start3A_77 : memref<640xf32, #tpu.memory_space<hbm>>) target_semaphore(%run_scoped3A : memref<!tpu.dma_semaphore, #tpu.memory_space<semaphore_mem>>)
      %dma_wait3A_79 = tpu.memref_slice %arg10[%arg0, %mul3A_4] : memref<2x10240xf32, #tpu.memory_space<hbm>> -> memref<1x640xf32, #tpu.memory_space<hbm>>
      %dma_wait3A_80 = tpu.memref_squeeze %dma_wait3A_79 : memref<1x640xf32, #tpu.memory_space<hbm>> -> memref<640xf32, #tpu.memory_space<hbm>>
      %dma_wait3A_81 = tpu.memref_slice %arg21[%mul3A_4] : memref<10240xf32, #tpu.memory_space<vmem_shared>> -> memref<640xf32, #tpu.memory_space<vmem_shared>>
      tpu.wait_dma2 semaphore(%run_scoped3A : memref<!tpu.dma_semaphore, #tpu.memory_space<semaphore_mem>>) src(%dma_wait3A_81 : memref<640xf32, #tpu.memory_space<vmem_shared>>) dst(%dma_wait3A_80 : memref<640xf32, #tpu.memory_space<hbm>>)
      tpu.yield
    }) : () -> ()
    return
  }
}

#map = affine_map<(d0, d1) -> (0)>
module attributes {stable_mosaic.version = 14 : i64} {
  func.func @geom(%arg0: i32, %arg1: i32, %arg2: memref<10000xf32, #tpu.memory_space<hbm>>, %arg3: memref<10000xf32, #tpu.memory_space<hbm>>, %arg4: memref<10000xf32, #tpu.memory_space<hbm>>, %arg5: memref<320000xi32, #tpu.memory_space<hbm>>, %arg6: memref<320000xi32, #tpu.memory_space<hbm>>, %arg7: memref<320000xf32, #tpu.memory_space<hbm>>, %arg8: memref<320000xf32, #tpu.memory_space<hbm>>, %arg9: memref<320000xf32, #tpu.memory_space<hbm>>, %arg10: memref<320000xf32, #tpu.memory_space<hbm>>, %arg11: memref<10000xi32, #tpu.memory_space<vmem>>, %arg12: memref<10000xi32, #tpu.memory_space<vmem>>, %arg13: memref<10000xf32, #tpu.memory_space<vmem>>, %arg14: memref<10000xf32, #tpu.memory_space<vmem>>, %arg15: memref<10000xf32, #tpu.memory_space<vmem>>, %arg16: memref<10000xf32, #tpu.memory_space<vmem>>, %arg17: memref<10000xf32, #tpu.memory_space<vmem>>, %arg18: memref<10000xf32, #tpu.memory_space<vmem>>, %arg19: memref<!tpu.dma_semaphore, #tpu.memory_space<semaphore_mem>>) attributes {dimension_semantics = [#tpu.dimension_semantics<core_parallel>, #tpu.dimension_semantics<subcore_parallel>], iteration_bounds = array<i64: 2, 16>, scalar_prefetch = 0 : i64, scratch_operands = 9 : i64, tpu.core_type = #tpu.core_type<sc_vector_subcore>, window_params = [{transform_indices = #map}, {transform_indices = #map}, {transform_indices = #map}, {transform_indices = #map}, {transform_indices = #map}, {transform_indices = #map}, {transform_indices = #map}, {transform_indices = #map}, {transform_indices = #map}]} {
    %mul3A = arith.constant 16 : i32
    %mul3A_0 = arith.muli %arg0, %mul3A : i32
    %add3A = arith.addi %mul3A_0, %arg1 : i32
    %mul3A_1 = arith.constant 10000 : i32
    %mul3A_2 = arith.muli %add3A, %mul3A_1 : i32
    "tpu.region"() ({
      %run_scoped3A = tpu.sem_alloc : memref<!tpu.dma_semaphore, #tpu.memory_space<semaphore_mem>>
      %dma_start3A_30 = tpu.memref_slice %arg5[%mul3A_2] : memref<320000xi32, #tpu.memory_space<hbm>> -> memref<10000xi32, #tpu.memory_space<hbm>>
      %dma_start3A_31 = tpu.memref_slice %arg5[%mul3A_2] : memref<320000xi32, #tpu.memory_space<hbm>> -> memref<10000xi32, #tpu.memory_space<hbm>>
      tpu.enqueue_dma source(%dma_start3A_31 : memref<10000xi32, #tpu.memory_space<hbm>>) target(%arg11 : memref<10000xi32, #tpu.memory_space<vmem>>) target_semaphore(%run_scoped3A : memref<!tpu.dma_semaphore, #tpu.memory_space<semaphore_mem>>)
      %dma_wait3A_32 = tpu.memref_slice %arg5[%mul3A_2] : memref<320000xi32, #tpu.memory_space<hbm>> -> memref<10000xi32, #tpu.memory_space<hbm>>
      %dma_wait3A_33 = tpu.memref_slice %arg5[%mul3A_2] : memref<320000xi32, #tpu.memory_space<hbm>> -> memref<10000xi32, #tpu.memory_space<hbm>>
      tpu.wait_dma2 semaphore(%run_scoped3A : memref<!tpu.dma_semaphore, #tpu.memory_space<semaphore_mem>>) src(%dma_wait3A_33 : memref<10000xi32, #tpu.memory_space<hbm>>) dst(%arg11 : memref<10000xi32, #tpu.memory_space<vmem>>)
      tpu.yield
    }) : () -> ()
    "tpu.region"() ({
      %run_scoped3A = tpu.sem_alloc : memref<!tpu.dma_semaphore, #tpu.memory_space<semaphore_mem>>
      %dma_start3A_30 = tpu.memref_slice %arg6[%mul3A_2] : memref<320000xi32, #tpu.memory_space<hbm>> -> memref<10000xi32, #tpu.memory_space<hbm>>
      %dma_start3A_31 = tpu.memref_slice %arg6[%mul3A_2] : memref<320000xi32, #tpu.memory_space<hbm>> -> memref<10000xi32, #tpu.memory_space<hbm>>
      tpu.enqueue_dma source(%dma_start3A_31 : memref<10000xi32, #tpu.memory_space<hbm>>) target(%arg12 : memref<10000xi32, #tpu.memory_space<vmem>>) target_semaphore(%run_scoped3A : memref<!tpu.dma_semaphore, #tpu.memory_space<semaphore_mem>>)
      %dma_wait3A_32 = tpu.memref_slice %arg6[%mul3A_2] : memref<320000xi32, #tpu.memory_space<hbm>> -> memref<10000xi32, #tpu.memory_space<hbm>>
      %dma_wait3A_33 = tpu.memref_slice %arg6[%mul3A_2] : memref<320000xi32, #tpu.memory_space<hbm>> -> memref<10000xi32, #tpu.memory_space<hbm>>
      tpu.wait_dma2 semaphore(%run_scoped3A : memref<!tpu.dma_semaphore, #tpu.memory_space<semaphore_mem>>) src(%dma_wait3A_33 : memref<10000xi32, #tpu.memory_space<hbm>>) dst(%arg12 : memref<10000xi32, #tpu.memory_space<vmem>>)
      tpu.yield
    }) : () -> ()
    %dma_start3A = arith.constant 0 : i32
    %dma_start3A_3 = tpu.memref_slice %arg2[%dma_start3A] : memref<10000xf32, #tpu.memory_space<hbm>> -> memref<10000xf32, #tpu.memory_space<hbm>>
    tpu.enqueue_indirect_dma source(%dma_start3A_3 : memref<10000xf32, #tpu.memory_space<hbm>>) target(%arg13 : memref<10000xf32, #tpu.memory_space<vmem>>) offsets(%arg11 : memref<10000xi32, #tpu.memory_space<vmem>>) semaphore(%arg19 : memref<!tpu.dma_semaphore, #tpu.memory_space<semaphore_mem>>)
    %dma_start3A_4 = arith.constant 0 : i32
    %dma_start3A_5 = tpu.memref_slice %arg3[%dma_start3A_4] : memref<10000xf32, #tpu.memory_space<hbm>> -> memref<10000xf32, #tpu.memory_space<hbm>>
    tpu.enqueue_indirect_dma source(%dma_start3A_5 : memref<10000xf32, #tpu.memory_space<hbm>>) target(%arg14 : memref<10000xf32, #tpu.memory_space<vmem>>) offsets(%arg11 : memref<10000xi32, #tpu.memory_space<vmem>>) semaphore(%arg19 : memref<!tpu.dma_semaphore, #tpu.memory_space<semaphore_mem>>)
    %dma_start3A_6 = arith.constant 0 : i32
    %dma_start3A_7 = tpu.memref_slice %arg4[%dma_start3A_6] : memref<10000xf32, #tpu.memory_space<hbm>> -> memref<10000xf32, #tpu.memory_space<hbm>>
    tpu.enqueue_indirect_dma source(%dma_start3A_7 : memref<10000xf32, #tpu.memory_space<hbm>>) target(%arg15 : memref<10000xf32, #tpu.memory_space<vmem>>) offsets(%arg11 : memref<10000xi32, #tpu.memory_space<vmem>>) semaphore(%arg19 : memref<!tpu.dma_semaphore, #tpu.memory_space<semaphore_mem>>)
    %dma_start3A_8 = arith.constant 0 : i32
    %dma_start3A_9 = tpu.memref_slice %arg2[%dma_start3A_8] : memref<10000xf32, #tpu.memory_space<hbm>> -> memref<10000xf32, #tpu.memory_space<hbm>>
    tpu.enqueue_indirect_dma source(%dma_start3A_9 : memref<10000xf32, #tpu.memory_space<hbm>>) target(%arg16 : memref<10000xf32, #tpu.memory_space<vmem>>) offsets(%arg12 : memref<10000xi32, #tpu.memory_space<vmem>>) semaphore(%arg19 : memref<!tpu.dma_semaphore, #tpu.memory_space<semaphore_mem>>)
    %dma_start3A_10 = arith.constant 0 : i32
    %dma_start3A_11 = tpu.memref_slice %arg3[%dma_start3A_10] : memref<10000xf32, #tpu.memory_space<hbm>> -> memref<10000xf32, #tpu.memory_space<hbm>>
    tpu.enqueue_indirect_dma source(%dma_start3A_11 : memref<10000xf32, #tpu.memory_space<hbm>>) target(%arg17 : memref<10000xf32, #tpu.memory_space<vmem>>) offsets(%arg12 : memref<10000xi32, #tpu.memory_space<vmem>>) semaphore(%arg19 : memref<!tpu.dma_semaphore, #tpu.memory_space<semaphore_mem>>)
    %dma_start3A_12 = arith.constant 0 : i32
    %dma_start3A_13 = tpu.memref_slice %arg4[%dma_start3A_12] : memref<10000xf32, #tpu.memory_space<hbm>> -> memref<10000xf32, #tpu.memory_space<hbm>>
    tpu.enqueue_indirect_dma source(%dma_start3A_13 : memref<10000xf32, #tpu.memory_space<hbm>>) target(%arg18 : memref<10000xf32, #tpu.memory_space<vmem>>) offsets(%arg12 : memref<10000xi32, #tpu.memory_space<vmem>>) semaphore(%arg19 : memref<!tpu.dma_semaphore, #tpu.memory_space<semaphore_mem>>)
    %dma_wait3A = arith.constant 0 : i32
    %dma_wait3A_14 = tpu.memref_slice %arg2[%dma_wait3A] : memref<10000xf32, #tpu.memory_space<hbm>> -> memref<10000xf32, #tpu.memory_space<hbm>>
    tpu.wait_indirect_dma semaphore(%arg19 : memref<!tpu.dma_semaphore, #tpu.memory_space<semaphore_mem>>) src(%dma_wait3A_14 : memref<10000xf32, #tpu.memory_space<hbm>>) dst(%arg13 : memref<10000xf32, #tpu.memory_space<vmem>>)
    %dma_wait3A_15 = arith.constant 0 : i32
    %dma_wait3A_16 = tpu.memref_slice %arg3[%dma_wait3A_15] : memref<10000xf32, #tpu.memory_space<hbm>> -> memref<10000xf32, #tpu.memory_space<hbm>>
    tpu.wait_indirect_dma semaphore(%arg19 : memref<!tpu.dma_semaphore, #tpu.memory_space<semaphore_mem>>) src(%dma_wait3A_16 : memref<10000xf32, #tpu.memory_space<hbm>>) dst(%arg14 : memref<10000xf32, #tpu.memory_space<vmem>>)
    %dma_wait3A_17 = arith.constant 0 : i32
    %dma_wait3A_18 = tpu.memref_slice %arg4[%dma_wait3A_17] : memref<10000xf32, #tpu.memory_space<hbm>> -> memref<10000xf32, #tpu.memory_space<hbm>>
    tpu.wait_indirect_dma semaphore(%arg19 : memref<!tpu.dma_semaphore, #tpu.memory_space<semaphore_mem>>) src(%dma_wait3A_18 : memref<10000xf32, #tpu.memory_space<hbm>>) dst(%arg15 : memref<10000xf32, #tpu.memory_space<vmem>>)
    %dma_wait3A_19 = arith.constant 0 : i32
    %dma_wait3A_20 = tpu.memref_slice %arg2[%dma_wait3A_19] : memref<10000xf32, #tpu.memory_space<hbm>> -> memref<10000xf32, #tpu.memory_space<hbm>>
    tpu.wait_indirect_dma semaphore(%arg19 : memref<!tpu.dma_semaphore, #tpu.memory_space<semaphore_mem>>) src(%dma_wait3A_20 : memref<10000xf32, #tpu.memory_space<hbm>>) dst(%arg16 : memref<10000xf32, #tpu.memory_space<vmem>>)
    %dma_wait3A_21 = arith.constant 0 : i32
    %dma_wait3A_22 = tpu.memref_slice %arg3[%dma_wait3A_21] : memref<10000xf32, #tpu.memory_space<hbm>> -> memref<10000xf32, #tpu.memory_space<hbm>>
    tpu.wait_indirect_dma semaphore(%arg19 : memref<!tpu.dma_semaphore, #tpu.memory_space<semaphore_mem>>) src(%dma_wait3A_22 : memref<10000xf32, #tpu.memory_space<hbm>>) dst(%arg17 : memref<10000xf32, #tpu.memory_space<vmem>>)
    %dma_wait3A_23 = arith.constant 0 : i32
    %dma_wait3A_24 = tpu.memref_slice %arg4[%dma_wait3A_23] : memref<10000xf32, #tpu.memory_space<hbm>> -> memref<10000xf32, #tpu.memory_space<hbm>>
    tpu.wait_indirect_dma semaphore(%arg19 : memref<!tpu.dma_semaphore, #tpu.memory_space<semaphore_mem>>) src(%dma_wait3A_24 : memref<10000xf32, #tpu.memory_space<hbm>>) dst(%arg18 : memref<10000xf32, #tpu.memory_space<vmem>>)
    %scan3A = arith.constant 0 : i32
    %scan3A_25 = arith.constant 0 : i32
    %scan3A_26 = arith.constant 625 : i32
    %scan3A_27 = arith.addi %scan3A_25, %scan3A_26 : i32
    %scan3A_28 = arith.constant 1 : i32
    scf.for %scan3A_30 = %scan3A_25 to %scan3A_27 step %scan3A_28  : i32 {
      %mul3A_31 = arith.constant 16 : i32
      %mul3A_32 = arith.muli %scan3A_30, %mul3A_31 : i32
      %get3A = arith.index_cast %mul3A_32 : i32 to index
      %get3A_33 = tpu.vector_load %arg13[%get3A] {strides = array<i32>} : memref<10000xf32, #tpu.memory_space<vmem>>, vector<16xf32>,
      %get3A_34 = vector.shape_cast %get3A_33 : vector<16xf32> to vector<16xf32>
      %get3A_35 = arith.index_cast %mul3A_32 : i32 to index
      %get3A_36 = tpu.vector_load %arg14[%get3A_35] {strides = array<i32>} : memref<10000xf32, #tpu.memory_space<vmem>>, vector<16xf32>,
      %get3A_37 = vector.shape_cast %get3A_36 : vector<16xf32> to vector<16xf32>
      %get3A_38 = arith.index_cast %mul3A_32 : i32 to index
      %get3A_39 = tpu.vector_load %arg15[%get3A_38] {strides = array<i32>} : memref<10000xf32, #tpu.memory_space<vmem>>, vector<16xf32>,
      %get3A_40 = vector.shape_cast %get3A_39 : vector<16xf32> to vector<16xf32>
      %get3A_41 = arith.index_cast %mul3A_32 : i32 to index
      %get3A_42 = tpu.vector_load %arg16[%get3A_41] {strides = array<i32>} : memref<10000xf32, #tpu.memory_space<vmem>>, vector<16xf32>,
      %get3A_43 = vector.shape_cast %get3A_42 : vector<16xf32> to vector<16xf32>
      %get3A_44 = arith.index_cast %mul3A_32 : i32 to index
      %get3A_45 = tpu.vector_load %arg17[%get3A_44] {strides = array<i32>} : memref<10000xf32, #tpu.memory_space<vmem>>, vector<16xf32>,
      %get3A_46 = vector.shape_cast %get3A_45 : vector<16xf32> to vector<16xf32>
      %get3A_47 = arith.index_cast %mul3A_32 : i32 to index
      %get3A_48 = tpu.vector_load %arg18[%get3A_47] {strides = array<i32>} : memref<10000xf32, #tpu.memory_space<vmem>>, vector<16xf32>,
      %get3A_49 = vector.shape_cast %get3A_48 : vector<16xf32> to vector<16xf32>
      %sub3A = arith.subf %get3A_34, %get3A_43 : vector<16xf32>
      %sub3A_50 = arith.subf %get3A_37, %get3A_46 : vector<16xf32>
      %sub3A_51 = arith.subf %get3A_40, %get3A_49 : vector<16xf32>
      %mul3A_52 = arith.mulf %sub3A, %sub3A : vector<16xf32>
      %mul3A_53 = arith.mulf %sub3A_50, %sub3A_50 : vector<16xf32>
      %add3A_54 = arith.addf %mul3A_52, %mul3A_53 : vector<16xf32>
      %mul3A_55 = arith.mulf %sub3A_51, %sub3A_51 : vector<16xf32>
      %add3A_56 = arith.addf %add3A_54, %mul3A_55 : vector<16xf32>
      %swap3A = arith.index_cast %mul3A_32 : i32 to index
      %swap3A_57 = tpu.vector_load %arg13[%swap3A] {strides = array<i32>} : memref<10000xf32, #tpu.memory_space<vmem>>, vector<16xf32>,
      %swap3A_58 = vector.shape_cast %swap3A_57 : vector<16xf32> to vector<16xf32>
      %swap3A_59 = vector.shape_cast %add3A_56 : vector<16xf32> to vector<16xf32>
      tpu.vector_store %arg13[%swap3A], %swap3A_59 {strides = array<i32>} : memref<10000xf32, #tpu.memory_space<vmem>>, vector<16xf32>,
      %mul3A_60 = arith.mulf %get3A_34, %get3A_43 : vector<16xf32>
      %mul3A_61 = arith.mulf %get3A_37, %get3A_46 : vector<16xf32>
      %add3A_62 = arith.addf %mul3A_60, %mul3A_61 : vector<16xf32>
      %mul3A_63 = arith.mulf %get3A_40, %get3A_49 : vector<16xf32>
      %add3A_64 = arith.addf %add3A_62, %mul3A_63 : vector<16xf32>
      %swap3A_65 = arith.index_cast %mul3A_32 : i32 to index
      %swap3A_66 = tpu.vector_load %arg16[%swap3A_65] {strides = array<i32>} : memref<10000xf32, #tpu.memory_space<vmem>>, vector<16xf32>,
      %swap3A_67 = vector.shape_cast %swap3A_66 : vector<16xf32> to vector<16xf32>
      %swap3A_68 = vector.shape_cast %add3A_64 : vector<16xf32> to vector<16xf32>
      tpu.vector_store %arg16[%swap3A_65], %swap3A_68 {strides = array<i32>} : memref<10000xf32, #tpu.memory_space<vmem>>, vector<16xf32>,
      %mul3A_69 = arith.mulf %get3A_34, %get3A_34 : vector<16xf32>
      %mul3A_70 = arith.mulf %get3A_37, %get3A_37 : vector<16xf32>
      %add3A_71 = arith.addf %mul3A_69, %mul3A_70 : vector<16xf32>
      %mul3A_72 = arith.mulf %get3A_40, %get3A_40 : vector<16xf32>
      %add3A_73 = arith.addf %add3A_71, %mul3A_72 : vector<16xf32>
      %swap3A_74 = arith.index_cast %mul3A_32 : i32 to index
      %swap3A_75 = tpu.vector_load %arg14[%swap3A_74] {strides = array<i32>} : memref<10000xf32, #tpu.memory_space<vmem>>, vector<16xf32>,
      %swap3A_76 = vector.shape_cast %swap3A_75 : vector<16xf32> to vector<16xf32>
      %swap3A_77 = vector.shape_cast %add3A_73 : vector<16xf32> to vector<16xf32>
      tpu.vector_store %arg14[%swap3A_74], %swap3A_77 {strides = array<i32>} : memref<10000xf32, #tpu.memory_space<vmem>>, vector<16xf32>,
      %mul3A_78 = arith.mulf %get3A_43, %get3A_43 : vector<16xf32>
      %mul3A_79 = arith.mulf %get3A_46, %get3A_46 : vector<16xf32>
      %add3A_80 = arith.addf %mul3A_78, %mul3A_79 : vector<16xf32>
      %mul3A_81 = arith.mulf %get3A_49, %get3A_49 : vector<16xf32>
      %add3A_82 = arith.addf %add3A_80, %mul3A_81 : vector<16xf32>
      %swap3A_83 = arith.index_cast %mul3A_32 : i32 to index
      %swap3A_84 = tpu.vector_load %arg17[%swap3A_83] {strides = array<i32>} : memref<10000xf32, #tpu.memory_space<vmem>>, vector<16xf32>,
      %swap3A_85 = vector.shape_cast %swap3A_84 : vector<16xf32> to vector<16xf32>
      %swap3A_86 = vector.shape_cast %add3A_82 : vector<16xf32> to vector<16xf32>
      tpu.vector_store %arg17[%swap3A_83], %swap3A_86 {strides = array<i32>} : memref<10000xf32, #tpu.memory_space<vmem>>, vector<16xf32>,
    }
    %scan3A_29 = arith.constant 625 : i32
    "tpu.region"() ({
      %run_scoped3A = tpu.sem_alloc : memref<!tpu.dma_semaphore, #tpu.memory_space<semaphore_mem>>
      %dma_start3A_30 = tpu.memref_slice %arg7[%mul3A_2] : memref<320000xf32, #tpu.memory_space<hbm>> -> memref<10000xf32, #tpu.memory_space<hbm>>
      %dma_start3A_31 = tpu.memref_slice %arg7[%mul3A_2] : memref<320000xf32, #tpu.memory_space<hbm>> -> memref<10000xf32, #tpu.memory_space<hbm>>
      tpu.enqueue_dma source(%arg13 : memref<10000xf32, #tpu.memory_space<vmem>>) target(%dma_start3A_31 : memref<10000xf32, #tpu.memory_space<hbm>>) target_semaphore(%run_scoped3A : memref<!tpu.dma_semaphore, #tpu.memory_space<semaphore_mem>>)
      %dma_wait3A_32 = tpu.memref_slice %arg7[%mul3A_2] : memref<320000xf32, #tpu.memory_space<hbm>> -> memref<10000xf32, #tpu.memory_space<hbm>>
      %dma_wait3A_33 = tpu.memref_slice %arg7[%mul3A_2] : memref<320000xf32, #tpu.memory_space<hbm>> -> memref<10000xf32, #tpu.memory_space<hbm>>
      tpu.wait_dma2 semaphore(%run_scoped3A : memref<!tpu.dma_semaphore, #tpu.memory_space<semaphore_mem>>) src(%arg13 : memref<10000xf32, #tpu.memory_space<vmem>>) dst(%dma_wait3A_33 : memref<10000xf32, #tpu.memory_space<hbm>>)
      tpu.yield
    }) : () -> ()
    "tpu.region"() ({
      %run_scoped3A = tpu.sem_alloc : memref<!tpu.dma_semaphore, #tpu.memory_space<semaphore_mem>>
      %dma_start3A_30 = tpu.memref_slice %arg8[%mul3A_2] : memref<320000xf32, #tpu.memory_space<hbm>> -> memref<10000xf32, #tpu.memory_space<hbm>>
      %dma_start3A_31 = tpu.memref_slice %arg8[%mul3A_2] : memref<320000xf32, #tpu.memory_space<hbm>> -> memref<10000xf32, #tpu.memory_space<hbm>>
      tpu.enqueue_dma source(%arg16 : memref<10000xf32, #tpu.memory_space<vmem>>) target(%dma_start3A_31 : memref<10000xf32, #tpu.memory_space<hbm>>) target_semaphore(%run_scoped3A : memref<!tpu.dma_semaphore, #tpu.memory_space<semaphore_mem>>)
      %dma_wait3A_32 = tpu.memref_slice %arg8[%mul3A_2] : memref<320000xf32, #tpu.memory_space<hbm>> -> memref<10000xf32, #tpu.memory_space<hbm>>
      %dma_wait3A_33 = tpu.memref_slice %arg8[%mul3A_2] : memref<320000xf32, #tpu.memory_space<hbm>> -> memref<10000xf32, #tpu.memory_space<hbm>>
      tpu.wait_dma2 semaphore(%run_scoped3A : memref<!tpu.dma_semaphore, #tpu.memory_space<semaphore_mem>>) src(%arg16 : memref<10000xf32, #tpu.memory_space<vmem>>) dst(%dma_wait3A_33 : memref<10000xf32, #tpu.memory_space<hbm>>)
      tpu.yield
    }) : () -> ()
    "tpu.region"() ({
      %run_scoped3A = tpu.sem_alloc : memref<!tpu.dma_semaphore, #tpu.memory_space<semaphore_mem>>
      %dma_start3A_30 = tpu.memref_slice %arg9[%mul3A_2] : memref<320000xf32, #tpu.memory_space<hbm>> -> memref<10000xf32, #tpu.memory_space<hbm>>
      %dma_start3A_31 = tpu.memref_slice %arg9[%mul3A_2] : memref<320000xf32, #tpu.memory_space<hbm>> -> memref<10000xf32, #tpu.memory_space<hbm>>
      tpu.enqueue_dma source(%arg14 : memref<10000xf32, #tpu.memory_space<vmem>>) target(%dma_start3A_31 : memref<10000xf32, #tpu.memory_space<hbm>>) target_semaphore(%run_scoped3A : memref<!tpu.dma_semaphore, #tpu.memory_space<semaphore_mem>>)
      %dma_wait3A_32 = tpu.memref_slice %arg9[%mul3A_2] : memref<320000xf32, #tpu.memory_space<hbm>> -> memref<10000xf32, #tpu.memory_space<hbm>>
      %dma_wait3A_33 = tpu.memref_slice %arg9[%mul3A_2] : memref<320000xf32, #tpu.memory_space<hbm>> -> memref<10000xf32, #tpu.memory_space<hbm>>
      tpu.wait_dma2 semaphore(%run_scoped3A : memref<!tpu.dma_semaphore, #tpu.memory_space<semaphore_mem>>) src(%arg14 : memref<10000xf32, #tpu.memory_space<vmem>>) dst(%dma_wait3A_33 : memref<10000xf32, #tpu.memory_space<hbm>>)
      tpu.yield
    }) : () -> ()
    "tpu.region"() ({
      %run_scoped3A = tpu.sem_alloc : memref<!tpu.dma_semaphore, #tpu.memory_space<semaphore_mem>>
      %dma_start3A_30 = tpu.memref_slice %arg10[%mul3A_2] : memref<320000xf32, #tpu.memory_space<hbm>> -> memref<10000xf32, #tpu.memory_space<hbm>>
      %dma_start3A_31 = tpu.memref_slice %arg10[%mul3A_2] : memref<320000xf32, #tpu.memory_space<hbm>> -> memref<10000xf32, #tpu.memory_space<hbm>>
      tpu.enqueue_dma source(%arg17 : memref<10000xf32, #tpu.memory_space<vmem>>) target(%dma_start3A_31 : memref<10000xf32, #tpu.memory_space<hbm>>) target_semaphore(%run_scoped3A : memref<!tpu.dma_semaphore, #tpu.memory_space<semaphore_mem>>)
      %dma_wait3A_32 = tpu.memref_slice %arg10[%mul3A_2] : memref<320000xf32, #tpu.memory_space<hbm>> -> memref<10000xf32, #tpu.memory_space<hbm>>
      %dma_wait3A_33 = tpu.memref_slice %arg10[%mul3A_2] : memref<320000xf32, #tpu.memory_space<hbm>> -> memref<10000xf32, #tpu.memory_space<hbm>>
      tpu.wait_dma2 semaphore(%run_scoped3A : memref<!tpu.dma_semaphore, #tpu.memory_space<semaphore_mem>>) src(%arg17 : memref<10000xf32, #tpu.memory_space<vmem>>) dst(%dma_wait3A_33 : memref<10000xf32, #tpu.memory_space<hbm>>)
      tpu.yield
    }) : () -> ()
    return
  }
}

#map = affine_map<(d0, d1) -> (0, 0)>
#map1 = affine_map<(d0, d1) -> (0)>
#map2 = affine_map<(d0, d1) -> (0, 0, 0)>
module attributes {stable_mosaic.version = 14 : i64} {
  func.func @scat(%arg0: i32, %arg1: i32, %arg2: memref<10000x128xf32, #tpu.memory_space<hbm>>, %arg3: memref<320000xi32, #tpu.memory_space<hbm>>, %arg4: memref<320000xi32, #tpu.memory_space<hbm>>, %arg5: memref<640x128xf32, #tpu.memory_space<hbm>>, %arg6: memref<2x10240x128xf32, #tpu.memory_space<hbm>>, %arg7: memref<80xi32, #tpu.memory_space<vmem>>, %arg8: memref<80xi32, #tpu.memory_space<vmem>>, %arg9: memref<80xi32, #tpu.memory_space<vmem>>, %arg10: memref<80xi32, #tpu.memory_space<vmem>>, %arg11: memref<80x128xf32, #tpu.memory_space<vmem>>, %arg12: memref<80x128xf32, #tpu.memory_space<vmem>>, %arg13: memref<10240x128xf32, #tpu.memory_space<vmem_shared>>, %arg14: memref<!tpu.dma_semaphore, #tpu.memory_space<semaphore_mem>>, %arg15: memref<!tpu.dma_semaphore, #tpu.memory_space<semaphore_mem>>, %arg16: memref<!tpu.dma_semaphore, #tpu.memory_space<semaphore_mem>>, %arg17: memref<!tpu.dma_semaphore, #tpu.memory_space<semaphore_mem>>, %arg18: memref<!tpu.dma_semaphore, #tpu.memory_space<semaphore_mem>>, %arg19: memref<!tpu.dma_semaphore, #tpu.memory_space<semaphore_mem>>) attributes {dimension_semantics = [#tpu.dimension_semantics<core_parallel>, #tpu.dimension_semantics<subcore_parallel>], iteration_bounds = array<i64: 2, 16>, scalar_prefetch = 0 : i64, scratch_operands = 13 : i64, tpu.core_type = #tpu.core_type<sc_vector_subcore>, window_params = [{transform_indices = #map}, {transform_indices = #map1}, {transform_indices = #map1}, {transform_indices = #map}, {transform_indices = #map2}]} {
    %mul3A = arith.constant 16 : i32
    %mul3A_0 = arith.muli %arg0, %mul3A : i32
    %add3A = arith.addi %mul3A_0, %arg1 : i32
    %mul3A_1 = arith.constant 10000 : i32
    %mul3A_2 = arith.muli %add3A, %mul3A_1 : i32
    %mul3A_3 = arith.constant 640 : i32
    %mul3A_4 = arith.muli %arg1, %mul3A_3 : i32
    "tpu.region"() ({
      %run_scoped3A = tpu.sem_alloc : memref<!tpu.dma_semaphore, #tpu.memory_space<semaphore_mem>>
      %dma_start3A_63 = arith.constant 0 : i32
      %dma_start3A_64 = tpu.memref_slice %arg13[%mul3A_4, %dma_start3A_63] : memref<10240x128xf32, #tpu.memory_space<vmem_shared>> -> memref<640x128xf32, #tpu.memory_space<vmem_shared>>
      tpu.enqueue_dma source(%arg5 : memref<640x128xf32, #tpu.memory_space<hbm>>) target(%dma_start3A_64 : memref<640x128xf32, #tpu.memory_space<vmem_shared>>) target_semaphore(%run_scoped3A : memref<!tpu.dma_semaphore, #tpu.memory_space<semaphore_mem>>)
      %dma_wait3A_65 = arith.constant 0 : i32
      %dma_wait3A_66 = tpu.memref_slice %arg13[%mul3A_4, %dma_wait3A_65] : memref<10240x128xf32, #tpu.memory_space<vmem_shared>> -> memref<640x128xf32, #tpu.memory_space<vmem_shared>>
      tpu.wait_dma2 semaphore(%run_scoped3A : memref<!tpu.dma_semaphore, #tpu.memory_space<semaphore_mem>>) src(%arg5 : memref<640x128xf32, #tpu.memory_space<hbm>>) dst(%dma_wait3A_66 : memref<640x128xf32, #tpu.memory_space<vmem_shared>>)
      tpu.yield
    }) : () -> ()
    %barrier3A = arith.constant 0 : index
    tpu.barrier barrier_id(%barrier3A)
    %add3A_5 = arith.constant 0 : i32
    %add3A_6 = arith.addi %mul3A_2, %add3A_5 : i32
    %dma_start3A = tpu.memref_slice %arg3[%add3A_6] : memref<320000xi32, #tpu.memory_space<hbm>> -> memref<80xi32, #tpu.memory_space<hbm>>
    %dma_start3A_7 = tpu.memref_slice %arg3[%add3A_6] : memref<320000xi32, #tpu.memory_space<hbm>> -> memref<80xi32, #tpu.memory_space<hbm>>
    tpu.enqueue_dma source(%dma_start3A_7 : memref<80xi32, #tpu.memory_space<hbm>>) target(%arg7 : memref<80xi32, #tpu.memory_space<vmem>>) target_semaphore(%arg18 : memref<!tpu.dma_semaphore, #tpu.memory_space<semaphore_mem>>)
    %add3A_8 = arith.constant 0 : i32
    %add3A_9 = arith.addi %mul3A_2, %add3A_8 : i32
    %dma_start3A_10 = tpu.memref_slice %arg4[%add3A_9] : memref<320000xi32, #tpu.memory_space<hbm>> -> memref<80xi32, #tpu.memory_space<hbm>>
    %dma_start3A_11 = tpu.memref_slice %arg4[%add3A_9] : memref<320000xi32, #tpu.memory_space<hbm>> -> memref<80xi32, #tpu.memory_space<hbm>>
    tpu.enqueue_dma source(%dma_start3A_11 : memref<80xi32, #tpu.memory_space<hbm>>) target(%arg9 : memref<80xi32, #tpu.memory_space<vmem>>) target_semaphore(%arg18 : memref<!tpu.dma_semaphore, #tpu.memory_space<semaphore_mem>>)
    %add3A_12 = arith.constant 0 : i32
    %add3A_13 = arith.addi %mul3A_2, %add3A_12 : i32
    %dma_wait3A = tpu.memref_slice %arg4[%add3A_13] : memref<320000xi32, #tpu.memory_space<hbm>> -> memref<80xi32, #tpu.memory_space<hbm>>
    %dma_wait3A_14 = tpu.memref_slice %arg4[%add3A_13] : memref<320000xi32, #tpu.memory_space<hbm>> -> memref<80xi32, #tpu.memory_space<hbm>>
    tpu.wait_dma2 semaphore(%arg18 : memref<!tpu.dma_semaphore, #tpu.memory_space<semaphore_mem>>) src(%dma_wait3A_14 : memref<80xi32, #tpu.memory_space<hbm>>) dst(%arg9 : memref<80xi32, #tpu.memory_space<vmem>>)
    %add3A_15 = arith.constant 0 : i32
    %add3A_16 = arith.addi %mul3A_2, %add3A_15 : i32
    %dma_wait3A_17 = tpu.memref_slice %arg3[%add3A_16] : memref<320000xi32, #tpu.memory_space<hbm>> -> memref<80xi32, #tpu.memory_space<hbm>>
    %dma_wait3A_18 = tpu.memref_slice %arg3[%add3A_16] : memref<320000xi32, #tpu.memory_space<hbm>> -> memref<80xi32, #tpu.memory_space<hbm>>
    tpu.wait_dma2 semaphore(%arg18 : memref<!tpu.dma_semaphore, #tpu.memory_space<semaphore_mem>>) src(%dma_wait3A_18 : memref<80xi32, #tpu.memory_space<hbm>>) dst(%arg7 : memref<80xi32, #tpu.memory_space<vmem>>)
    %dma_start3A_19 = arith.constant 0 : i32
    %dma_start3A_20 = arith.constant 0 : i32
    %dma_start3A_21 = tpu.memref_slice %arg2[%dma_start3A_19, %dma_start3A_20] : memref<10000x128xf32, #tpu.memory_space<hbm>> -> memref<10000x128xf32, #tpu.memory_space<hbm>>
    tpu.enqueue_indirect_dma source(%dma_start3A_21 : memref<10000x128xf32, #tpu.memory_space<hbm>>) target(%arg11 : memref<80x128xf32, #tpu.memory_space<vmem>>) offsets(%arg9 : memref<80xi32, #tpu.memory_space<vmem>>) semaphore(%arg14 : memref<!tpu.dma_semaphore, #tpu.memory_space<semaphore_mem>>)
    %add3A_22 = arith.constant 80 : i32
    %add3A_23 = arith.addi %mul3A_2, %add3A_22 : i32
    %dma_start3A_24 = tpu.memref_slice %arg3[%add3A_23] : memref<320000xi32, #tpu.memory_space<hbm>> -> memref<80xi32, #tpu.memory_space<hbm>>
    %dma_start3A_25 = tpu.memref_slice %arg3[%add3A_23] : memref<320000xi32, #tpu.memory_space<hbm>> -> memref<80xi32, #tpu.memory_space<hbm>>
    tpu.enqueue_dma source(%dma_start3A_25 : memref<80xi32, #tpu.memory_space<hbm>>) target(%arg8 : memref<80xi32, #tpu.memory_space<vmem>>) target_semaphore(%arg19 : memref<!tpu.dma_semaphore, #tpu.memory_space<semaphore_mem>>)
    %add3A_26 = arith.constant 80 : i32
    %add3A_27 = arith.addi %mul3A_2, %add3A_26 : i32
    %dma_start3A_28 = tpu.memref_slice %arg4[%add3A_27] : memref<320000xi32, #tpu.memory_space<hbm>> -> memref<80xi32, #tpu.memory_space<hbm>>
    %dma_start3A_29 = tpu.memref_slice %arg4[%add3A_27] : memref<320000xi32, #tpu.memory_space<hbm>> -> memref<80xi32, #tpu.memory_space<hbm>>
    tpu.enqueue_dma source(%dma_start3A_29 : memref<80xi32, #tpu.memory_space<hbm>>) target(%arg10 : memref<80xi32, #tpu.memory_space<vmem>>) target_semaphore(%arg19 : memref<!tpu.dma_semaphore, #tpu.memory_space<semaphore_mem>>)
    %add3A_30 = arith.constant 80 : i32
    %add3A_31 = arith.addi %mul3A_2, %add3A_30 : i32
    %dma_wait3A_32 = tpu.memref_slice %arg4[%add3A_31] : memref<320000xi32, #tpu.memory_space<hbm>> -> memref<80xi32, #tpu.memory_space<hbm>>
    %dma_wait3A_33 = tpu.memref_slice %arg4[%add3A_31] : memref<320000xi32, #tpu.memory_space<hbm>> -> memref<80xi32, #tpu.memory_space<hbm>>
    tpu.wait_dma2 semaphore(%arg19 : memref<!tpu.dma_semaphore, #tpu.memory_space<semaphore_mem>>) src(%dma_wait3A_33 : memref<80xi32, #tpu.memory_space<hbm>>) dst(%arg10 : memref<80xi32, #tpu.memory_space<vmem>>)
    %add3A_34 = arith.constant 80 : i32
    %add3A_35 = arith.addi %mul3A_2, %add3A_34 : i32
    %dma_wait3A_36 = tpu.memref_slice %arg3[%add3A_35] : memref<320000xi32, #tpu.memory_space<hbm>> -> memref<80xi32, #tpu.memory_space<hbm>>
    %dma_wait3A_37 = tpu.memref_slice %arg3[%add3A_35] : memref<320000xi32, #tpu.memory_space<hbm>> -> memref<80xi32, #tpu.memory_space<hbm>>
    tpu.wait_dma2 semaphore(%arg19 : memref<!tpu.dma_semaphore, #tpu.memory_space<semaphore_mem>>) src(%dma_wait3A_37 : memref<80xi32, #tpu.memory_space<hbm>>) dst(%arg8 : memref<80xi32, #tpu.memory_space<vmem>>)
    %dma_start3A_38 = arith.constant 0 : i32
    %dma_start3A_39 = arith.constant 0 : i32
    %dma_start3A_40 = tpu.memref_slice %arg2[%dma_start3A_38, %dma_start3A_39] : memref<10000x128xf32, #tpu.memory_space<hbm>> -> memref<10000x128xf32, #tpu.memory_space<hbm>>
    tpu.enqueue_indirect_dma source(%dma_start3A_40 : memref<10000x128xf32, #tpu.memory_space<hbm>>) target(%arg12 : memref<80x128xf32, #tpu.memory_space<vmem>>) offsets(%arg10 : memref<80xi32, #tpu.memory_space<vmem>>) semaphore(%arg15 : memref<!tpu.dma_semaphore, #tpu.memory_space<semaphore_mem>>)
    %scan3A = arith.constant 0 : i32
    %scan3A_41 = arith.constant 0 : i32
    %scan3A_42 = arith.constant 62 : i32
    %scan3A_43 = arith.addi %scan3A_41, %scan3A_42 : i32
    %scan3A_44 = arith.constant 1 : i32
    scf.for %scan3A_63 = %scan3A_41 to %scan3A_43 step %scan3A_44  : i32 {
      %mul3A_64 = arith.constant 2 : i32
      %mul3A_65 = arith.muli %mul3A_64, %scan3A_63 : i32
      %add3A_66 = arith.constant 0 : i32
      %add3A_67 = arith.addi %mul3A_65, %add3A_66 : i32
      %dma_wait3A_68 = arith.constant 0 : i32
      %dma_wait3A_69 = arith.constant 0 : i32
      %dma_wait3A_70 = tpu.memref_slice %arg2[%dma_wait3A_68, %dma_wait3A_69] : memref<10000x128xf32, #tpu.memory_space<hbm>> -> memref<10000x128xf32, #tpu.memory_space<hbm>>
      tpu.wait_indirect_dma semaphore(%arg14 : memref<!tpu.dma_semaphore, #tpu.memory_space<semaphore_mem>>) src(%dma_wait3A_70 : memref<10000x128xf32, #tpu.memory_space<hbm>>) dst(%arg11 : memref<80x128xf32, #tpu.memory_space<vmem>>)
      %dma_start3A_71 = arith.constant 0 : i32
      %dma_start3A_72 = arith.constant 0 : i32
      %dma_start3A_73 = tpu.memref_slice %arg13[%dma_start3A_71, %dma_start3A_72] : memref<10240x128xf32, #tpu.memory_space<vmem_shared>> -> memref<10240x128xf32, #tpu.memory_space<vmem_shared>>
      tpu.enqueue_indirect_dma source(%arg11 : memref<80x128xf32, #tpu.memory_space<vmem>>) target(%dma_start3A_73 : memref<10240x128xf32, #tpu.memory_space<vmem_shared>>) offsets(%arg7 : memref<80xi32, #tpu.memory_space<vmem>>) semaphore(%arg16 : memref<!tpu.dma_semaphore, #tpu.memory_space<semaphore_mem>>) {add = true}
      %dma_wait3A_74 = arith.constant 0 : i32
      %dma_wait3A_75 = arith.constant 0 : i32
      %dma_wait3A_76 = tpu.memref_slice %arg13[%dma_wait3A_74, %dma_wait3A_75] : memref<10240x128xf32, #tpu.memory_space<vmem_shared>> -> memref<10240x128xf32, #tpu.memory_space<vmem_shared>>
      tpu.wait_indirect_dma semaphore(%arg16 : memref<!tpu.dma_semaphore, #tpu.memory_space<semaphore_mem>>) src(%arg11 : memref<80x128xf32, #tpu.memory_space<vmem>>) dst(%dma_wait3A_76 : memref<10240x128xf32, #tpu.memory_space<vmem_shared>>)
      %add3A_77 = arith.constant 2 : i32
      %add3A_78 = arith.addi %add3A_67, %add3A_77 : i32
      %mul3A_79 = arith.constant 80 : i32
      %mul3A_80 = arith.muli %add3A_78, %mul3A_79 : i32
      %add3A_81 = arith.addi %mul3A_2, %mul3A_80 : i32
      %dma_start3A_82 = tpu.memref_slice %arg3[%add3A_81] : memref<320000xi32, #tpu.memory_space<hbm>> -> memref<80xi32, #tpu.memory_space<hbm>>
      %dma_start3A_83 = tpu.memref_slice %arg3[%add3A_81] : memref<320000xi32, #tpu.memory_space<hbm>> -> memref<80xi32, #tpu.memory_space<hbm>>
      tpu.enqueue_dma source(%dma_start3A_83 : memref<80xi32, #tpu.memory_space<hbm>>) target(%arg7 : memref<80xi32, #tpu.memory_space<vmem>>) target_semaphore(%arg18 : memref<!tpu.dma_semaphore, #tpu.memory_space<semaphore_mem>>)
      %mul3A_84 = arith.constant 80 : i32
      %mul3A_85 = arith.muli %add3A_78, %mul3A_84 : i32
      %add3A_86 = arith.addi %mul3A_2, %mul3A_85 : i32
      %dma_start3A_87 = tpu.memref_slice %arg4[%add3A_86] : memref<320000xi32, #tpu.memory_space<hbm>> -> memref<80xi32, #tpu.memory_space<hbm>>
      %dma_start3A_88 = tpu.memref_slice %arg4[%add3A_86] : memref<320000xi32, #tpu.memory_space<hbm>> -> memref<80xi32, #tpu.memory_space<hbm>>
      tpu.enqueue_dma source(%dma_start3A_88 : memref<80xi32, #tpu.memory_space<hbm>>) target(%arg9 : memref<80xi32, #tpu.memory_space<vmem>>) target_semaphore(%arg18 : memref<!tpu.dma_semaphore, #tpu.memory_space<semaphore_mem>>)
      %mul3A_89 = arith.constant 80 : i32
      %mul3A_90 = arith.muli %add3A_78, %mul3A_89 : i32
      %add3A_91 = arith.addi %mul3A_2, %mul3A_90 : i32
      %dma_wait3A_92 = tpu.memref_slice %arg4[%add3A_91] : memref<320000xi32, #tpu.memory_space<hbm>> -> memref<80xi32, #tpu.memory_space<hbm>>
      %dma_wait3A_93 = tpu.memref_slice %arg4[%add3A_91] : memref<320000xi32, #tpu.memory_space<hbm>> -> memref<80xi32, #tpu.memory_space<hbm>>
      tpu.wait_dma2 semaphore(%arg18 : memref<!tpu.dma_semaphore, #tpu.memory_space<semaphore_mem>>) src(%dma_wait3A_93 : memref<80xi32, #tpu.memory_space<hbm>>) dst(%arg9 : memref<80xi32, #tpu.memory_space<vmem>>)
      %mul3A_94 = arith.constant 80 : i32
      %mul3A_95 = arith.muli %add3A_78, %mul3A_94 : i32
      %add3A_96 = arith.addi %mul3A_2, %mul3A_95 : i32
      %dma_wait3A_97 = tpu.memref_slice %arg3[%add3A_96] : memref<320000xi32, #tpu.memory_space<hbm>> -> memref<80xi32, #tpu.memory_space<hbm>>
      %dma_wait3A_98 = tpu.memref_slice %arg3[%add3A_96] : memref<320000xi32, #tpu.memory_space<hbm>> -> memref<80xi32, #tpu.memory_space<hbm>>
      tpu.wait_dma2 semaphore(%arg18 : memref<!tpu.dma_semaphore, #tpu.memory_space<semaphore_mem>>) src(%dma_wait3A_98 : memref<80xi32, #tpu.memory_space<hbm>>) dst(%arg7 : memref<80xi32, #tpu.memory_space<vmem>>)
      %dma_start3A_99 = arith.constant 0 : i32
      %dma_start3A_100 = arith.constant 0 : i32
      %dma_start3A_101 = tpu.memref_slice %arg2[%dma_start3A_99, %dma_start3A_100] : memref<10000x128xf32, #tpu.memory_space<hbm>> -> memref<10000x128xf32, #tpu.memory_space<hbm>>
      tpu.enqueue_indirect_dma source(%dma_start3A_101 : memref<10000x128xf32, #tpu.memory_space<hbm>>) target(%arg11 : memref<80x128xf32, #tpu.memory_space<vmem>>) offsets(%arg9 : memref<80xi32, #tpu.memory_space<vmem>>) semaphore(%arg14 : memref<!tpu.dma_semaphore, #tpu.memory_space<semaphore_mem>>)
      %mul3A_102 = arith.constant 2 : i32
      %mul3A_103 = arith.muli %mul3A_102, %scan3A_63 : i32
      %add3A_104 = arith.constant 1 : i32
      %add3A_105 = arith.addi %mul3A_103, %add3A_104 : i32
      %dma_wait3A_106 = arith.constant 0 : i32
      %dma_wait3A_107 = arith.constant 0 : i32
      %dma_wait3A_108 = tpu.memref_slice %arg2[%dma_wait3A_106, %dma_wait3A_107] : memref<10000x128xf32, #tpu.memory_space<hbm>> -> memref<10000x128xf32, #tpu.memory_space<hbm>>
      tpu.wait_indirect_dma semaphore(%arg15 : memref<!tpu.dma_semaphore, #tpu.memory_space<semaphore_mem>>) src(%dma_wait3A_108 : memref<10000x128xf32, #tpu.memory_space<hbm>>) dst(%arg12 : memref<80x128xf32, #tpu.memory_space<vmem>>)
      %dma_start3A_109 = arith.constant 0 : i32
      %dma_start3A_110 = arith.constant 0 : i32
      %dma_start3A_111 = tpu.memref_slice %arg13[%dma_start3A_109, %dma_start3A_110] : memref<10240x128xf32, #tpu.memory_space<vmem_shared>> -> memref<10240x128xf32, #tpu.memory_space<vmem_shared>>
      tpu.enqueue_indirect_dma source(%arg12 : memref<80x128xf32, #tpu.memory_space<vmem>>) target(%dma_start3A_111 : memref<10240x128xf32, #tpu.memory_space<vmem_shared>>) offsets(%arg8 : memref<80xi32, #tpu.memory_space<vmem>>) semaphore(%arg17 : memref<!tpu.dma_semaphore, #tpu.memory_space<semaphore_mem>>) {add = true}
      %lt3A = arith.constant 61 : i32
      %lt3A_112 = arith.cmpi slt, %scan3A_63, %lt3A : i32
      %convert_element_type3A = arith.extui %lt3A_112 : i1 to i32
      %cond3A = arith.constant 0 : i32
      %cond3A_113 = arith.cmpi ne, %convert_element_type3A, %cond3A : i32
      scf.if %cond3A_113 {
        %dma_wait3A_114 = arith.constant 0 : i32
        %dma_wait3A_115 = arith.constant 0 : i32
        %dma_wait3A_116 = tpu.memref_slice %arg13[%dma_wait3A_114, %dma_wait3A_115] : memref<10240x128xf32, #tpu.memory_space<vmem_shared>> -> memref<10240x128xf32, #tpu.memory_space<vmem_shared>>
        tpu.wait_indirect_dma semaphore(%arg17 : memref<!tpu.dma_semaphore, #tpu.memory_space<semaphore_mem>>) src(%arg12 : memref<80x128xf32, #tpu.memory_space<vmem>>) dst(%dma_wait3A_116 : memref<10240x128xf32, #tpu.memory_space<vmem_shared>>)
        %add3A_117 = arith.constant 2 : i32
        %add3A_118 = arith.addi %add3A_105, %add3A_117 : i32
        %mul3A_119 = arith.constant 80 : i32
        %mul3A_120 = arith.muli %add3A_118, %mul3A_119 : i32
        %add3A_121 = arith.addi %mul3A_2, %mul3A_120 : i32
        %dma_start3A_122 = tpu.memref_slice %arg3[%add3A_121] : memref<320000xi32, #tpu.memory_space<hbm>> -> memref<80xi32, #tpu.memory_space<hbm>>
        %dma_start3A_123 = tpu.memref_slice %arg3[%add3A_121] : memref<320000xi32, #tpu.memory_space<hbm>> -> memref<80xi32, #tpu.memory_space<hbm>>
        tpu.enqueue_dma source(%dma_start3A_123 : memref<80xi32, #tpu.memory_space<hbm>>) target(%arg8 : memref<80xi32, #tpu.memory_space<vmem>>) target_semaphore(%arg19 : memref<!tpu.dma_semaphore, #tpu.memory_space<semaphore_mem>>)
        %mul3A_124 = arith.constant 80 : i32
        %mul3A_125 = arith.muli %add3A_118, %mul3A_124 : i32
        %add3A_126 = arith.addi %mul3A_2, %mul3A_125 : i32
        %dma_start3A_127 = tpu.memref_slice %arg4[%add3A_126] : memref<320000xi32, #tpu.memory_space<hbm>> -> memref<80xi32, #tpu.memory_space<hbm>>
        %dma_start3A_128 = tpu.memref_slice %arg4[%add3A_126] : memref<320000xi32, #tpu.memory_space<hbm>> -> memref<80xi32, #tpu.memory_space<hbm>>
        tpu.enqueue_dma source(%dma_start3A_128 : memref<80xi32, #tpu.memory_space<hbm>>) target(%arg10 : memref<80xi32, #tpu.memory_space<vmem>>) target_semaphore(%arg19 : memref<!tpu.dma_semaphore, #tpu.memory_space<semaphore_mem>>)
        %mul3A_129 = arith.constant 80 : i32
        %mul3A_130 = arith.muli %add3A_118, %mul3A_129 : i32
        %add3A_131 = arith.addi %mul3A_2, %mul3A_130 : i32
        %dma_wait3A_132 = tpu.memref_slice %arg4[%add3A_131] : memref<320000xi32, #tpu.memory_space<hbm>> -> memref<80xi32, #tpu.memory_space<hbm>>
        %dma_wait3A_133 = tpu.memref_slice %arg4[%add3A_131] : memref<320000xi32, #tpu.memory_space<hbm>> -> memref<80xi32, #tpu.memory_space<hbm>>
        tpu.wait_dma2 semaphore(%arg19 : memref<!tpu.dma_semaphore, #tpu.memory_space<semaphore_mem>>) src(%dma_wait3A_133 : memref<80xi32, #tpu.memory_space<hbm>>) dst(%arg10 : memref<80xi32, #tpu.memory_space<vmem>>)
        %mul3A_134 = arith.constant 80 : i32
        %mul3A_135 = arith.muli %add3A_118, %mul3A_134 : i32
        %add3A_136 = arith.addi %mul3A_2, %mul3A_135 : i32
        %dma_wait3A_137 = tpu.memref_slice %arg3[%add3A_136] : memref<320000xi32, #tpu.memory_space<hbm>> -> memref<80xi32, #tpu.memory_space<hbm>>
        %dma_wait3A_138 = tpu.memref_slice %arg3[%add3A_136] : memref<320000xi32, #tpu.memory_space<hbm>> -> memref<80xi32, #tpu.memory_space<hbm>>
        tpu.wait_dma2 semaphore(%arg19 : memref<!tpu.dma_semaphore, #tpu.memory_space<semaphore_mem>>) src(%dma_wait3A_138 : memref<80xi32, #tpu.memory_space<hbm>>) dst(%arg8 : memref<80xi32, #tpu.memory_space<vmem>>)
        %dma_start3A_139 = arith.constant 0 : i32
        %dma_start3A_140 = arith.constant 0 : i32
        %dma_start3A_141 = tpu.memref_slice %arg2[%dma_start3A_139, %dma_start3A_140] : memref<10000x128xf32, #tpu.memory_space<hbm>> -> memref<10000x128xf32, #tpu.memory_space<hbm>>
        tpu.enqueue_indirect_dma source(%dma_start3A_141 : memref<10000x128xf32, #tpu.memory_space<hbm>>) target(%arg12 : memref<80x128xf32, #tpu.memory_space<vmem>>) offsets(%arg10 : memref<80xi32, #tpu.memory_space<vmem>>) semaphore(%arg15 : memref<!tpu.dma_semaphore, #tpu.memory_space<semaphore_mem>>)
      } else {
      }
    }
    %scan3A_45 = arith.constant 62 : i32
    %dma_wait3A_46 = arith.constant 0 : i32
    %dma_wait3A_47 = arith.constant 0 : i32
    %dma_wait3A_48 = tpu.memref_slice %arg2[%dma_wait3A_46, %dma_wait3A_47] : memref<10000x128xf32, #tpu.memory_space<hbm>> -> memref<10000x128xf32, #tpu.memory_space<hbm>>
    tpu.wait_indirect_dma semaphore(%arg14 : memref<!tpu.dma_semaphore, #tpu.memory_space<semaphore_mem>>) src(%dma_wait3A_48 : memref<10000x128xf32, #tpu.memory_space<hbm>>) dst(%arg11 : memref<80x128xf32, #tpu.memory_space<vmem>>)
    %dma_start3A_49 = arith.constant 0 : i32
    %dma_start3A_50 = arith.constant 0 : i32
    %dma_start3A_51 = tpu.memref_slice %arg13[%dma_start3A_49, %dma_start3A_50] : memref<10240x128xf32, #tpu.memory_space<vmem_shared>> -> memref<10240x128xf32, #tpu.memory_space<vmem_shared>>
    tpu.enqueue_indirect_dma source(%arg11 : memref<80x128xf32, #tpu.memory_space<vmem>>) target(%dma_start3A_51 : memref<10240x128xf32, #tpu.memory_space<vmem_shared>>) offsets(%arg7 : memref<80xi32, #tpu.memory_space<vmem>>) semaphore(%arg16 : memref<!tpu.dma_semaphore, #tpu.memory_space<semaphore_mem>>) {add = true}
    %dma_wait3A_52 = arith.constant 0 : i32
    %dma_wait3A_53 = arith.constant 0 : i32
    %dma_wait3A_54 = tpu.memref_slice %arg13[%dma_wait3A_52, %dma_wait3A_53] : memref<10240x128xf32, #tpu.memory_space<vmem_shared>> -> memref<10240x128xf32, #tpu.memory_space<vmem_shared>>
    tpu.wait_indirect_dma semaphore(%arg16 : memref<!tpu.dma_semaphore, #tpu.memory_space<semaphore_mem>>) src(%arg11 : memref<80x128xf32, #tpu.memory_space<vmem>>) dst(%dma_wait3A_54 : memref<10240x128xf32, #tpu.memory_space<vmem_shared>>)
    %dma_wait3A_55 = arith.constant 0 : i32
    %dma_wait3A_56 = arith.constant 0 : i32
    %dma_wait3A_57 = tpu.memref_slice %arg13[%dma_wait3A_55, %dma_wait3A_56] : memref<10240x128xf32, #tpu.memory_space<vmem_shared>> -> memref<10240x128xf32, #tpu.memory_space<vmem_shared>>
    tpu.wait_indirect_dma semaphore(%arg17 : memref<!tpu.dma_semaphore, #tpu.memory_space<semaphore_mem>>) src(%arg12 : memref<80x128xf32, #tpu.memory_space<vmem>>) dst(%dma_wait3A_57 : memref<10240x128xf32, #tpu.memory_space<vmem_shared>>)
    %barrier3A_58 = arith.constant 0 : index
    tpu.barrier barrier_id(%barrier3A_58)
    %mul3A_59 = arith.constant 640 : i32
    %mul3A_60 = arith.muli %arg1, %mul3A_59 : i32
    %mul3A_61 = arith.constant 640 : i32
    %mul3A_62 = arith.muli %arg1, %mul3A_61 : i32
    "tpu.region"() ({
      %run_scoped3A = tpu.sem_alloc : memref<!tpu.dma_semaphore, #tpu.memory_space<semaphore_mem>>
      %dma_start3A_63 = arith.constant 0 : i32
      %dma_start3A_64 = tpu.memref_slice %arg6[%arg0, %mul3A_62, %dma_start3A_63] : memref<2x10240x128xf32, #tpu.memory_space<hbm>> -> memref<1x640x128xf32, #tpu.memory_space<hbm>>
      %dma_start3A_65 = tpu.memref_squeeze %dma_start3A_64 : memref<1x640x128xf32, #tpu.memory_space<hbm>> -> memref<640x128xf32, #tpu.memory_space<hbm>>
      %dma_start3A_66 = arith.constant 0 : i32
      %dma_start3A_67 = tpu.memref_slice %arg13[%mul3A_60, %dma_start3A_66] : memref<10240x128xf32, #tpu.memory_space<vmem_shared>> -> memref<640x128xf32, #tpu.memory_space<vmem_shared>>
      tpu.enqueue_dma source(%dma_start3A_67 : memref<640x128xf32, #tpu.memory_space<vmem_shared>>) target(%dma_start3A_65 : memref<640x128xf32, #tpu.memory_space<hbm>>) target_semaphore(%run_scoped3A : memref<!tpu.dma_semaphore, #tpu.memory_space<semaphore_mem>>)
      %dma_wait3A_68 = arith.constant 0 : i32
      %dma_wait3A_69 = tpu.memref_slice %arg6[%arg0, %mul3A_62, %dma_wait3A_68] : memref<2x10240x128xf32, #tpu.memory_space<hbm>> -> memref<1x640x128xf32, #tpu.memory_space<hbm>>
      %dma_wait3A_70 = tpu.memref_squeeze %dma_wait3A_69 : memref<1x640x128xf32, #tpu.memory_space<hbm>> -> memref<640x128xf32, #tpu.memory_space<hbm>>
      %dma_wait3A_71 = arith.constant 0 : i32
      %dma_wait3A_72 = tpu.memref_slice %arg13[%mul3A_60, %dma_wait3A_71] : memref<10240x128xf32, #tpu.memory_space<vmem_shared>> -> memref<640x128xf32, #tpu.memory_space<vmem_shared>>
      tpu.wait_dma2 semaphore(%run_scoped3A : memref<!tpu.dma_semaphore, #tpu.memory_space<semaphore_mem>>) src(%dma_wait3A_72 : memref<640x128xf32, #tpu.memory_space<vmem_shared>>) dst(%dma_wait3A_70 : memref<640x128xf32, #tpu.memory_space<hbm>>)
      tpu.yield
    }) : () -> ()
    return
  }
}

module attributes {stable_mosaic.version = 14 : i64} {
  func.func @_edge_raw_body(%arg0: i32, %arg1: memref<6400x16xf32, #tpu.memory_space<vmem>>, %arg2: memref<16x32xf32, #tpu.memory_space<vmem>>, %arg3: memref<1x32xf32, #tpu.memory_space<vmem>>, %arg4: memref<32x128xf32, #tpu.memory_space<vmem>>, %arg5: memref<1x128xf32, #tpu.memory_space<vmem>>, %arg6: memref<6400x128xf32, #tpu.memory_space<vmem>>) attributes {dimension_semantics = [#tpu.dimension_semantics<arbitrary>], iteration_bounds = array<i64: 50>, scalar_prefetch = 0 : i64, scratch_operands = 0 : i64, tpu.core_type = #tpu.core_type<tc>, window_params = [{transform_indices = @transform_0, window_bounds = array<i64: 6400, 16>}, {pipeline_mode = #tpu.pipeline_mode<synchronous>, transform_indices = @transform_1, window_bounds = array<i64: 16, 32>}, {pipeline_mode = #tpu.pipeline_mode<synchronous>, transform_indices = @transform_2, window_bounds = array<i64: 1, 32>}, {pipeline_mode = #tpu.pipeline_mode<synchronous>, transform_indices = @transform_3, window_bounds = array<i64: 32, 128>}, {pipeline_mode = #tpu.pipeline_mode<synchronous>, transform_indices = @transform_4, window_bounds = array<i64: 1, 128>}, {transform_indices = @transform_5, window_bounds = array<i64: 6400, 128>}]} {
    %get3A = arith.constant 0 : index
    %get3A_0 = arith.constant 0 : index
    %get3A_1 = vector.load %arg1[%get3A, %get3A_0] : memref<6400x16xf32, #tpu.memory_space<vmem>>, vector<6400x16xf32>
    %get3A_2 = arith.constant 0 : index
    %get3A_3 = arith.constant 0 : index
    %get3A_4 = vector.load %arg2[%get3A_2, %get3A_3] : memref<16x32xf32, #tpu.memory_space<vmem>>, vector<16x32xf32>
    %dot_general3A = arith.constant dense<0.000000e+00> : vector<6400x32xf32>
    %dot_general3A_5 = tpu.matmul %get3A_1, %get3A_4, %dot_general3A {dimension_numbers = #tpu.dot_dimension_numbers<[1], [0], [0], [1], [0, 0, 1, 1], [], []>, transpose_lhs_hint = false} : vector<6400x16xf32>, vector<16x32xf32>, vector<6400x32xf32> -> vector<6400x32xf32>
    %get3A_6 = arith.constant 0 : index
    %get3A_7 = arith.constant 0 : index
    %get3A_8 = vector.load %arg3[%get3A_6, %get3A_7] : memref<1x32xf32, #tpu.memory_space<vmem>>, vector<1x32xf32>
    %add3A = vector.broadcast %get3A_8 : vector<1x32xf32> to vector<6400x32xf32>
    %add3A_9 = arith.addf %dot_general3A_5, %add3A : vector<6400x32xf32>
    %max3A = arith.constant 0.000000e+00 : f32
    %max3A_10 = vector.broadcast %max3A : f32 to vector<6400x32xf32>
    %max3A_11 = arith.maximumf %add3A_9, %max3A_10 : vector<6400x32xf32>
    %get3A_12 = arith.constant 0 : index
    %get3A_13 = arith.constant 0 : index
    %get3A_14 = vector.load %arg4[%get3A_12, %get3A_13] : memref<32x128xf32, #tpu.memory_space<vmem>>, vector<32x128xf32>
    %dot_general3A_15 = arith.constant dense<0.000000e+00> : vector<6400x128xf32>
    %dot_general3A_16 = tpu.matmul %max3A_11, %get3A_14, %dot_general3A_15 {dimension_numbers = #tpu.dot_dimension_numbers<[1], [0], [0], [1], [0, 0, 1, 1], [], []>, transpose_lhs_hint = false} : vector<6400x32xf32>, vector<32x128xf32>, vector<6400x128xf32> -> vector<6400x128xf32>
    %get3A_17 = arith.constant 0 : index
    %get3A_18 = arith.constant 0 : index
    %get3A_19 = vector.load %arg5[%get3A_17, %get3A_18] : memref<1x128xf32, #tpu.memory_space<vmem>>, vector<1x128xf32>
    %add3A_20 = vector.broadcast %get3A_19 : vector<1x128xf32> to vector<6400x128xf32>
    %add3A_21 = arith.addf %dot_general3A_16, %add3A_20 : vector<6400x128xf32>
    %swap3A = arith.constant 0 : index
    %swap3A_22 = arith.constant 0 : index
    %swap3A_23 = vector.load %arg6[%swap3A, %swap3A_22] : memref<6400x128xf32, #tpu.memory_space<vmem>>, vector<6400x128xf32>
    tpu.vector_store %arg6[%swap3A, %swap3A_22], %add3A_21 {strides = array<i32>} : memref<6400x128xf32, #tpu.memory_space<vmem>>, vector<6400x128xf32>,
    return
  }
  func.func @transform_0(%arg0: i32) -> (i32, i32) {
    %c0_i32 = arith.constant 0 : i32
    %c0_i32_0 = arith.constant 0 : i32
    return %arg0, %c0_i32 : i32, i32
  }
  func.func @transform_1(%arg0: i32) -> (i32, i32) {
    %c0_i32 = arith.constant 0 : i32
    %c0_i32_0 = arith.constant 0 : i32
    %c0_i32_1 = arith.constant 0 : i32
    return %c0_i32, %c0_i32_0 : i32, i32
  }
  func.func @transform_2(%arg0: i32) -> (i32, i32) {
    %c0_i32 = arith.constant 0 : i32
    %c0_i32_0 = arith.constant 0 : i32
    %c0_i32_1 = arith.constant 0 : i32
    return %c0_i32, %c0_i32_0 : i32, i32
  }
  func.func @transform_3(%arg0: i32) -> (i32, i32) {
    %c0_i32 = arith.constant 0 : i32
    %c0_i32_0 = arith.constant 0 : i32
    %c0_i32_1 = arith.constant 0 : i32
    return %c0_i32, %c0_i32_0 : i32, i32
  }
  func.func @transform_4(%arg0: i32) -> (i32, i32) {
    %c0_i32 = arith.constant 0 : i32
    %c0_i32_0 = arith.constant 0 : i32
    %c0_i32_1 = arith.constant 0 : i32
    return %c0_i32, %c0_i32_0 : i32, i32
  }
  func.func @transform_5(%arg0: i32) -> (i32, i32) {
    %c0_i32 = arith.constant 0 : i32
    %c0_i32_0 = arith.constant 0 : i32
    return %arg0, %c0_i32 : i32, i32
  }
}

module attributes {stable_mosaic.version = 14 : i64} {
  func.func @_dang_body(%arg0: memref<2500x128xf32, #tpu.memory_space<vmem>>, %arg1: memref<2500x128xf32, #tpu.memory_space<vmem>>, %arg2: memref<2500x128xf32, #tpu.memory_space<vmem>>, %arg3: memref<2500x128xf32, #tpu.memory_space<vmem>>, %arg4: memref<2500x128xf32, #tpu.memory_space<vmem>>, %arg5: memref<2500x128xf32, #tpu.memory_space<vmem>>) attributes {dimension_semantics = [], scalar_prefetch = 0 : i64, scratch_operands = 0 : i64, tpu.core_type = #tpu.core_type<tc>} {
    %get3A = arith.constant 0 : index
    %get3A_0 = arith.constant 0 : index
    %get3A_1 = vector.load %arg0[%get3A, %get3A_0] : memref<2500x128xf32, #tpu.memory_space<vmem>>, vector<2500x128xf32>
    %sqrt3A = math.sqrt %get3A_1 : vector<2500x128xf32>
    %swap3A = arith.constant 0 : index
    %swap3A_2 = arith.constant 0 : index
    %swap3A_3 = vector.load %arg4[%swap3A, %swap3A_2] : memref<2500x128xf32, #tpu.memory_space<vmem>>, vector<2500x128xf32>
    tpu.vector_store %arg4[%swap3A, %swap3A_2], %sqrt3A {strides = array<i32>} : memref<2500x128xf32, #tpu.memory_space<vmem>>, vector<2500x128xf32>,
    %get3A_4 = arith.constant 0 : index
    %get3A_5 = arith.constant 0 : index
    %get3A_6 = vector.load %arg2[%get3A_4, %get3A_5] : memref<2500x128xf32, #tpu.memory_space<vmem>>, vector<2500x128xf32>
    %sqrt3A_7 = math.sqrt %get3A_6 : vector<2500x128xf32>
    %get3A_8 = arith.constant 0 : index
    %get3A_9 = arith.constant 0 : index
    %get3A_10 = vector.load %arg3[%get3A_8, %get3A_9] : memref<2500x128xf32, #tpu.memory_space<vmem>>, vector<2500x128xf32>
    %sqrt3A_11 = math.sqrt %get3A_10 : vector<2500x128xf32>
    %mul3A = arith.mulf %sqrt3A_7, %sqrt3A_11 : vector<2500x128xf32>
    %add3A = arith.constant 9.99999993E-9 : f32
    %add3A_12 = vector.broadcast %add3A : f32 to vector<2500x128xf32>
    %add3A_13 = arith.addf %mul3A, %add3A_12 : vector<2500x128xf32>
    %get3A_14 = arith.constant 0 : index
    %get3A_15 = arith.constant 0 : index
    %get3A_16 = vector.load %arg1[%get3A_14, %get3A_15] : memref<2500x128xf32, #tpu.memory_space<vmem>>, vector<2500x128xf32>
    %div3A = arith.divf %get3A_16, %add3A_13 : vector<2500x128xf32>
    %jit3A = arith.constant -1.000000e+00 : f32
    %jit3A_17 = arith.constant 1.000000e+00 : f32
    %max3A = vector.broadcast %jit3A : f32 to vector<2500x128xf32>
    %max3A_18 = arith.maximumf %max3A, %div3A : vector<2500x128xf32>
    %min3A = vector.broadcast %jit3A_17 : f32 to vector<2500x128xf32>
    %min3A_19 = arith.minimumf %min3A, %max3A_18 : vector<2500x128xf32>
    %abs3A = math.absf %min3A_19 : vector<2500x128xf32>
    %mul3A_20 = arith.constant -0.0012624911 : f32
    %mul3A_21 = vector.broadcast %mul3A_20 : f32 to vector<2500x128xf32>
    %mul3A_22 = arith.mulf %mul3A_21, %abs3A : vector<2500x128xf32>
    %add3A_23 = arith.constant 6.670090e-03 : f32
    %add3A_24 = vector.broadcast %add3A_23 : f32 to vector<2500x128xf32>
    %add3A_25 = arith.addf %mul3A_22, %add3A_24 : vector<2500x128xf32>
    %mul3A_26 = arith.mulf %add3A_25, %abs3A : vector<2500x128xf32>
    %add3A_27 = arith.constant -0.0170881264 : f32
    %add3A_28 = vector.broadcast %add3A_27 : f32 to vector<2500x128xf32>
    %add3A_29 = arith.addf %mul3A_26, %add3A_28 : vector<2500x128xf32>
    %mul3A_30 = arith.mulf %add3A_29, %abs3A : vector<2500x128xf32>
    %add3A_31 = arith.constant 0.0308918804 : f32
    %add3A_32 = vector.broadcast %add3A_31 : f32 to vector<2500x128xf32>
    %add3A_33 = arith.addf %mul3A_30, %add3A_32 : vector<2500x128xf32>
    %mul3A_34 = arith.mulf %add3A_33, %abs3A : vector<2500x128xf32>
    %add3A_35 = arith.constant -0.0501743034 : f32
    %add3A_36 = vector.broadcast %add3A_35 : f32 to vector<2500x128xf32>
    %add3A_37 = arith.addf %mul3A_34, %add3A_36 : vector<2500x128xf32>
    %mul3A_38 = arith.mulf %add3A_37, %abs3A : vector<2500x128xf32>
    %add3A_39 = arith.constant 0.0889789909 : f32
    %add3A_40 = vector.broadcast %add3A_39 : f32 to vector<2500x128xf32>
    %add3A_41 = arith.addf %mul3A_38, %add3A_40 : vector<2500x128xf32>
    %mul3A_42 = arith.mulf %add3A_41, %abs3A : vector<2500x128xf32>
    %add3A_43 = arith.constant -0.214598805 : f32
    %add3A_44 = vector.broadcast %add3A_43 : f32 to vector<2500x128xf32>
    %add3A_45 = arith.addf %mul3A_42, %add3A_44 : vector<2500x128xf32>
    %mul3A_46 = arith.mulf %add3A_45, %abs3A : vector<2500x128xf32>
    %add3A_47 = arith.constant 1.57079625 : f32
    %add3A_48 = vector.broadcast %add3A_47 : f32 to vector<2500x128xf32>
    %add3A_49 = arith.addf %mul3A_46, %add3A_48 : vector<2500x128xf32>
    %sub3A = arith.constant 1.000000e+00 : f32
    %sub3A_50 = vector.broadcast %sub3A : f32 to vector<2500x128xf32>
    %sub3A_51 = arith.subf %sub3A_50, %abs3A : vector<2500x128xf32>
    %max3A_52 = arith.constant 0.000000e+00 : f32
    %max3A_53 = vector.broadcast %max3A_52 : f32 to vector<2500x128xf32>
    %max3A_54 = arith.maximumf %sub3A_51, %max3A_53 : vector<2500x128xf32>
    %sqrt3A_55 = math.sqrt %max3A_54 : vector<2500x128xf32>
    %mul3A_56 = arith.mulf %sqrt3A_55, %add3A_49 : vector<2500x128xf32>
    %ge3A = arith.constant 0.000000e+00 : f32
    %ge3A_57 = vector.broadcast %ge3A : f32 to vector<2500x128xf32>
    %ge3A_58 = arith.cmpf oge, %min3A_19, %ge3A_57 : vector<2500x128xf32>
    %sub3A_59 = arith.constant 3.14159274 : f32
    %sub3A_60 = vector.broadcast %sub3A_59 : f32 to vector<2500x128xf32>
    %sub3A_61 = arith.subf %sub3A_60, %mul3A_56 : vector<2500x128xf32>
    %select_n3A = arith.select %ge3A_58, %mul3A_56, %sub3A_61 : vector<2500x128xi1>, vector<2500x128xf32>
    %swap3A_62 = arith.constant 0 : index
    %swap3A_63 = arith.constant 0 : index
    %swap3A_64 = vector.load %arg5[%swap3A_62, %swap3A_63] : memref<2500x128xf32, #tpu.memory_space<vmem>>, vector<2500x128xf32>
    tpu.vector_store %arg5[%swap3A_62, %swap3A_63], %select_n3A {strides = array<i32>} : memref<2500x128xf32, #tpu.memory_space<vmem>>, vector<2500x128xf32>,
    return
  }
}

module attributes {stable_mosaic.version = 14 : i64} {
  func.func @_z_body(%arg0: i32, %arg1: memref<1000x128xf32, #tpu.memory_space<vmem>>, %arg2: memref<1000x128xf32, #tpu.memory_space<vmem>>, %arg3: memref<1000x128xf32, #tpu.memory_space<vmem>>, %arg4: memref<1000x1xf32, #tpu.memory_space<vmem>>, %arg5: memref<1000x1xf32, #tpu.memory_space<vmem>>, %arg6: memref<128x128xf32, #tpu.memory_space<vmem>>, %arg7: memref<1x128xf32, #tpu.memory_space<vmem>>, %arg8: memref<128x128xf32, #tpu.memory_space<vmem>>, %arg9: memref<1x128xf32, #tpu.memory_space<vmem>>, %arg10: memref<1x128xf32, #tpu.memory_space<vmem>>, %arg11: memref<1000x128xf32, #tpu.memory_space<vmem>>) attributes {dimension_semantics = [#tpu.dimension_semantics<arbitrary>], iteration_bounds = array<i64: 10>, scalar_prefetch = 0 : i64, scratch_operands = 0 : i64, tpu.core_type = #tpu.core_type<tc>, window_params = [{transform_indices = @transform_0, window_bounds = array<i64: 1000, 128>}, {transform_indices = @transform_1, window_bounds = array<i64: 1000, 128>}, {transform_indices = @transform_2, window_bounds = array<i64: 1000, 128>}, {transform_indices = @transform_3, window_bounds = array<i64: 1000, 1>}, {transform_indices = @transform_4, window_bounds = array<i64: 1000, 1>}, {pipeline_mode = #tpu.pipeline_mode<synchronous>, transform_indices = @transform_5, window_bounds = array<i64: 128, 128>}, {pipeline_mode = #tpu.pipeline_mode<synchronous>, transform_indices = @transform_6, window_bounds = array<i64: 1, 128>}, {pipeline_mode = #tpu.pipeline_mode<synchronous>, transform_indices = @transform_7, window_bounds = array<i64: 128, 128>}, {pipeline_mode = #tpu.pipeline_mode<synchronous>, transform_indices = @transform_8, window_bounds = array<i64: 1, 128>}, {pipeline_mode = #tpu.pipeline_mode<synchronous>, transform_indices = @transform_9, window_bounds = array<i64: 1, 128>}, {transform_indices = @transform_10, window_bounds = array<i64: 1000, 128>}]} {
    %get3A = arith.constant 0 : index
    %get3A_0 = arith.constant 0 : index
    %get3A_1 = vector.load %arg1[%get3A, %get3A_0] : memref<1000x128xf32, #tpu.memory_space<vmem>>, vector<1000x128xf32>
    %get3A_2 = arith.constant 0 : index
    %get3A_3 = arith.constant 0 : index
    %get3A_4 = vector.load %arg6[%get3A_2, %get3A_3] : memref<128x128xf32, #tpu.memory_space<vmem>>, vector<128x128xf32>
    %dot_general3A = arith.constant dense<0.000000e+00> : vector<1000x128xf32>
    %dot_general3A_5 = tpu.matmul %get3A_1, %get3A_4, %dot_general3A {dimension_numbers = #tpu.dot_dimension_numbers<[1], [0], [0], [1], [0, 0, 1, 1], [], []>, transpose_lhs_hint = false} : vector<1000x128xf32>, vector<128x128xf32>, vector<1000x128xf32> -> vector<1000x128xf32>
    %get3A_6 = arith.constant 0 : index
    %get3A_7 = arith.constant 0 : index
    %get3A_8 = vector.load %arg7[%get3A_6, %get3A_7] : memref<1x128xf32, #tpu.memory_space<vmem>>, vector<1x128xf32>
    %add3A = vector.broadcast %get3A_8 : vector<1x128xf32> to vector<1000x128xf32>
    %add3A_9 = arith.addf %dot_general3A_5, %add3A : vector<1000x128xf32>
    %max3A = arith.constant 0.000000e+00 : f32
    %max3A_10 = vector.broadcast %max3A : f32 to vector<1000x128xf32>
    %max3A_11 = arith.maximumf %add3A_9, %max3A_10 : vector<1000x128xf32>
    %get3A_12 = arith.constant 0 : index
    %get3A_13 = arith.constant 0 : index
    %get3A_14 = vector.load %arg8[%get3A_12, %get3A_13] : memref<128x128xf32, #tpu.memory_space<vmem>>, vector<128x128xf32>
    %dot_general3A_15 = arith.constant dense<0.000000e+00> : vector<1000x128xf32>
    %dot_general3A_16 = tpu.matmul %max3A_11, %get3A_14, %dot_general3A_15 {dimension_numbers = #tpu.dot_dimension_numbers<[1], [0], [0], [1], [0, 0, 1, 1], [], []>, transpose_lhs_hint = false} : vector<1000x128xf32>, vector<128x128xf32>, vector<1000x128xf32> -> vector<1000x128xf32>
    %get3A_17 = arith.constant 0 : index
    %get3A_18 = arith.constant 0 : index
    %get3A_19 = vector.load %arg2[%get3A_17, %get3A_18] : memref<1000x128xf32, #tpu.memory_space<vmem>>, vector<1000x128xf32>
    %add3A_20 = arith.addf %dot_general3A_16, %get3A_19 : vector<1000x128xf32>
    %get3A_21 = arith.constant 0 : index
    %get3A_22 = arith.constant 0 : index
    %get3A_23 = vector.load %arg3[%get3A_21, %get3A_22] : memref<1000x128xf32, #tpu.memory_space<vmem>>, vector<1000x128xf32>
    %add3A_24 = arith.addf %add3A_20, %get3A_23 : vector<1000x128xf32>
    %get3A_25 = arith.constant 0 : index
    %get3A_26 = arith.constant 0 : index
    %get3A_27 = vector.load %arg4[%get3A_25, %get3A_26] : memref<1000x1xf32, #tpu.memory_space<vmem>>, vector<1000x1xf32>
    %get3A_28 = arith.constant 0 : index
    %get3A_29 = arith.constant 0 : index
    %get3A_30 = vector.load %arg9[%get3A_28, %get3A_29] : memref<1x128xf32, #tpu.memory_space<vmem>>, vector<1x128xf32>
    %mul3A = vector.broadcast %get3A_27 : vector<1000x1xf32> to vector<1000x128xf32>
    %mul3A_31 = vector.broadcast %get3A_30 : vector<1x128xf32> to vector<1000x128xf32>
    %mul3A_32 = arith.mulf %mul3A, %mul3A_31 : vector<1000x128xf32>
    %add3A_33 = arith.addf %add3A_24, %mul3A_32 : vector<1000x128xf32>
    %get3A_34 = arith.constant 0 : index
    %get3A_35 = arith.constant 0 : index
    %get3A_36 = vector.load %arg5[%get3A_34, %get3A_35] : memref<1000x1xf32, #tpu.memory_space<vmem>>, vector<1000x1xf32>
    %get3A_37 = arith.constant 0 : index
    %get3A_38 = arith.constant 0 : index
    %get3A_39 = vector.load %arg10[%get3A_37, %get3A_38] : memref<1x128xf32, #tpu.memory_space<vmem>>, vector<1x128xf32>
    %mul3A_40 = vector.broadcast %get3A_36 : vector<1000x1xf32> to vector<1000x128xf32>
    %mul3A_41 = vector.broadcast %get3A_39 : vector<1x128xf32> to vector<1000x128xf32>
    %mul3A_42 = arith.mulf %mul3A_40, %mul3A_41 : vector<1000x128xf32>
    %add3A_43 = arith.addf %add3A_33, %mul3A_42 : vector<1000x128xf32>
    %swap3A = arith.constant 0 : index
    %swap3A_44 = arith.constant 0 : index
    %swap3A_45 = vector.load %arg11[%swap3A, %swap3A_44] : memref<1000x128xf32, #tpu.memory_space<vmem>>, vector<1000x128xf32>
    tpu.vector_store %arg11[%swap3A, %swap3A_44], %add3A_43 {strides = array<i32>} : memref<1000x128xf32, #tpu.memory_space<vmem>>, vector<1000x128xf32>,
    return
  }
  func.func @transform_0(%arg0: i32) -> (i32, i32) {
    %c0_i32 = arith.constant 0 : i32
    %c0_i32_0 = arith.constant 0 : i32
    return %arg0, %c0_i32 : i32, i32
  }
  func.func @transform_1(%arg0: i32) -> (i32, i32) {
    %c0_i32 = arith.constant 0 : i32
    %c0_i32_0 = arith.constant 0 : i32
    return %arg0, %c0_i32 : i32, i32
  }
  func.func @transform_2(%arg0: i32) -> (i32, i32) {
    %c0_i32 = arith.constant 0 : i32
    %c0_i32_0 = arith.constant 0 : i32
    return %arg0, %c0_i32 : i32, i32
  }
  func.func @transform_3(%arg0: i32) -> (i32, i32) {
    %c0_i32 = arith.constant 0 : i32
    %c0_i32_0 = arith.constant 0 : i32
    return %arg0, %c0_i32 : i32, i32
  }
  func.func @transform_4(%arg0: i32) -> (i32, i32) {
    %c0_i32 = arith.constant 0 : i32
    %c0_i32_0 = arith.constant 0 : i32
    return %arg0, %c0_i32 : i32, i32
  }
  func.func @transform_5(%arg0: i32) -> (i32, i32) {
    %c0_i32 = arith.constant 0 : i32
    %c0_i32_0 = arith.constant 0 : i32
    %c0_i32_1 = arith.constant 0 : i32
    return %c0_i32, %c0_i32_0 : i32, i32
  }
  func.func @transform_6(%arg0: i32) -> (i32, i32) {
    %c0_i32 = arith.constant 0 : i32
    %c0_i32_0 = arith.constant 0 : i32
    %c0_i32_1 = arith.constant 0 : i32
    return %c0_i32, %c0_i32_0 : i32, i32
  }
  func.func @transform_7(%arg0: i32) -> (i32, i32) {
    %c0_i32 = arith.constant 0 : i32
    %c0_i32_0 = arith.constant 0 : i32
    %c0_i32_1 = arith.constant 0 : i32
    return %c0_i32, %c0_i32_0 : i32, i32
  }
  func.func @transform_8(%arg0: i32) -> (i32, i32) {
    %c0_i32 = arith.constant 0 : i32
    %c0_i32_0 = arith.constant 0 : i32
    %c0_i32_1 = arith.constant 0 : i32
    return %c0_i32, %c0_i32_0 : i32, i32
  }
  func.func @transform_9(%arg0: i32) -> (i32, i32) {
    %c0_i32 = arith.constant 0 : i32
    %c0_i32_0 = arith.constant 0 : i32
    %c0_i32_1 = arith.constant 0 : i32
    return %c0_i32, %c0_i32_0 : i32, i32
  }
  func.func @transform_10(%arg0: i32) -> (i32, i32) {
    %c0_i32 = arith.constant 0 : i32
    %c0_i32_0 = arith.constant 0 : i32
    return %arg0, %c0_i32 : i32, i32
  }
}

module attributes {stable_mosaic.version = 14 : i64} {
  func.func @_final_body(%arg0: i32, %arg1: memref<1000x128xf32, #tpu.memory_space<vmem>>, %arg2: memref<1000x128xf32, #tpu.memory_space<vmem>>, %arg3: memref<1000x128xf32, #tpu.memory_space<vmem>>, %arg4: memref<1x1x1000xi32, #tpu.memory_space<vmem>>, %arg5: memref<1x128xf32, #tpu.memory_space<vmem>>, %arg6: memref<128x128xf32, #tpu.memory_space<vmem>>, %arg7: memref<1x128xf32, #tpu.memory_space<vmem>>, %arg8: memref<128x128xf32, #tpu.memory_space<vmem>>, %arg9: memref<1x128xf32, #tpu.memory_space<vmem>>, %arg10: memref<128x1xf32, #tpu.memory_space<vmem>>, %arg11: memref<1x1xf32, #tpu.memory_space<vmem>>, %arg12: memref<64x1xf32, #tpu.memory_space<vmem>>, %arg13: memref<64x128xf32, #tpu.memory_space<vmem>>, %arg14: memref<64x1xf32, #tpu.memory_space<vmem>>) attributes {dimension_semantics = [#tpu.dimension_semantics<arbitrary>], iteration_bounds = array<i64: 10>, scalar_prefetch = 0 : i64, scratch_operands = 2 : i64, tpu.core_type = #tpu.core_type<tc>, window_params = [{transform_indices = @transform_0, window_bounds = array<i64: 1000, 128>}, {transform_indices = @transform_1, window_bounds = array<i64: 1000, 128>}, {transform_indices = @transform_2, window_bounds = array<i64: 1000, 128>}, {transform_indices = @transform_3, window_bounds = array<i64: 1, 1, 1000>}, {pipeline_mode = #tpu.pipeline_mode<synchronous>, transform_indices = @transform_4, window_bounds = array<i64: 1, 128>}, {pipeline_mode = #tpu.pipeline_mode<synchronous>, transform_indices = @transform_5, window_bounds = array<i64: 128, 128>}, {pipeline_mode = #tpu.pipeline_mode<synchronous>, transform_indices = @transform_6, window_bounds = array<i64: 1, 128>}, {pipeline_mode = #tpu.pipeline_mode<synchronous>, transform_indices = @transform_7, window_bounds = array<i64: 128, 128>}, {pipeline_mode = #tpu.pipeline_mode<synchronous>, transform_indices = @transform_8, window_bounds = array<i64: 1, 128>}, {pipeline_mode = #tpu.pipeline_mode<synchronous>, transform_indices = @transform_9, window_bounds = array<i64: 128, 1>}, {pipeline_mode = #tpu.pipeline_mode<synchronous>, transform_indices = @transform_10, window_bounds = array<i64: 1, 1>}, {pipeline_mode = #tpu.pipeline_mode<synchronous>, transform_indices = @transform_11, window_bounds = array<i64: 64, 1>}]} {
    %eq3A = arith.constant 0 : i32
    %eq3A_0 = arith.cmpi eq, %arg0, %eq3A : i32
    %convert_element_type3A = arith.extui %eq3A_0 : i1 to i32
    %cond3A = arith.constant 0 : i32
    %cond3A_1 = arith.cmpi ne, %convert_element_type3A, %cond3A : i32
    scf.if %cond3A_1 {
      %broadcast_in_dim3A_60 = arith.constant 0.000000e+00 : f32
      %broadcast_in_dim3A_61 = vector.broadcast %broadcast_in_dim3A_60 : f32 to vector<64x128xf32>
      %swap3A_62 = arith.constant 0 : index
      %swap3A_63 = arith.constant 0 : index
      %swap3A_64 = vector.load %arg13[%swap3A_62, %swap3A_63] : memref<64x128xf32, #tpu.memory_space<vmem>>, vector<64x128xf32>
      tpu.vector_store %arg13[%swap3A_62, %swap3A_63], %broadcast_in_dim3A_61 {strides = array<i32>} : memref<64x128xf32, #tpu.memory_space<vmem>>, vector<64x128xf32>,
      %broadcast_in_dim3A_65 = arith.constant 0.000000e+00 : f32
      %broadcast_in_dim3A_66 = vector.broadcast %broadcast_in_dim3A_65 : f32 to vector<64x1xf32>
      %swap3A_67 = arith.constant 0 : index
      %swap3A_68 = arith.constant 0 : index
      %swap3A_69 = vector.load %arg14[%swap3A_67, %swap3A_68] : memref<64x1xf32, #tpu.memory_space<vmem>>, vector<64x1xf32>
      tpu.vector_store %arg14[%swap3A_67, %swap3A_68], %broadcast_in_dim3A_66 {strides = array<i32>} : memref<64x1xf32, #tpu.memory_space<vmem>>, vector<64x1xf32>,
    } else {
    }
    %get3A = arith.constant 0 : index
    %get3A_2 = arith.constant 0 : index
    %get3A_3 = vector.load %arg1[%get3A, %get3A_2] : memref<1000x128xf32, #tpu.memory_space<vmem>>, vector<1000x128xf32>
    %get3A_4 = arith.constant 0 : index
    %get3A_5 = arith.constant 0 : index
    %get3A_6 = vector.load %arg2[%get3A_4, %get3A_5] : memref<1000x128xf32, #tpu.memory_space<vmem>>, vector<1000x128xf32>
    %add3A = arith.addf %get3A_3, %get3A_6 : vector<1000x128xf32>
    %get3A_7 = arith.constant 0 : index
    %get3A_8 = arith.constant 0 : index
    %get3A_9 = vector.load %arg3[%get3A_7, %get3A_8] : memref<1000x128xf32, #tpu.memory_space<vmem>>, vector<1000x128xf32>
    %add3A_10 = arith.addf %add3A, %get3A_9 : vector<1000x128xf32>
    %get3A_11 = arith.constant 0 : index
    %get3A_12 = arith.constant 0 : index
    %get3A_13 = vector.load %arg5[%get3A_11, %get3A_12] : memref<1x128xf32, #tpu.memory_space<vmem>>, vector<1x128xf32>
    %add3A_14 = vector.broadcast %get3A_13 : vector<1x128xf32> to vector<1000x128xf32>
    %add3A_15 = arith.addf %add3A_10, %add3A_14 : vector<1000x128xf32>
    %max3A = arith.constant 0.000000e+00 : f32
    %max3A_16 = vector.broadcast %max3A : f32 to vector<1000x128xf32>
    %max3A_17 = arith.maximumf %add3A_15, %max3A_16 : vector<1000x128xf32>
    %get3A_18 = arith.constant 0 : index
    %get3A_19 = arith.constant 0 : index
    %get3A_20 = vector.load %arg6[%get3A_18, %get3A_19] : memref<128x128xf32, #tpu.memory_space<vmem>>, vector<128x128xf32>
    %dot_general3A = arith.constant dense<0.000000e+00> : vector<1000x128xf32>
    %dot_general3A_21 = tpu.matmul %max3A_17, %get3A_20, %dot_general3A {dimension_numbers = #tpu.dot_dimension_numbers<[1], [0], [0], [1], [0, 0, 1, 1], [], []>, transpose_lhs_hint = false} : vector<1000x128xf32>, vector<128x128xf32>, vector<1000x128xf32> -> vector<1000x128xf32>
    %get3A_22 = arith.constant 0 : index
    %get3A_23 = arith.constant 0 : index
    %get3A_24 = vector.load %arg7[%get3A_22, %get3A_23] : memref<1x128xf32, #tpu.memory_space<vmem>>, vector<1x128xf32>
    %add3A_25 = vector.broadcast %get3A_24 : vector<1x128xf32> to vector<1000x128xf32>
    %add3A_26 = arith.addf %dot_general3A_21, %add3A_25 : vector<1000x128xf32>
    %max3A_27 = arith.constant 0.000000e+00 : f32
    %max3A_28 = vector.broadcast %max3A_27 : f32 to vector<1000x128xf32>
    %max3A_29 = arith.maximumf %add3A_26, %max3A_28 : vector<1000x128xf32>
    %get3A_30 = arith.constant 0 : index
    %get3A_31 = arith.constant 0 : index
    %get3A_32 = arith.constant 0 : index
    %get3A_33 = vector.load %arg4[%get3A_30, %get3A_31, %get3A_32] : memref<1x1x1000xi32, #tpu.memory_space<vmem>>, vector<1x1x1000xi32>
    %get3A_34 = vector.shape_cast %get3A_33 : vector<1x1x1000xi32> to vector<1x1000xi32>
    %iota3A = tpu.iota {dimensions = array<i32: 0>} : vector<64x1000xi32>
    %eq3A_35 = vector.broadcast %get3A_34 : vector<1x1000xi32> to vector<64x1000xi32>
    %eq3A_36 = arith.cmpi eq, %iota3A, %eq3A_35 : vector<64x1000xi32>
    %convert_element_type3A_37 = arith.extui %eq3A_36 : vector<64x1000xi1> to vector<64x1000xi32>
    %convert_element_type3A_38 = arith.sitofp %convert_element_type3A_37 : vector<64x1000xi32> to vector<64x1000xf32>
    %get3A_39 = arith.constant 0 : index
    %get3A_40 = arith.constant 0 : index
    %get3A_41 = vector.load %arg13[%get3A_39, %get3A_40] : memref<64x128xf32, #tpu.memory_space<vmem>>, vector<64x128xf32>
    %dot_general3A_42 = arith.constant dense<0.000000e+00> : vector<64x128xf32>
    %dot_general3A_43 = tpu.matmul %convert_element_type3A_38, %max3A_29, %dot_general3A_42 {dimension_numbers = #tpu.dot_dimension_numbers<[1], [0], [0], [1], [0, 0, 1, 1], [], []>, transpose_lhs_hint = false} : vector<64x1000xf32>, vector<1000x128xf32>, vector<64x128xf32> -> vector<64x128xf32>
    %add3A_44 = arith.addf %get3A_41, %dot_general3A_43 : vector<64x128xf32>
    %swap3A = arith.constant 0 : index
    %swap3A_45 = arith.constant 0 : index
    %swap3A_46 = vector.load %arg13[%swap3A, %swap3A_45] : memref<64x128xf32, #tpu.memory_space<vmem>>, vector<64x128xf32>
    tpu.vector_store %arg13[%swap3A, %swap3A_45], %add3A_44 {strides = array<i32>} : memref<64x128xf32, #tpu.memory_space<vmem>>, vector<64x128xf32>,
    %get3A_47 = arith.constant 0 : index
    %get3A_48 = arith.constant 0 : index
    %get3A_49 = vector.load %arg14[%get3A_47, %get3A_48] : memref<64x1xf32, #tpu.memory_space<vmem>>, vector<64x1xf32>
    %reduce_sum3A = arith.constant dense<0.000000e+00> : vector<64xf32>
    %reduce_sum3A_50 = vector.multi_reduction <add>, %convert_element_type3A_38, %reduce_sum3A [1] : vector<64x1000xf32> to vector<64xf32>
    %broadcast_in_dim3A = vector.shape_cast %reduce_sum3A_50 : vector<64xf32> to vector<64x1xf32>
    %add3A_51 = arith.addf %get3A_49, %broadcast_in_dim3A : vector<64x1xf32>
    %swap3A_52 = arith.constant 0 : index
    %swap3A_53 = arith.constant 0 : index
    %swap3A_54 = vector.load %arg14[%swap3A_52, %swap3A_53] : memref<64x1xf32, #tpu.memory_space<vmem>>, vector<64x1xf32>
    tpu.vector_store %arg14[%swap3A_52, %swap3A_53], %add3A_51 {strides = array<i32>} : memref<64x1xf32, #tpu.memory_space<vmem>>, vector<64x1xf32>,
    %eq3A_55 = arith.constant 9 : i32
    %eq3A_56 = arith.cmpi eq, %arg0, %eq3A_55 : i32
    %convert_element_type3A_57 = arith.extui %eq3A_56 : i1 to i32
    %cond3A_58 = arith.constant 0 : i32
    %cond3A_59 = arith.cmpi ne, %convert_element_type3A_57, %cond3A_58 : i32
    scf.if %cond3A_59 {
      %get3A_60 = arith.constant 0 : index
      %get3A_61 = arith.constant 0 : index
      %get3A_62 = vector.load %arg13[%get3A_60, %get3A_61] : memref<64x128xf32, #tpu.memory_space<vmem>>, vector<64x128xf32>
      %get3A_63 = arith.constant 0 : index
      %get3A_64 = arith.constant 0 : index
      %get3A_65 = vector.load %arg14[%get3A_63, %get3A_64] : memref<64x1xf32, #tpu.memory_space<vmem>>, vector<64x1xf32>
      %max3A_66 = arith.constant 1.000000e+00 : f32
      %max3A_67 = vector.broadcast %max3A_66 : f32 to vector<64x1xf32>
      %max3A_68 = arith.maximumf %get3A_65, %max3A_67 : vector<64x1xf32>
      %div3A = vector.broadcast %max3A_68 : vector<64x1xf32> to vector<64x128xf32>
      %div3A_69 = arith.divf %get3A_62, %div3A : vector<64x128xf32>
      %get3A_70 = arith.constant 0 : index
      %get3A_71 = arith.constant 0 : index
      %get3A_72 = vector.load %arg8[%get3A_70, %get3A_71] : memref<128x128xf32, #tpu.memory_space<vmem>>, vector<128x128xf32>
      %dot_general3A_73 = arith.constant dense<0.000000e+00> : vector<64x128xf32>
      %dot_general3A_74 = tpu.matmul %div3A_69, %get3A_72, %dot_general3A_73 {dimension_numbers = #tpu.dot_dimension_numbers<[1], [0], [0], [1], [0, 0, 1, 1], [], []>, transpose_lhs_hint = false} : vector<64x128xf32>, vector<128x128xf32>, vector<64x128xf32> -> vector<64x128xf32>
      %get3A_75 = arith.constant 0 : index
      %get3A_76 = arith.constant 0 : index
      %get3A_77 = vector.load %arg9[%get3A_75, %get3A_76] : memref<1x128xf32, #tpu.memory_space<vmem>>, vector<1x128xf32>
      %add3A_78 = vector.broadcast %get3A_77 : vector<1x128xf32> to vector<64x128xf32>
      %add3A_79 = arith.addf %dot_general3A_74, %add3A_78 : vector<64x128xf32>
      %max3A_80 = arith.constant 0.000000e+00 : f32
      %max3A_81 = vector.broadcast %max3A_80 : f32 to vector<64x128xf32>
      %max3A_82 = arith.maximumf %add3A_79, %max3A_81 : vector<64x128xf32>
      %get3A_83 = arith.constant 0 : index
      %get3A_84 = arith.constant 0 : index
      %get3A_85 = vector.load %arg10[%get3A_83, %get3A_84] : memref<128x1xf32, #tpu.memory_space<vmem>>, vector<128x1xf32>
      %dot_general3A_86 = arith.constant dense<0.000000e+00> : vector<64x1xf32>
      %dot_general3A_87 = tpu.matmul %max3A_82, %get3A_85, %dot_general3A_86 {dimension_numbers = #tpu.dot_dimension_numbers<[1], [0], [0], [1], [0, 0, 1, 1], [], []>, transpose_lhs_hint = false} : vector<64x128xf32>, vector<128x1xf32>, vector<64x1xf32> -> vector<64x1xf32>
      %get3A_88 = arith.constant 0 : index
      %get3A_89 = arith.constant 0 : index
      %get3A_90 = vector.load %arg11[%get3A_88, %get3A_89] : memref<1x1xf32, #tpu.memory_space<vmem>>, vector<1x1xf32>
      %add3A_91 = vector.broadcast %get3A_90 : vector<1x1xf32> to vector<64x1xf32>
      %add3A_92 = arith.addf %dot_general3A_87, %add3A_91 : vector<64x1xf32>
      %swap3A_93 = arith.constant 0 : index
      %swap3A_94 = arith.constant 0 : index
      %swap3A_95 = vector.load %arg12[%swap3A_93, %swap3A_94] : memref<64x1xf32, #tpu.memory_space<vmem>>, vector<64x1xf32>
      tpu.vector_store %arg12[%swap3A_93, %swap3A_94], %add3A_92 {strides = array<i32>} : memref<64x1xf32, #tpu.memory_space<vmem>>, vector<64x1xf32>,
    } else {
    }
    return
  }
  func.func @transform_0(%arg0: i32) -> (i32, i32) {
    %c0_i32 = arith.constant 0 : i32
    %c0_i32_0 = arith.constant 0 : i32
    return %arg0, %c0_i32 : i32, i32
  }
  func.func @transform_1(%arg0: i32) -> (i32, i32) {
    %c0_i32 = arith.constant 0 : i32
    %c0_i32_0 = arith.constant 0 : i32
    return %arg0, %c0_i32 : i32, i32
  }
  func.func @transform_2(%arg0: i32) -> (i32, i32) {
    %c0_i32 = arith.constant 0 : i32
    %c0_i32_0 = arith.constant 0 : i32
    return %arg0, %c0_i32 : i32, i32
  }
  func.func @transform_3(%arg0: i32) -> (i32, i32, i32) {
    %c0_i32 = arith.constant 0 : i32
    %c0_i32_0 = arith.constant 0 : i32
    %c0_i32_1 = arith.constant 0 : i32
    return %arg0, %c0_i32, %c0_i32_0 : i32, i32, i32
  }
  func.func @transform_4(%arg0: i32) -> (i32, i32) {
    %c0_i32 = arith.constant 0 : i32
    %c0_i32_0 = arith.constant 0 : i32
    %c0_i32_1 = arith.constant 0 : i32
    return %c0_i32, %c0_i32_0 : i32, i32
  }
  func.func @transform_5(%arg0: i32) -> (i32, i32) {
    %c0_i32 = arith.constant 0 : i32
    %c0_i32_0 = arith.constant 0 : i32
    %c0_i32_1 = arith.constant 0 : i32
    return %c0_i32, %c0_i32_0 : i32, i32
  }
  func.func @transform_6(%arg0: i32) -> (i32, i32) {
    %c0_i32 = arith.constant 0 : i32
    %c0_i32_0 = arith.constant 0 : i32
    %c0_i32_1 = arith.constant 0 : i32
    return %c0_i32, %c0_i32_0 : i32, i32
  }
  func.func @transform_7(%arg0: i32) -> (i32, i32) {
    %c0_i32 = arith.constant 0 : i32
    %c0_i32_0 = arith.constant 0 : i32
    %c0_i32_1 = arith.constant 0 : i32
    return %c0_i32, %c0_i32_0 : i32, i32
  }
  func.func @transform_8(%arg0: i32) -> (i32, i32) {
    %c0_i32 = arith.constant 0 : i32
    %c0_i32_0 = arith.constant 0 : i32
    %c0_i32_1 = arith.constant 0 : i32
    return %c0_i32, %c0_i32_0 : i32, i32
  }
  func.func @transform_9(%arg0: i32) -> (i32, i32) {
    %c0_i32 = arith.constant 0 : i32
    %c0_i32_0 = arith.constant 0 : i32
    %c0_i32_1 = arith.constant 0 : i32
    return %c0_i32, %c0_i32_0 : i32, i32
  }
  func.func @transform_10(%arg0: i32) -> (i32, i32) {
    %c0_i32 = arith.constant 0 : i32
    %c0_i32_0 = arith.constant 0 : i32
    %c0_i32_1 = arith.constant 0 : i32
    return %c0_i32, %c0_i32_0 : i32, i32
  }
  func.func @transform_11(%arg0: i32) -> (i32, i32) {
    %c0_i32 = arith.constant 0 : i32
    %c0_i32_0 = arith.constant 0 : i32
    %c0_i32_1 = arith.constant 0 : i32
    return %c0_i32, %c0_i32_0 : i32, i32
  }
}

</mosaic_0001>

<sc_bundles>
// kernel: kernel.12.cloned.1.call-start
scs
__scs_entry_jumppad:
0x0: {  	(pc) =	sbr.rel $0x88, $3  }
0x1: {  	(tag) =	ssettag $0x0;
	lr =	simm.s32 $0x1  }
0x2: {  	[smem:$0x3F8D] =	sst lr;
	_ =	strace $0xD0000000  }
0x3: {  	_ = 	snop  }
0x4: {  	_ = 	snop  }
0x5: {  	_ = 	snop  }
0x6: {  	_ = 	snop  }
0x7: {  	_ = 	snop  }
__scs_overlays_trampoline_lowered:
0x8: {  	[smem:$0x3F9C] =	sst s0  }
0x9: {  	[smem:$0x3F9D] =	sst s1  }
0xa: {  	[smem:$0x3F9E] =	sst s2  }
0xb: {  	[smem:$0x3F9F] =	sst s3  }
0xc: {  	[smem:$0x3FA0] =	sst s4  }
0xd: {  	[smem:$0x3FA1] =	sst s5  }
0xe: {  	[smem:$0x3FA2] =	sst s6  }
0xf: {  	[smem:$0x3FA3] =	sst s7  }
0x10: {  	[smem:$0x3FA4] =	sst s8  }
0x11: {  	[smem:$0x3FA5] =	sst s9;
	s0 =	simm.s32 @!p0 $0x0  }
0x12: {  	s1 =	sld [smem:$0x3F8B];
	s0 =	simm.s32 @p0 $0x1  }
0x13: {  	[smem:$0x3FA6] =	sst s0;
	s0 =	simm.s32 @!p1 $0x0  }
0x14: {  	s2 =	sld [smem:$0x3F8A];
	s0 =	simm.s32 @p1 $0x1  }
0x15: {  	[smem:$0x3FA7] =	sst s0;
	s0 =	simm.s32 @!p2 $0x0  }
0x16: {  	s3 =	sld [smem:$0x3FDB];
	s0 =	simm.s32 @p2 $0x1  }
0x17: {  	s4 =	simm.s32 $0x1BF5;
	[smem:$0x3FA9] =	sst s0  }
0x18: {  	s0 =	sld [smem:$0x3F8C];
	_ =	swait.ge [sflag:s4], $0x0  }
0x19: {  	s7 =	sld [smem:$0x3F8D]  }
0x1a: {  	s8 =	sadd.s32 $0xFFFFE003, lr  }
0x1b: {  	s9 =	sadd.s32 $0xFFFFFEF7, lr;
	s5 =	simm.s32 $0xFFFFFFFF;
	p2 =	slt.u32 s8, $0xFFFFF086  }
0x1c: {  	p1 =	slt.u32 s9, $0xF7A;
	s5 =	simm.s32 @!p2 $0x0  }
0x1d: {  	s5 =	simm.s32 @p1 $0x1;
	p0 =	seq.s32 s7, s2  }
0x1e: {  	s7 =	smul.u32 @!p0 $0xF7A, s2;
	p2 =	seq.s32 @!p0 s5, $0x0  }
0x1f: {  	s9 =	smul.u32 $0xF7A, s1;
	s8 =	simm.s32 @!p0 $0x1BF5;
	p2 =	por !p2, p0  }
0x20: {  	[sflag:s8] =	ssyncset.s32 @!p0 $0xFFFFF086;
	s6 =	sadd.s32 @!p0 s3, s7;
	s7 =	simm.s32 @!p0 $0x108  }
0x21: {  	s3 =	sadd.s32 s3, s9;
	s6 =	sadd.s32 @!p0 $0x88, s6;
	s7 =	simm.s32 @p2 $0x1082  }
0x22: {  	[simem:s7], [sflag:s8] =	dma.local @!p0 [hbm:s6], $0xF7A  }
0x23: {  	s9 =	sor.u32 $0xD0000000, s2;
	s6 =	simm.s32 $0x108;
	_ =	swait.ge @!p0 [sflag:s8], $0x0  }
0x24: {  	s3 =	sadd.s32 $0x88, s3;
	s6 =	simm.s32 @!p1 $0x1082;
	[sflag:s4] =	ssyncset.s32 $0xFFFFF086  }
0x25: {  	[simem:s6], [sflag:s4] =	dma.local [hbm:s3], $0xF7A  }
0x26: {  	[smem:$0x3F8D] =	sst s1;
	(tag) =	ssettag s2;
	_ =	strace s9  }
0x27: {  	s1 =	sld [smem:$0x3F9D]  }
0x28: {  	s2 =	sld [smem:$0x3F9E]  }
0x29: {  	s4 =	sld [smem:$0x3FA0]  }
0x2a: {  	p0 =	seq.s32 s5, $0x0;
	s5 =	sld [smem:$0x3FA1]  }
0x2b: {  	s6 =	sld [smem:$0x3FA2]  }
0x2c: {  	s7 =	sld [smem:$0x3FA3]  }
0x2d: {  	s3 =	simm.s32 $0x108;
	s8 =	sld [smem:$0x3FA4]  }
0x2e: {  	s3 =	simm.s32 @!p0 $0x1082;
	s9 =	sld [smem:$0x3FA5]  }
0x2f: {  	lr =	sadd.s32 s0, s3;
	s0 =	sld [smem:$0x3F9C]  }
0x30: {  	s3 =	sld [smem:$0x3F9F]  }
0x31: {  	[smem:$0x3FA8] =	sst s10  }
0x32: {  	s10 =	sld [smem:$0x3FA6];
	_ =	sdelay $0x3  }
0x33: {  	p0 =	seq.s32 s10, $0x1;
	s10 =	sld [smem:$0x3FA8];
	_ =	sdelay $0x3  }
0x34: {  	[smem:$0x3FA8] =	sst s10  }
0x35: {  	s10 =	sld [smem:$0x3FA7];
	_ =	sdelay $0x3  }
0x36: {  	p1 =	seq.s32 s10, $0x1;
	s10 =	sld [smem:$0x3FA8];
	_ =	sdelay $0x3  }
0x37: {  	[smem:$0x3FA8] =	sst s10  }
0x38: {  	s10 =	sld [smem:$0x3FA9]  }
0x39: {  	_ = 	snop;
	(pc) =	sbr.ind lr, $3  }
0x3a: {  	_ = 	snop  }
0x3b: {  	_ = 	snop  }
0x3c: {  	p2 =	seq.s32 s10, $0x1;
	s10 =	sld [smem:$0x3FA8]  }
0x3d: {  	_ =	shalt  }
0x3e: {  	_ =	shalt  }
0x3f: {  	_ =	shalt  }
0x40: {  	_ =	shalt  }
0x41: {  	_ =	shalt  }
0x42: {  	_ =	shalt  }
0x43: {  	_ =	shalt  }
0x44: {  	_ =	shalt  }
0x45: {  	_ =	shalt  }
0x46: {  	_ =	shalt  }
0x47: {  	_ =	shalt  }
0x48: {  	_ =	shalt  }
0x49: {  	_ =	shalt  }
0x4a: {  	_ =	shalt  }
0x4b: {  	_ =	shalt  }
0x4c: {  	_ =	shalt  }
0x4d: {  	_ =	shalt  }
0x4e: {  	_ =	shalt  }
0x4f: {  	_ =	shalt  }
0x50: {  	_ =	shalt  }
0x51: {  	_ =	shalt  }
0x52: {  	_ =	shalt  }
0x53: {  	_ =	shalt  }
0x54: {  	_ =	shalt  }
0x55: {  	_ =	shalt  }
0x56: {  	_ =	shalt  }
0x57: {  	_ =	shalt  }
0x58: {  	_ =	shalt  }
0x59: {  	_ =	shalt  }
0x5a: {  	_ =	shalt  }
0x5b: {  	_ =	shalt  }
0x5c: {  	_ =	shalt  }
0x5d: {  	_ =	shalt  }
0x5e: {  	_ =	shalt  }
0x5f: {  	_ =	shalt  }
0x60: {  	_ =	shalt  }
0x61: {  	_ =	shalt  }
0x62: {  	_ =	shalt  }
0x63: {  	_ =	shalt  }
0x64: {  	_ =	shalt  }
0x65: {  	_ =	shalt  }
0x66: {  	_ =	shalt  }
0x67: {  	_ =	shalt  }
0x68: {  	_ =	shalt  }
0x69: {  	_ =	shalt  }
0x6a: {  	_ =	shalt  }
0x6b: {  	_ =	shalt  }
0x6c: {  	_ =	shalt  }
0x6d: {  	_ =	shalt  }
0x6e: {  	_ =	shalt  }
0x6f: {  	_ =	shalt  }
0x70: {  	_ =	shalt  }
0x71: {  	_ =	shalt  }
0x72: {  	_ =	shalt  }
0x73: {  	_ =	shalt  }
0x74: {  	_ =	shalt  }
0x75: {  	_ =	shalt  }
0x76: {  	_ =	shalt  }
0x77: {  	_ =	shalt  }
0x78: {  	_ =	shalt  }
0x79: {  	_ =	shalt  }
0x7a: {  	_ =	shalt  }
0x7b: {  	_ =	shalt  }
0x7c: {  	_ =	shalt  }
0x7d: {  	_ =	shalt  }
0x7e: {  	_ =	shalt  }
0x7f: {  	_ =	shalt  }
0x80: {  	_ =	shalt  }
0x81: {  	_ =	shalt  }
0x82: {  	_ =	shalt  }
0x83: {  	_ =	shalt  }
0x84: {  	_ =	shalt  }
0x85: {  	_ =	shalt  }
0x86: {  	_ =	shalt  }
0x87: {  	_ =	shalt  }
.Lfunc_end0:
.L_simem_size_0:
called_computation.1_lowered:
.L_overlay_start_0:
0x88: {  	s2 =	sld [smem:$0x3FD9]  }
0x89: {  	s3 =	sld [smem:$0x3FFE];
	_ =	sdelay $0x1  }
0x8a: {  	s1 =	srdreg.scid  }
0x8b: {  	s0 =	sand.u32 $0x1, s1  }
0x8c: {  	s16 =	sshll.u32 s0, $0xA;
	s2 =	sadd.s32 s3, s2  }
0x8d: {  	s2 =	sadd.s32 s2, s16  }
0x8e: {  	[smem:$0x3FB4] =	sst s2  }
0x8f: {  	_ = 	snop  }
0x90: {  	(tm) =	ssettm $0x1  }
0x91: {  	s17 =	sld [smem:$0x3FFB];
	_ =	sdelay $0x3  }
0x92: {  	_ =	strace s17  }
0x93: {  	s2 =	sld [smem:$0x3FFC];
	_ =	sdelay $0x3  }
0x94: {  	_ =	strace s2  }
0x95: {  	s2 =	sld [smem:$0x3FFD];
	_ =	sdelay $0x3  }
0x96: {  	_ =	strace s2  }
0x97: {  	_ =	strace $0x8FFFFFFF  }
0x98: {  	s18 =	sld [smem:$0x3FDB];
	_ =	sdelay $0x1  }
0x99: {  	s19 =	simm.s32 $_scs_section_size  }
0x9a: {  	s4 =	simm.s32 $_size__tile_overlayer_lowered;
	s5 =	simm.s32 $_tile_overlayer_lowered  }
0x9b: {  	s22 =	simm.s32 $0x1BFF;
	s21 =	sshll.u32 s5, $0x1;
	s2 =	sadd.s32 s19, s18  }
0x9c: {  	s6 =	simm.s32 $0x0;
	s20 =	sshll.u32 s4, $0x1;
	s4 =	sadd.s32 s21, s2  }
0x9d: {  	[timem:s6], [sflag:s22] =	dma.local [hbm:s4], s20  }
0x9e: {  	_ =	swait.ge [sflag:s22], s20  }
0x9f: {  	s3 =	ssub.s32 $0x0, s20;
	[sflag:s22] =	ssyncset.done $0x0  }
0xa0: {  	[sflag:s22] =	ssyncadd.s32 s3;
	_ =	sdelay $0x1  }
0xa1: {  	s23 =	simm.s32 $0x1B8B  }
0xa2: {  	_ =	swait.ge [sflag:s23], $0x1  }
0xa3: {  	[sflag:s23] =	ssyncset.done $0x0  }
0xa4: {  	s25 =	simm.s32 $0x1B8E;
	s24 =	sld [smem:$0x3FFE];
	[sflag:s23] =	ssyncadd.s32 $0xFFFFFFFF  }
0xa5: {  	s26 =	simm.s32 $execute0_lowered;
	[smem:$0x3FD2] =	sst s25  }
0xa6: {  	s4 =	sshll.u32 s26, $0x1;
	_ =	strace $0x80000049;
	[dreg:$0x1] =	wrdreg $0xFFFFFFFF  }
0xa7: {  	s28 =	simm.s32 $_size_execute0_lowered;
	s2 =	sadd.s32 s2, s4;
	[dreg:$0x0] =	wrdreg $0x0  }
0xa8: {  	s4 =	sshll.u32 s28, $0x1;
	[dreg:$0x2] =	wrdreg s2  }
0xa9: {  	[dreg:$0x3] =	wrdreg s4  }
0xaa: {  	[dreg:$0x4] =	wrdreg $0xC0  }
0xab: {  	_ =	task [dreg:s6], $0x5FFFF  }
0xac: {  	[dreg:$0x1] =	wrdreg $0xFFFFFFFF  }
0xad: {  	[dreg:$0x0] =	wrdreg $0x60  }
0xae: {  	[dreg:$0x2] =	wrdreg s24  }
0xaf: {  	[dreg:$0x3] =	wrdreg $0x53000  }
0xb0: {  	[dreg:$0x4] =	wrdreg $0x193000  }
0xb1: {  	[dreg:$0x5] =	wrdreg $0x195800  }
0xb2: {  	[dreg:$0x6] =	wrdreg $0x9  }
0xb3: {  	_ =	task.clear_ibuf [dreg:s6], $0x7FFFF;
	_ =	strace $0x90000049  }
0xb4: {  	s29 =	simm.s32 $0x9;
	_ =	strace $0x8000004B  }
0xb5: {  	_ =	swait.ge [sflag:s29], $0x1  }
0xb6: {  	[sflag:s29] =	ssyncadd.s32 $0xFFFFFFFF  }
0xb7: {  	_ =	strace $0x9000004B  }
0xb8: {  	_ =	sfence  }
0xb9: {  	s30 =	sld [smem:$0x0];
	_ =	sdelay $0x2  }
0xba: {  	s31 =	sshll.u32 s1, $0xD;
	s1 =	sshrl.u32 s1, $0x2  }
0xbb: {  	s3 =	sand.u32 $0x4000, s31;
	s1 =	sadd.s32 s1, s30  }
0xbc: {  	s0 =	sor.u32 s3, s0;
	s1 =	sshll.u32 s1, $0x11  }
0xbd: {  	s0 =	sor.u32 s1, s0  }
0xbe: {  	s0 =	sadd.s32 $0x8F2B, s0  }
0xbf: {  	[sflag:s0] =	ssyncadd.remote.s32 $0x1  }
0xc0: {  	_ =	sfence.sel $0xFFFF  }
0xc1: {  	[dreg:$0x0] =	wrdreg $0xFFFFFFFF;
	(pc) =	sbr.abs _section_cstart, $3  }
0xc2: {  	[dreg:$0x1] =	wrdreg $0xFFFFFFFF  }
0xc3: {  	_ =	task.clear_ibuf [dreg:s6], $0x2FFFF;
	_ =	strace $0x9FFFFFFF  }
0xc4: {  	(tm) =	ssettm $0x7FFFFFFF  }
0xc5: {  	_ =	shalt  }
tec
execute0_lowered:
.L_overlay_start_1:
0x0: {  	(tag) =	ssettag $0x1  }
0x1: {  	s0 =	rddreg [dreg:$0x0]  }
0x2: {  	s1 =	rddreg [dreg:$0x1]  }
0x3: {  	s2 =	rddreg [dreg:$0x2]  }
0x4: {  	s3 =	rddreg [dreg:$0x3];
	s4 =	simm.s32 $0x0;
	s5 =	srdreg.scid  }
0x5: {  	s19 =	stileid.u32;
	s28 =	simm.s32 $0x0;
	[smem:$0x7FF] =	sst s4  }
0x6: {  	s5 =	sand.u32 $0x1, s5;
	s10 =	sadd.s32 $0x523400, s0;
	s11 =	smul.u32 $0x14000, s19  }
0x7: {  	s6 =	sadd.s32 $0x19C00, s0;
	s7 =	sadd.s32 $0x23A00, s0;
	s12 =	smul.u32 $0x500, s19  }
0x8: {  	s8 =	sadd.s32 $0x6000, s0;
	s13 =	sadd.s32 $0x2D800, s0;
	s20 =	smul.u32 $0x280, s19  }
0x9: {  	s15 =	sadd.s32 $0x4E00, s0;
	s21 =	sshll.u32 s19, $0x6;
	s25 =	smul.u32 $0x2710, s19  }
0xa: {  	_ =	strace $0x8000004A;
	s9 =	smul.u32 $0x140000, s5;
	[dreg:$0x5] =	wrdreg s13  }
0xb: {  	s14 =	sshll.u32 s5, $0x7;
	[dreg:$0x6] =	wrdreg s15;
	s23 =	smul.u32 $0x271000, s5  }
0xc: {  	s16 =	sshll.u32 s5, $0x4;
	s17 =	ssub.s32 $0x2, s5;
	s5 =	smul.u32 $0x27100, s5  }
0xd: {  	s18 =	sshrl.u32 s17, $0x1;
	s22 =	sadd.s32 s20, s2;
	s13 =	sadd.s32 s20, s3  }
0xe: {  	s9 =	sadd.s32 s11, s9;
	s11 =	sor.u32 s14, s12;
	[dreg:$0x9] =	wrdreg s22  }
0xf: {  	s12 =	sor.u32 s19, s16;
	s14 =	smul.u32 $0x50000, s19;
	[dreg:$0xc] =	wrdreg s13  }
0x10: {  	s5 =	sadd.s32 s25, s5;
	s9 =	sshrl.u32 s9, $0x3;
	s15 =	smul.u32 $0x2710, s12  }
0x11: {  	s11 =	sshrl.u32 s11, $0x3;
	s16 =	smul.u32 $0x27100, s12;
	s12 =	sor.u32 $0x1C07, s21  }
0x12: {  	s21 =	sadd.s32 $0xF0, s5;
	s9 =	sadd.s32 s9, s0;
	s0 =	sadd.s32 s11, s0  }
0x13: {  	s11 =	ssub.s32 s17, s18;
	s14 =	sshrl.u32 s14, $0x2;
	s18 =	smul.u32 $0x27100, s19  }
0x14: {  	[dreg:$0x8] =	wrdreg s12;
	s14 =	sadd.s32 s14, s1;
	s17 =	sshrl.u32 s15, $0x3  }
0x15: {  	s15 =	sadd.s32 $0x50, s15;
	s16 =	sadd.s32 s10, s16;
	[dreg:$0x7] =	wrdreg s14  }
0x16: {  	s9 =	sadd.s32 $0x30000, s9;
	s22 =	sadd.s32 $0x5000, s0;
	[dreg:$0xa] =	wrdreg s16  }
0x17: {  	s0 =	sadd.s32 $0x80000, s0;
	s24 =	sshll.u32 s15, $0x4;
	[dreg:$0x13] =	wrdreg s9  }
0x18: {  	s26 =	sadd.s32 s8, s17;
	s14 =	sadd.s32 s6, s17;
	[dreg:$0x14] =	wrdreg s22  }
0x19: {  	[dreg:$0x15] =	wrdreg s0;
	s9 =	simm.s32 $0x5;
	s22 =	simm.s32 $0x3  }
0x1a: {  	s16 =	sadd.s32 s10, s24;
	s10 =	sadd.s32 s23, s10;
	[dreg:$0xd] =	wrdreg s26  }
0x1b: {  	[dreg:$0xe] =	wrdreg s14;
	s23 =	sshrl.u32 s21, $0x3;
	s24 =	smax.u32 s11, $0x1  }
0x1c: {  	s26 =	sadd.s32 $0xA0, s5;
	s5 =	simm.s32 $0x7;
	s11 =	simm.s32 $0x100  }
0x1d: {  	s14 =	simm.s32 $0x5200;
	s21 =	simm.s32 $0x50;
	[dreg:$0xb] =	wrdreg s16  }
0x1e: {  	s10 =	sadd.s32 s18, s10;
	s16 =	sshrl.u32 s15, $0x3;
	s18 =	sadd.s32 s7, s17  }
0x1f: {  	[dreg:$0x16] =	wrdreg s24;
	s29 =	sadd.s32 s23, s7;
	s30 =	sadd.s32 s23, s6  }
0x20: {  	s31 =	sadd.s32 s23, s8;
	[dreg:$0x18] =	wrdreg s26;
	s15 =	simm.s32 $0x80  }
0x21: {  	s17 =	simm.s32 $0x2900;
	[dreg:$0xf] =	wrdreg s18;
	s19 =	sadd.s32 s8, s16  }
.Ltmp0:
0x22: {  	s20 =	sadd.s32 s6, s16;
	[dreg:$0x10] =	wrdreg s19;
	(pc) =	sbr.rel .LBB2_1-.Ltmp0, $4  }
0x23: {  	s23 =	simm.s32 $0x2;
	s13 =	sadd.s32 s7, s16;
	[dreg:$0x11] =	wrdreg s20  }
0x24: {  	s24 =	simm.s32 $0x4;
	s25 =	sadd.s32 $0xF00, s10;
	[dreg:$0x12] =	wrdreg s13  }
0x25: {  	s16 =	simm.s32 $0x6;
	s18 =	simm.s32 $0x5180;
	[dreg:$0x17] =	wrdreg s25  }
0x26: {  	s13 =	simm.s32 $0x5100;
	s19 =	simm.s32 $0x5280;
	s20 =	simm.s32 $0x1  }
.LBB2_4:
0x27: {  	_ =	swait.ge [sflag:s20], $0x2800  }
0x28: {  	[sflag:s20] =	ssyncset.done $0x0  }
0x29: {  	[sflag:s20] =	ssyncadd.s32 $0xFFFFD800  }
0x2a: {  	_ =	swait.ge [sflag:s20], $0x50  }
0x2b: {  	[sflag:s20] =	ssyncset.done $0x0  }
0x2c: {  	[sflag:s20] =	ssyncadd.s32 $0xFFFFFFB0  }
0x2d: {  	_ =	swait.ge [sflag:s20], $0x50  }
0x2e: {  	[sflag:s20] =	ssyncset.done $0x0  }
0x2f: {  	[sflag:s20] =	ssyncadd.s32 $0xFFFFFFB0  }
0x30: {  	[spmem:s1] =	stream.indirect.scatter.add.f32 [tilespmem:s11], [sflag:$0x3], $0x80, s4, s21, $0xb8;
	[tilespmem:$0x19800] =	vst v63  }
0x31: {  	_ = 	snop  }
0x32: {  	[spmem:s2] =	stream.indirect.scatter.add.f32 [tilespmem:s13], [sflag:$0x3], $0x1, s4, s21, $0xb8;
	[tilespmem:$0x19800] =	vst v63  }
0x33: {  	_ = 	snop  }
0x34: {  	[spmem:s3] =	stream.indirect.scatter.add.f32 [tilespmem:s14], [sflag:$0x3], $0x1, s4, s21, $0xb8;
	[tilespmem:$0x19800] =	vst v63  }
0x35: {  	_ =	swait.ge [sflag:s22], $0x2800  }
0x36: {  	[sflag:s22] =	ssyncset.done $0x0  }
0x37: {  	[sflag:s22] =	ssyncadd.s32 $0xFFFFD800  }
0x38: {  	_ =	swait.ge [sflag:s22], $0x50  }
0x39: {  	[sflag:s22] =	ssyncset.done $0x0  }
0x3a: {  	[sflag:s22] =	ssyncadd.s32 $0xFFFFFFB0  }
0x3b: {  	_ =	swait.ge [sflag:s22], $0x50  }
0x3c: {  	[sflag:s22] =	ssyncset.done $0x0  }
0x3d: {  	[sflag:s22] =	ssyncadd.s32 $0xFFFFFFB0  }
0x3e: {  	_ =	swait.ge [sflag:s24], $0x2800  }
0x3f: {  	[sflag:s24] =	ssyncset.done $0x0  }
0x40: {  	[sflag:s24] =	ssyncadd.s32 $0xFFFFD800  }
0x41: {  	_ =	swait.ge [sflag:s24], $0x50  }
0x42: {  	[sflag:s24] =	ssyncset.done $0x0  }
0x43: {  	[sflag:s24] =	ssyncadd.s32 $0xFFFFFFB0  }
0x44: {  	_ =	swait.ge [sflag:s24], $0x50  }
0x45: {  	[sflag:s24] =	ssyncset.done $0x0  }
0x46: {  	[sflag:s24] =	ssyncadd.s32 $0xFFFFFFB0  }
0x47: {  	[bflag:$0x0] =	sbarrier.arrive $0xFFFF  }
0x48: {  	s12 =	rddreg [dreg:$0x8]  }
0x49: {  	s0 =	rddreg [dreg:$0x13]  }
0x4a: {  	s10 =	rddreg [dreg:$0x19]  }
0x4b: {  	[hbm:s0], [sflag:s12] =	dma.local [spmem:s10], $0x2800  }
0x4c: {  	_ =	swait.ge [sflag:s5], $0x2800  }
0x4d: {  	s25 =	simm.s32 $0x10;
	[sflag:s5] =	ssyncset.done $0x0;
	s0 =	rddreg [dreg:$0x14]  }
0x4e: {  	s10 =	simm.s32 $0x20;
	s26 =	rddreg [dreg:$0x1a];
	[sflag:s5] =	ssyncadd.s32 $0xFFFFD800  }
0x4f: {  	[hbm:s0@s10], [sflag:s12] =	dma.strided [spmem:s26@s25], $0x50, s20, $0x10   }
0x50: {  	_ =	swait.ge [sflag:s5], $0x50  }
0x51: {  	[sflag:s5] =	ssyncset.done $0x0;
	s0 =	rddreg [dreg:$0x15]  }
0x52: {  	s26 =	rddreg [dreg:$0x1b];
	[sflag:s5] =	ssyncadd.s32 $0xFFFFFFB0  }
0x53: {  	[hbm:s0@s10], [sflag:s12] =	dma.strided [spmem:s26@s25], $0x50, s20, $0x10   }
0x54: {  	_ =	swait.ge [sflag:s5], $0x50  }
0x55: {  	s28 =	sadd.s32 $0x1, s28;
	s26 =	rddreg [dreg:$0x16]  }
0x56: {  	p0 =	sne.s32 s28, s26  }
.Ltmp1:
0x57: {  	_ = 	snop;
	(pc) =	sbr.rel @!p0 .LBB2_5-.Ltmp1, $3  }
0x58: {  	_ =	sdelay $0x1  }
0x59: {  	[sflag:s5] =	ssyncset.done $0x0  }
0x5a: {  	[sflag:s5] =	ssyncadd.s32 $0xFFFFFFB0  }
.LBB2_1:
0x5b: {  	s0 =	rddreg [dreg:$0x7]  }
0x5c: {  	s25 =	rddreg [dreg:$0x5];
	s10 =	sshrl.u32 s0, $0x3  }
0x5d: {  	[dreg:$0x19] =	wrdreg s10  }
0x5e: {  	[spmem:s10], [sflag:s12] =	dma.local [hbm:s25], $0x2800  }
0x5f: {  	_ =	swait.ge [sflag:s5], $0x2800  }
0x60: {  	s26 =	rddreg [dreg:$0x9]  }
0x61: {  	[sflag:s5] =	ssyncset.done $0x0;
	s25 =	rddreg [dreg:$0x6];
	s0 =	sshrl.u32 s26, $0x3  }
0x62: {  	[sflag:s5] =	ssyncadd.s32 $0xFFFFD800;
	[dreg:$0x1a] =	wrdreg s0  }
0x63: {  	[spmem:s0], [sflag:s12] =	dma.local [hbm:s25], $0x50  }
0x64: {  	_ =	swait.ge [sflag:s5], $0x50  }
0x65: {  	s26 =	rddreg [dreg:$0xc]  }
0x66: {  	[sflag:s5] =	ssyncset.done $0x0;
	s10 =	sshrl.u32 s26, $0x3  }
0x67: {  	[sflag:s5] =	ssyncadd.s32 $0xFFFFFFB0;
	[dreg:$0x1b] =	wrdreg s10  }
0x68: {  	[spmem:s10], [sflag:s12] =	dma.local [hbm:s25], $0x50  }
0x69: {  	_ =	swait.ge [sflag:s5], $0x50  }
0x6a: {  	[sflag:s5] =	ssyncset.done $0x0  }
0x6b: {  	[sflag:s5] =	ssyncadd.s32 $0xFFFFFFB0  }
0x6c: {  	[bflag:$0x0] =	sbarrier.arrive $0xFFFF  }
0x6d: {  	s10 =	rddreg [dreg:$0xd]  }
0x6e: {  	[tilespmem:s4], [sflag:$0x5] =	stream.linear.gather [hbm4b:s10+s4], $0x50, $0x38;
	[tilespmem:$0x19800] =	vst v63  }
0x6f: {  	_ =	swait.ge [sflag:s9], $0x50  }
0x70: {  	[sflag:s9] =	ssyncset.done $0x0  }
0x71: {  	s12 =	rddreg [dreg:$0xa];
	[sflag:s9] =	ssyncadd.s32 $0xFFFFFFB0  }
0x72: {  	[tilespmem:s11], [sflag:$0x1] =	stream.linear.gather [hbm4b:s12+s4], $0x2800, $0x38;
	[tilespmem:$0x19800] =	vst v63  }
0x73: {  	s25 =	rddreg [dreg:$0xe]  }
0x74: {  	[tilespmem:s13], [sflag:$0x1] =	stream.linear.gather [hbm4b:s25+s4], $0x50, $0x38;
	[tilespmem:$0x19800] =	vst v63  }
0x75: {  	s26 =	rddreg [dreg:$0xf]  }
0x76: {  	[tilespmem:s14], [sflag:$0x1] =	stream.linear.gather [hbm4b:s26+s4], $0x50, $0x38;
	[tilespmem:$0x19800] =	vst v63  }
0x77: {  	s10 =	rddreg [dreg:$0x10]  }
0x78: {  	[tilespmem:s15], [sflag:$0x6] =	stream.linear.gather [hbm4b:s10+s4], $0x50, $0x38;
	[tilespmem:$0x19800] =	vst v63  }
0x79: {  	_ =	swait.ge [sflag:s16], $0x50  }
0x7a: {  	s12 =	rddreg [dreg:$0xb]  }
0x7b: {  	[sflag:s16] =	ssyncset.done $0x0;
	s25 =	rddreg [dreg:$0x11]  }
0x7c: {  	s26 =	rddreg [dreg:$0x12];
	[sflag:s16] =	ssyncadd.s32 $0xFFFFFFB0  }
0x7d: {  	[tilespmem:s17], [sflag:$0x2] =	stream.linear.gather [hbm4b:s12+s4], $0x2800, $0x38;
	[tilespmem:$0x19800] =	vst v63  }
0x7e: {  	s10 =	rddreg [dreg:$0x18]  }
0x7f: {  	[tilespmem:s18], [sflag:$0x2] =	stream.linear.gather [hbm4b:s25+s4], $0x50, $0x38;
	[tilespmem:$0x19800] =	vst v63  }
0x80: {  	s0 =	rddreg [dreg:$0x17];
	s25 =	simm.s32 $0x0  }
0x81: {  	[tilespmem:s19], [sflag:$0x2] =	stream.linear.gather [hbm4b:s26+s4], $0x50, $0x38;
	[tilespmem:$0x19800] =	vst v63  }
.LBB2_2:
0x82: {  	_ =	swait.ge [sflag:s20], $0x2800  }
0x83: {  	[sflag:s20] =	ssyncset.done $0x0  }
0x84: {  	[sflag:s20] =	ssyncadd.s32 $0xFFFFD800  }
0x85: {  	_ =	swait.ge [sflag:s20], $0x50  }
0x86: {  	[sflag:s20] =	ssyncset.done $0x0  }
0x87: {  	[sflag:s20] =	ssyncadd.s32 $0xFFFFFFB0  }
0x88: {  	_ =	swait.ge [sflag:s20], $0x50  }
0x89: {  	[sflag:s20] =	ssyncset.done $0x0  }
0x8a: {  	[sflag:s20] =	ssyncadd.s32 $0xFFFFFFB0  }
0x8b: {  	[spmem:s1] =	stream.indirect.scatter.add.f32 [tilespmem:s11], [sflag:$0x3], $0x80, s4, s21, $0xb8;
	[tilespmem:$0x19800] =	vst v63  }
0x8c: {  	_ = 	snop  }
0x8d: {  	[spmem:s2] =	stream.indirect.scatter.add.f32 [tilespmem:s13], [sflag:$0x3], $0x1, s4, s21, $0xb8;
	[tilespmem:$0x19800] =	vst v63  }
0x8e: {  	_ = 	snop  }
0x8f: {  	[spmem:s3] =	stream.indirect.scatter.add.f32 [tilespmem:s14], [sflag:$0x3], $0x1, s4, s21, $0xb8;
	[tilespmem:$0x19800] =	vst v63  }
0x90: {  	_ =	swait.ge [sflag:s22], $0x2800  }
0x91: {  	[sflag:s22] =	ssyncset.done $0x0  }
0x92: {  	[sflag:s22] =	ssyncadd.s32 $0xFFFFD800  }
0x93: {  	_ =	swait.ge [sflag:s22], $0x50  }
0x94: {  	[sflag:s22] =	ssyncset.done $0x0  }
0x95: {  	[sflag:s22] =	ssyncadd.s32 $0xFFFFFFB0  }
0x96: {  	_ =	swait.ge [sflag:s22], $0x50  }
0x97: {  	s26 =	sshrl.u32 s10, $0x3;
	[sflag:s22] =	ssyncset.done $0x0  }
0x98: {  	s12 =	sadd.s32 s8, s26;
	[sflag:s22] =	ssyncadd.s32 $0xFFFFFFB0  }
0x99: {  	[tilespmem:s4], [sflag:$0x5] =	stream.linear.gather [hbm4b:s12+s4], $0x50, $0x38;
	[tilespmem:$0x19800] =	vst v63  }
0x9a: {  	_ =	swait.ge [sflag:s9], $0x50  }
0x9b: {  	[sflag:s9] =	ssyncset.done $0x0  }
0x9c: {  	s12 =	sadd.s32 $0xFFFFFB00, s0;
	[sflag:s9] =	ssyncadd.s32 $0xFFFFFFB0  }
0x9d: {  	[tilespmem:s11], [sflag:$0x1] =	stream.linear.gather [hbm4b:s12+s4], $0x2800, $0x38;
	[tilespmem:$0x19800] =	vst v63  }
0x9e: {  	s12 =	sadd.s32 s6, s26  }
0x9f: {  	[tilespmem:s13], [sflag:$0x1] =	stream.linear.gather [hbm4b:s12+s4], $0x50, $0x38;
	[tilespmem:$0x19800] =	vst v63  }
0xa0: {  	s26 =	sadd.s32 s7, s26  }
0xa1: {  	[tilespmem:s14], [sflag:$0x1] =	stream.linear.gather [hbm4b:s26+s4], $0x50, $0x38;
	[tilespmem:$0x19800] =	vst v63  }
0xa2: {  	_ =	swait.ge [sflag:s23], $0x2800  }
0xa3: {  	[sflag:s23] =	ssyncset.done $0x0  }
0xa4: {  	[sflag:s23] =	ssyncadd.s32 $0xFFFFD800  }
0xa5: {  	_ =	swait.ge [sflag:s23], $0x50  }
0xa6: {  	[sflag:s23] =	ssyncset.done $0x0  }
0xa7: {  	[sflag:s23] =	ssyncadd.s32 $0xFFFFFFB0  }
0xa8: {  	_ =	swait.ge [sflag:s23], $0x50  }
0xa9: {  	[sflag:s23] =	ssyncset.done $0x0  }
0xaa: {  	p0 =	seq.s32 s25, $0x4C4;
	[sflag:s23] =	ssyncadd.s32 $0xFFFFFFB0  }
0xab: {  	[spmem:s1] =	stream.indirect.scatter.add.f32 [tilespmem:s17], [sflag:$0x4], $0x80, s15, s21, $0xb8;
	[tilespmem:$0x19800] =	vst v63  }
.Ltmp2:
0xac: {  	_ = 	snop;
	(pc) =	sbr.rel @p0 .LBB2_4-.Ltmp2, $4  }
0xad: {  	_ = 	snop  }
0xae: {  	[spmem:s2] =	stream.indirect.scatter.add.f32 [tilespmem:s18], [sflag:$0x4], $0x1, s15, s21, $0xb8;
	[tilespmem:$0x19800] =	vst v63  }
0xaf: {  	_ = 	snop  }
0xb0: {  	[spmem:s3] =	stream.indirect.scatter.add.f32 [tilespmem:s19], [sflag:$0x4], $0x1, s15, s21, $0xb8;
	[tilespmem:$0x19800] =	vst v63  }
0xb1: {  	_ =	swait.ge [sflag:s24], $0x2800  }
0xb2: {  	[sflag:s24] =	ssyncset.done $0x0  }
0xb3: {  	[sflag:s24] =	ssyncadd.s32 $0xFFFFD800  }
0xb4: {  	_ =	swait.ge [sflag:s24], $0x50  }
0xb5: {  	[sflag:s24] =	ssyncset.done $0x0  }
0xb6: {  	[sflag:s24] =	ssyncadd.s32 $0xFFFFFFB0  }
0xb7: {  	_ =	swait.ge [sflag:s24], $0x50  }
0xb8: {  	[sflag:s24] =	ssyncset.done $0x0  }
0xb9: {  	s12 =	sadd.s32 s25, s31;
	[sflag:s24] =	ssyncadd.s32 $0xFFFFFFB0  }
0xba: {  	[tilespmem:s15], [sflag:$0x6] =	stream.linear.gather [hbm4b:s12+s4], $0x50, $0x38;
	[tilespmem:$0x19800] =	vst v63  }
0xbb: {  	_ =	swait.ge [sflag:s16], $0x50  }
0xbc: {  	[sflag:s16] =	ssyncset.done $0x0  }
0xbd: {  	[sflag:s16] =	ssyncadd.s32 $0xFFFFFFB0  }
0xbe: {  	[tilespmem:s17], [sflag:$0x2] =	stream.linear.gather [hbm4b:s0+s4], $0x2800, $0x38;
	[tilespmem:$0x19800] =	vst v63  }
.Ltmp3:
0xbf: {  	_ = 	snop;
	(pc) =	sbr.rel .LBB2_2-.Ltmp3, $4  }
0xc0: {  	s26 =	sadd.s32 s25, s30;
	s10 =	sadd.s32 $0xA0, s10  }
0xc1: {  	[tilespmem:s18], [sflag:$0x2] =	stream.linear.gather [hbm4b:s26+s4], $0x50, $0x38;
	[tilespmem:$0x19800] =	vst v63  }
0xc2: {  	s0 =	sadd.s32 $0xA00, s0;
	s26 =	sadd.s32 s25, s29;
	s25 =	sadd.s32 $0x14, s25  }
0xc3: {  	[tilespmem:s19], [sflag:$0x2] =	stream.linear.gather [hbm4b:s26+s4], $0x50, $0x38;
	[tilespmem:$0x19800] =	vst v63  }
.LBB2_5:
0xc4: {  	_ =	sfence.sel $0x180000  }
0xc5: {  	[bflag:$0x0] =	sbarrier.arrive $0xFFFF  }
0xc6: {  	_ =	strace $0x9000004A  }
0xc7: {  	s0 =	stileid.u32;
	[bflag:$0x2] =	sbarrier.arrive $0xFFFF  }
0xc8: {  	p0 =	sne.s32 s0, $0x0;
	s0 =	rddreg [dreg:$0x4]  }
0xc9: {  	s0 =	sadd.s32 @!p0 $0x100000, s0  }
0xca: {  	[sflag:s0] =	ssyncadd.tile.s32 @!p0 $0x1;
	_ =	shalt  }
.Lfunc_end2:
_tile_overlayer_lowered:
.L_overlay_start_2:
0xcb: {  	(tag) =	ssettag $0x2  }
0xcc: {  	s0 =	rddreg [dreg:$0x0];
	s2 =	stileid.u32  }
0xcd: {  	s1 =	rddreg [dreg:$0x1];
	p0 =	sne.s32 s2, $0x0  }
0xce: {  	s3 =	rddreg [dreg:$0x2];
	[bflag:$0x3] =	sbarrier.arrive $0xFFFF;
	s2 =	simm.s32 @!p0 $0x1C07  }
0xcf: {  	[timem:s3], [sflag:s2] =	dma.local @!p0 [hbm:s0], s1  }
0xd0: {  	s0 =	simm.s32 @!p0 $0x7  }
0xd1: {  	_ =	swait.ge @!p0 [sflag:s0], s1  }
0xd2: {  	s1 =	ssub.s32 @!p0 $0x0, s1;
	[sflag:s0] =	ssyncset.done @!p0 $0x0  }
0xd3: {  	[sflag:s0] =	ssyncadd.s32 @!p0 s1  }
0xd4: {  	[bflag:$0x3] =	sbarrier.arrive $0xFFFF  }
0xd5: {  	_ =	shalt  }

// kernel: kernel.15.cloned.1.call-start
scs
__scs_entry_jumppad:
0x0: {  	(pc) =	sbr.rel $0x88, $3  }
0x1: {  	(tag) =	ssettag $0x0;
	lr =	simm.s32 $0x1  }
0x2: {  	[smem:$0x3F8D] =	sst lr;
	_ =	strace $0xD0000000  }
0x3: {  	_ = 	snop  }
0x4: {  	_ = 	snop  }
0x5: {  	_ = 	snop  }
0x6: {  	_ = 	snop  }
0x7: {  	_ = 	snop  }
__scs_overlays_trampoline_lowered:
0x8: {  	[smem:$0x3F9C] =	sst s0  }
0x9: {  	[smem:$0x3F9D] =	sst s1  }
0xa: {  	[smem:$0x3F9E] =	sst s2  }
0xb: {  	[smem:$0x3F9F] =	sst s3  }
0xc: {  	[smem:$0x3FA0] =	sst s4  }
0xd: {  	[smem:$0x3FA1] =	sst s5  }
0xe: {  	[smem:$0x3FA2] =	sst s6  }
0xf: {  	[smem:$0x3FA3] =	sst s7  }
0x10: {  	[smem:$0x3FA4] =	sst s8  }
0x11: {  	[smem:$0x3FA5] =	sst s9;
	s0 =	simm.s32 @!p0 $0x0  }
0x12: {  	s1 =	sld [smem:$0x3F8B];
	s0 =	simm.s32 @p0 $0x1  }
0x13: {  	[smem:$0x3FA6] =	sst s0;
	s0 =	simm.s32 @!p1 $0x0  }
0x14: {  	s2 =	sld [smem:$0x3F8A];
	s0 =	simm.s32 @p1 $0x1  }
0x15: {  	[smem:$0x3FA7] =	sst s0;
	s0 =	simm.s32 @!p2 $0x0  }
0x16: {  	s3 =	sld [smem:$0x3FDB];
	s0 =	simm.s32 @p2 $0x1  }
0x17: {  	s4 =	simm.s32 $0x1BF5;
	[smem:$0x3FA9] =	sst s0  }
0x18: {  	s0 =	sld [smem:$0x3F8C];
	_ =	swait.ge [sflag:s4], $0x0  }
0x19: {  	s7 =	sld [smem:$0x3F8D]  }
0x1a: {  	s8 =	sadd.s32 $0xFFFFE003, lr  }
0x1b: {  	s9 =	sadd.s32 $0xFFFFFEF7, lr;
	s5 =	simm.s32 $0xFFFFFFFF;
	p2 =	slt.u32 s8, $0xFFFFF086  }
0x1c: {  	p1 =	slt.u32 s9, $0xF7A;
	s5 =	simm.s32 @!p2 $0x0  }
0x1d: {  	s5 =	simm.s32 @p1 $0x1;
	p0 =	seq.s32 s7, s2  }
0x1e: {  	s7 =	smul.u32 @!p0 $0xF7A, s2;
	p2 =	seq.s32 @!p0 s5, $0x0  }
0x1f: {  	s9 =	smul.u32 $0xF7A, s1;
	s8 =	simm.s32 @!p0 $0x1BF5;
	p2 =	por !p2, p0  }
0x20: {  	[sflag:s8] =	ssyncset.s32 @!p0 $0xFFFFF086;
	s6 =	sadd.s32 @!p0 s3, s7;
	s7 =	simm.s32 @!p0 $0x108  }
0x21: {  	s3 =	sadd.s32 s3, s9;
	s6 =	sadd.s32 @!p0 $0x88, s6;
	s7 =	simm.s32 @p2 $0x1082  }
0x22: {  	[simem:s7], [sflag:s8] =	dma.local @!p0 [hbm:s6], $0xF7A  }
0x23: {  	s9 =	sor.u32 $0xD0000000, s2;
	s6 =	simm.s32 $0x108;
	_ =	swait.ge @!p0 [sflag:s8], $0x0  }
0x24: {  	s3 =	sadd.s32 $0x88, s3;
	s6 =	simm.s32 @!p1 $0x1082;
	[sflag:s4] =	ssyncset.s32 $0xFFFFF086  }
0x25: {  	[simem:s6], [sflag:s4] =	dma.local [hbm:s3], $0xF7A  }
0x26: {  	[smem:$0x3F8D] =	sst s1;
	(tag) =	ssettag s2;
	_ =	strace s9  }
0x27: {  	s1 =	sld [smem:$0x3F9D]  }
0x28: {  	s2 =	sld [smem:$0x3F9E]  }
0x29: {  	s4 =	sld [smem:$0x3FA0]  }
0x2a: {  	p0 =	seq.s32 s5, $0x0;
	s5 =	sld [smem:$0x3FA1]  }
0x2b: {  	s6 =	sld [smem:$0x3FA2]  }
0x2c: {  	s7 =	sld [smem:$0x3FA3]  }
0x2d: {  	s3 =	simm.s32 $0x108;
	s8 =	sld [smem:$0x3FA4]  }
0x2e: {  	s3 =	simm.s32 @!p0 $0x1082;
	s9 =	sld [smem:$0x3FA5]  }
0x2f: {  	lr =	sadd.s32 s0, s3;
	s0 =	sld [smem:$0x3F9C]  }
0x30: {  	s3 =	sld [smem:$0x3F9F]  }
0x31: {  	[smem:$0x3FA8] =	sst s10  }
0x32: {  	s10 =	sld [smem:$0x3FA6];
	_ =	sdelay $0x3  }
0x33: {  	p0 =	seq.s32 s10, $0x1;
	s10 =	sld [smem:$0x3FA8];
	_ =	sdelay $0x3  }
0x34: {  	[smem:$0x3FA8] =	sst s10  }
0x35: {  	s10 =	sld [smem:$0x3FA7];
	_ =	sdelay $0x3  }
0x36: {  	p1 =	seq.s32 s10, $0x1;
	s10 =	sld [smem:$0x3FA8];
	_ =	sdelay $0x3  }
0x37: {  	[smem:$0x3FA8] =	sst s10  }
0x38: {  	s10 =	sld [smem:$0x3FA9]  }
0x39: {  	_ = 	snop;
	(pc) =	sbr.ind lr, $3  }
0x3a: {  	_ = 	snop  }
0x3b: {  	_ = 	snop  }
0x3c: {  	p2 =	seq.s32 s10, $0x1;
	s10 =	sld [smem:$0x3FA8]  }
0x3d: {  	_ =	shalt  }
0x3e: {  	_ =	shalt  }
0x3f: {  	_ =	shalt  }
0x40: {  	_ =	shalt  }
0x41: {  	_ =	shalt  }
0x42: {  	_ =	shalt  }
0x43: {  	_ =	shalt  }
0x44: {  	_ =	shalt  }
0x45: {  	_ =	shalt  }
0x46: {  	_ =	shalt  }
0x47: {  	_ =	shalt  }
0x48: {  	_ =	shalt  }
0x49: {  	_ =	shalt  }
0x4a: {  	_ =	shalt  }
0x4b: {  	_ =	shalt  }
0x4c: {  	_ =	shalt  }
0x4d: {  	_ =	shalt  }
0x4e: {  	_ =	shalt  }
0x4f: {  	_ =	shalt  }
0x50: {  	_ =	shalt  }
0x51: {  	_ =	shalt  }
0x52: {  	_ =	shalt  }
0x53: {  	_ =	shalt  }
0x54: {  	_ =	shalt  }
0x55: {  	_ =	shalt  }
0x56: {  	_ =	shalt  }
0x57: {  	_ =	shalt  }
0x58: {  	_ =	shalt  }
0x59: {  	_ =	shalt  }
0x5a: {  	_ =	shalt  }
0x5b: {  	_ =	shalt  }
0x5c: {  	_ =	shalt  }
0x5d: {  	_ =	shalt  }
0x5e: {  	_ =	shalt  }
0x5f: {  	_ =	shalt  }
0x60: {  	_ =	shalt  }
0x61: {  	_ =	shalt  }
0x62: {  	_ =	shalt  }
0x63: {  	_ =	shalt  }
0x64: {  	_ =	shalt  }
0x65: {  	_ =	shalt  }
0x66: {  	_ =	shalt  }
0x67: {  	_ =	shalt  }
0x68: {  	_ =	shalt  }
0x69: {  	_ =	shalt  }
0x6a: {  	_ =	shalt  }
0x6b: {  	_ =	shalt  }
0x6c: {  	_ =	shalt  }
0x6d: {  	_ =	shalt  }
0x6e: {  	_ =	shalt  }
0x6f: {  	_ =	shalt  }
0x70: {  	_ =	shalt  }
0x71: {  	_ =	shalt  }
0x72: {  	_ =	shalt  }
0x73: {  	_ =	shalt  }
0x74: {  	_ =	shalt  }
0x75: {  	_ =	shalt  }
0x76: {  	_ =	shalt  }
0x77: {  	_ =	shalt  }
0x78: {  	_ =	shalt  }
0x79: {  	_ =	shalt  }
0x7a: {  	_ =	shalt  }
0x7b: {  	_ =	shalt  }
0x7c: {  	_ =	shalt  }
0x7d: {  	_ =	shalt  }
0x7e: {  	_ =	shalt  }
0x7f: {  	_ =	shalt  }
0x80: {  	_ =	shalt  }
0x81: {  	_ =	shalt  }
0x82: {  	_ =	shalt  }
0x83: {  	_ =	shalt  }
0x84: {  	_ =	shalt  }
0x85: {  	_ =	shalt  }
0x86: {  	_ =	shalt  }
0x87: {  	_ =	shalt  }
.Lfunc_end0:
.L_simem_size_0:
called_computation.2_lowered:
.L_overlay_start_0:
0x88: {  	s2 =	sld [smem:$0x3FD9]  }
0x89: {  	s3 =	sld [smem:$0x3FFE];
	_ =	sdelay $0x1  }
0x8a: {  	s1 =	srdreg.scid  }
0x8b: {  	s0 =	sand.u32 $0x1, s1  }
0x8c: {  	s16 =	sshll.u32 s0, $0xA;
	s2 =	sadd.s32 s3, s2  }
0x8d: {  	s2 =	sadd.s32 s2, s16  }
0x8e: {  	[smem:$0x3FB4] =	sst s2  }
0x8f: {  	_ = 	snop  }
0x90: {  	(tm) =	ssettm $0x1  }
0x91: {  	s17 =	sld [smem:$0x3FFB];
	_ =	sdelay $0x3  }
0x92: {  	_ =	strace s17  }
0x93: {  	s2 =	sld [smem:$0x3FFC];
	_ =	sdelay $0x3  }
0x94: {  	_ =	strace s2  }
0x95: {  	s2 =	sld [smem:$0x3FFD];
	_ =	sdelay $0x3  }
0x96: {  	_ =	strace s2  }
0x97: {  	_ =	strace $0x8FFFFFFF  }
0x98: {  	s18 =	sld [smem:$0x3FDB];
	_ =	sdelay $0x1  }
0x99: {  	s19 =	simm.s32 $_scs_section_size  }
0x9a: {  	s4 =	simm.s32 $_size__tile_overlayer_lowered;
	s5 =	simm.s32 $_tile_overlayer_lowered  }
0x9b: {  	s22 =	simm.s32 $0x1BFF;
	s21 =	sshll.u32 s5, $0x1;
	s2 =	sadd.s32 s19, s18  }
0x9c: {  	s6 =	simm.s32 $0x0;
	s20 =	sshll.u32 s4, $0x1;
	s4 =	sadd.s32 s21, s2  }
0x9d: {  	[timem:s6], [sflag:s22] =	dma.local [hbm:s4], s20  }
0x9e: {  	_ =	swait.ge [sflag:s22], s20  }
0x9f: {  	s3 =	ssub.s32 $0x0, s20;
	[sflag:s22] =	ssyncset.done $0x0  }
0xa0: {  	[sflag:s22] =	ssyncadd.s32 s3;
	_ =	sdelay $0x1  }
0xa1: {  	s23 =	simm.s32 $0x1B8B  }
0xa2: {  	_ =	swait.ge [sflag:s23], $0x1  }
0xa3: {  	[sflag:s23] =	ssyncset.done $0x0  }
0xa4: {  	s25 =	simm.s32 $0x1B8E;
	s24 =	sld [smem:$0x3FFE];
	[sflag:s23] =	ssyncadd.s32 $0xFFFFFFFF  }
0xa5: {  	s26 =	simm.s32 $execute0_lowered;
	[smem:$0x3FD2] =	sst s25  }
0xa6: {  	s4 =	sshll.u32 s26, $0x1;
	_ =	strace $0x8000004C;
	[dreg:$0x1] =	wrdreg $0xFFFFFFFF  }
0xa7: {  	s28 =	simm.s32 $_size_execute0_lowered;
	s2 =	sadd.s32 s2, s4;
	[dreg:$0x0] =	wrdreg $0x0  }
0xa8: {  	s4 =	sshll.u32 s28, $0x1;
	[dreg:$0x2] =	wrdreg s2  }
0xa9: {  	[dreg:$0x3] =	wrdreg s4  }
0xaa: {  	[dreg:$0x4] =	wrdreg $0xC0  }
0xab: {  	_ =	task [dreg:s6], $0x5FFFF  }
0xac: {  	[dreg:$0x1] =	wrdreg $0xFFFFFFFF  }
0xad: {  	[dreg:$0x0] =	wrdreg $0x60  }
0xae: {  	[dreg:$0x2] =	wrdreg s24  }
0xaf: {  	[dreg:$0x3] =	wrdreg $0x52000  }
0xb0: {  	[dreg:$0x4] =	wrdreg $0x9  }
0xb1: {  	_ =	task.clear_ibuf [dreg:s6], $0x5FFFF;
	_ =	strace $0x9000004C  }
0xb2: {  	s29 =	simm.s32 $0x9;
	_ =	strace $0x8000004E  }
0xb3: {  	_ =	swait.ge [sflag:s29], $0x1  }
0xb4: {  	[sflag:s29] =	ssyncadd.s32 $0xFFFFFFFF  }
0xb5: {  	_ =	strace $0x9000004E  }
0xb6: {  	_ =	sfence  }
0xb7: {  	s30 =	sld [smem:$0x0];
	_ =	sdelay $0x2  }
0xb8: {  	s31 =	sshll.u32 s1, $0xD;
	s1 =	sshrl.u32 s1, $0x2  }
0xb9: {  	s3 =	sand.u32 $0x4000, s31;
	s1 =	sadd.s32 s1, s30  }
0xba: {  	s0 =	sor.u32 s3, s0;
	s1 =	sshll.u32 s1, $0x11  }
0xbb: {  	s0 =	sor.u32 s1, s0  }
0xbc: {  	s0 =	sadd.s32 $0x8F2B, s0  }
0xbd: {  	[sflag:s0] =	ssyncadd.remote.s32 $0x1  }
0xbe: {  	_ =	sfence.sel $0xFFFF  }
0xbf: {  	[dreg:$0x0] =	wrdreg $0xFFFFFFFF;
	(pc) =	sbr.abs _section_cstart, $3  }
0xc0: {  	[dreg:$0x1] =	wrdreg $0xFFFFFFFF  }
0xc1: {  	_ =	task.clear_ibuf [dreg:s6], $0x2FFFF;
	_ =	strace $0x9FFFFFFF  }
0xc2: {  	(tm) =	ssettm $0x7FFFFFFF  }
0xc3: {  	_ =	shalt  }
tec
execute0_lowered:
.L_overlay_start_1:
0x0: {  	(tag) =	ssettag $0x1  }
0x1: {  	s0 =	rddreg [dreg:$0x0]  }
0x2: {  	s1 =	rddreg [dreg:$0x1];
	s3 =	simm.s32 $0x0  }
0x3: {  	s2 =	srdreg.scid;
	s12 =	stileid.u32;
	s28 =	simm.s32 $0x180  }
0x4: {  	s29 =	simm.s32 $0x6;
	s30 =	simm.s32 $0x2A00;
	s31 =	simm.s32 $0x1  }
0x5: {  	[smem:$0x7FF] =	sst s3;
	s2 =	sand.u32 $0x1, s2;
	s4 =	sadd.s32 $0x30000, s0  }
0x6: {  	s8 =	smul.u32 $0x14000, s12;
	s5 =	sadd.s32 $0x6000, s0;
	s6 =	sadd.s32 $0xFE00, s0  }
0x7: {  	s9 =	sadd.s32 $0x2D800, s0;
	s14 =	smul.u32 $0x50000, s12;
	s16 =	sshll.u32 s12, $0x6  }
0x8: {  	s7 =	smul.u32 $0x140000, s2;
	_ =	strace $0x8000004D;
	[dreg:$0x3] =	wrdreg s9  }
0x9: {  	s13 =	sshll.u32 s2, $0x4;
	s10 =	ssub.s32 $0x2, s2;
	s2 =	smul.u32 $0x27100, s2  }
0xa: {  	s11 =	sshrl.u32 s10, $0x1;
	s9 =	sshrl.u32 s14, $0x2;
	s14 =	smul.u32 $0x2710, s12  }
0xb: {  	s7 =	sadd.s32 s8, s7;
	s8 =	sor.u32 s12, s13;
	s15 =	ssub.s32 s10, s11  }
0xc: {  	s9 =	sadd.s32 s9, s1;
	s7 =	sshrl.u32 s7, $0x3;
	s8 =	smul.u32 $0x2710, s8  }
0xd: {  	s22 =	sadd.s32 s14, s2;
	s23 =	smax.u32 s15, $0x1;
	s2 =	simm.s32 $0x2  }
0xe: {  	s0 =	sadd.s32 s7, s0;
	[dreg:$0x9] =	wrdreg s23;
	s25 =	sadd.s32 $0xF0, s22  }
0xf: {  	s23 =	simm.s32 $0x5;
	s7 =	simm.s32 $0x4;
	s17 =	sshrl.u32 s8, $0x3  }
0x10: {  	s8 =	sor.u32 $0x1C07, s16;
	s0 =	sadd.s32 $0x57200, s0;
	s26 =	sshrl.u32 s25, $0x3  }
0x11: {  	s25 =	simm.s32 $0x200;
	s18 =	sadd.s32 $0xA, s17;
	s19 =	sadd.s32 s5, s17  }
0x12: {  	s20 =	sadd.s32 s6, s17;
	[dreg:$0x8] =	wrdreg s0;
	s24 =	sadd.s32 $0x4D8, s17  }
0x13: {  	s17 =	sadd.s32 s26, s6;
	s0 =	simm.s32 $0x3;
	[dreg:$0x4] =	wrdreg s19  }
0x14: {  	[dreg:$0x5] =	wrdreg s20;
	s21 =	sadd.s32 s5, s18;
	s10 =	sadd.s32 s6, s18  }
0x15: {  	s15 =	sadd.s32 s5, s24;
	s16 =	sadd.s32 s6, s24;
	s18 =	sadd.s32 s26, s5  }
0x16: {  	s19 =	sadd.s32 $0xA0, s22;
	s20 =	sshrl.u32 s9, $0x3;
	s22 =	simm.s32 $0x100  }
0x17: {  	s24 =	simm.s32 $0x50;
	s26 =	simm.s32 $0x80;
	[dreg:$0x6] =	wrdreg s21  }
0x18: {  	s9 =	simm.s32 $0x0;
	[dreg:$0x7] =	wrdreg s10;
	s21 =	simm.s32 $0x7  }
.LBB2_1:
0x19: {  	s10 =	rddreg [dreg:$0x3]  }
0x1a: {  	[spmem:s20], [sflag:s8] =	dma.local [hbm:s10], $0x2800  }
0x1b: {  	_ =	swait.ge [sflag:s21], $0x2800  }
0x1c: {  	[sflag:s21] =	ssyncset.done $0x0  }
0x1d: {  	[sflag:s21] =	ssyncadd.s32 $0xFFFFD800  }
0x1e: {  	[bflag:$0x0] =	sbarrier.arrive $0xFFFF  }
0x1f: {  	s12 =	rddreg [dreg:$0x4]  }
0x20: {  	[tilespmem:s3], [sflag:$0x5] =	stream.linear.gather [hbm4b:s12+s3], $0x50, $0x38;
	[tilespmem:$0x19200] =	vst v63  }
0x21: {  	s13 =	rddreg [dreg:$0x5]  }
0x22: {  	[tilespmem:s22], [sflag:$0x5] =	stream.linear.gather [hbm4b:s13+s3], $0x50, $0x38;
	[tilespmem:$0x19200] =	vst v63  }
0x23: {  	_ =	swait.ge [sflag:s23], $0x50  }
0x24: {  	[sflag:s23] =	ssyncset.done $0x0  }
0x25: {  	[sflag:s23] =	ssyncadd.s32 $0xFFFFFFB0  }
0x26: {  	_ =	swait.ge [sflag:s23], $0x50  }
0x27: {  	[sflag:s23] =	ssyncset.done $0x0  }
0x28: {  	[sflag:s23] =	ssyncadd.s32 $0xFFFFFFB0  }
0x29: {  	[tilespmem:s25], [sflag:$0x1] =	stream.indirect.gather [hbm4b:s4+s24], $0x80, s22, s24, $0xb8;
	[tilespmem:$0x19200] =	vst v63  }
0x2a: {  	s14 =	rddreg [dreg:$0x6]  }
0x2b: {  	[tilespmem:s26], [sflag:$0x6] =	stream.linear.gather [hbm4b:s14+s3], $0x50, $0x38;
	[tilespmem:$0x19200] =	vst v63  }
0x2c: {  	s11 =	rddreg [dreg:$0x7]  }
0x2d: {  	[tilespmem:s28], [sflag:$0x6] =	stream.linear.gather [hbm4b:s11+s3], $0x50, $0x38;
	[tilespmem:$0x19200] =	vst v63  }
0x2e: {  	_ =	swait.ge [sflag:s29], $0x50  }
0x2f: {  	[sflag:s29] =	ssyncset.done $0x0  }
0x30: {  	[sflag:s29] =	ssyncadd.s32 $0xFFFFFFB0  }
0x31: {  	_ =	swait.ge [sflag:s29], $0x50  }
0x32: {  	[sflag:s29] =	ssyncset.done $0x0  }
0x33: {  	[sflag:s29] =	ssyncadd.s32 $0xFFFFFFB0  }
0x34: {  	[tilespmem:s30], [sflag:$0x2] =	stream.indirect.gather [hbm4b:s4+s24], $0x80, s28, s24, $0xb8;
	[tilespmem:$0x19200] =	vst v63  }
0x35: {  	_ =	swait.ge [sflag:s31], $0x2800  }
0x36: {  	[sflag:s31] =	ssyncset.done $0x0  }
0x37: {  	[sflag:s31] =	ssyncadd.s32 $0xFFFFD800  }
0x38: {  	[spmem:s1] =	stream.indirect.scatter.add.f32 [tilespmem:s25], [sflag:$0x3], $0x80, s3, s24, $0xb8;
	[tilespmem:$0x19200] =	vst v63  }
0x39: {  	_ =	swait.ge [sflag:s0], $0x2800  }
0x3a: {  	s12 =	sshrl.u32 s19, $0x3;
	[sflag:s0] =	ssyncset.done $0x0  }
0x3b: {  	s11 =	sadd.s32 s5, s12;
	[sflag:s0] =	ssyncadd.s32 $0xFFFFD800  }
0x3c: {  	[tilespmem:s3], [sflag:$0x5] =	stream.linear.gather [hbm4b:s11+s3], $0x50, $0x38;
	[tilespmem:$0x19200] =	vst v63  }
0x3d: {  	s10 =	sadd.s32 s6, s12  }
0x3e: {  	[tilespmem:s22], [sflag:$0x5] =	stream.linear.gather [hbm4b:s10+s3], $0x50, $0x38;
	[tilespmem:$0x19200] =	vst v63  }
0x3f: {  	_ =	swait.ge [sflag:s23], $0x50  }
0x40: {  	[sflag:s23] =	ssyncset.done $0x0  }
0x41: {  	[sflag:s23] =	ssyncadd.s32 $0xFFFFFFB0  }
0x42: {  	_ =	swait.ge [sflag:s23], $0x50  }
0x43: {  	[sflag:s23] =	ssyncset.done $0x0  }
0x44: {  	[sflag:s23] =	ssyncadd.s32 $0xFFFFFFB0  }
0x45: {  	[tilespmem:s25], [sflag:$0x1] =	stream.indirect.gather [hbm4b:s4+s24], $0x80, s22, s24, $0xb8;
	[tilespmem:$0x19200] =	vst v63  }
0x46: {  	_ =	swait.ge [sflag:s2], $0x2800  }
0x47: {  	[sflag:s2] =	ssyncset.done $0x0  }
0x48: {  	[sflag:s2] =	ssyncadd.s32 $0xFFFFD800  }
0x49: {  	[spmem:s1] =	stream.indirect.scatter.add.f32 [tilespmem:s30], [sflag:$0x4], $0x80, s26, s24, $0xb8;
	[tilespmem:$0x19200] =	vst v63  }
0x4a: {  	_ =	swait.ge [sflag:s7], $0x2800  }
0x4b: {  	[sflag:s7] =	ssyncset.done $0x0  }
0x4c: {  	s13 =	sadd.s32 $0x0, s18;
	[sflag:s7] =	ssyncadd.s32 $0xFFFFD800  }
0x4d: {  	[tilespmem:s26], [sflag:$0x6] =	stream.linear.gather [hbm4b:s13+s3], $0x50, $0x38;
	[tilespmem:$0x19200] =	vst v63  }
0x4e: {  	s14 =	sadd.s32 $0x0, s17  }
0x4f: {  	[tilespmem:s28], [sflag:$0x6] =	stream.linear.gather [hbm4b:s14+s3], $0x50, $0x38;
	[tilespmem:$0x19200] =	vst v63  }
0x50: {  	_ =	swait.ge [sflag:s29], $0x50  }
0x51: {  	[sflag:s29] =	ssyncset.done $0x0  }
0x52: {  	[sflag:s29] =	ssyncadd.s32 $0xFFFFFFB0  }
0x53: {  	_ =	swait.ge [sflag:s29], $0x50  }
0x54: {  	[sflag:s29] =	ssyncset.done $0x0  }
0x55: {  	s11 =	sadd.s32 $0xA0, s19;
	s10 =	simm.s32 $0x14;
	[sflag:s29] =	ssyncadd.s32 $0xFFFFFFB0  }
.LBB2_2:
0x56: {  	[tilespmem:s30], [sflag:$0x2] =	stream.indirect.gather [hbm4b:s4+s24], $0x80, s28, s24, $0xb8;
	[tilespmem:$0x19200] =	vst v63  }
0x57: {  	s12 =	smov.u32 s10  }
0x58: {  	p0 =	sne.s32 s10, $0x4B0;
	s10 =	sadd.s32 $0x14, s10;
	_ =	swait.ge [sflag:s31], $0x2800  }
0x59: {  	[sflag:s31] =	ssyncset.done $0x0  }
0x5a: {  	[sflag:s31] =	ssyncadd.s32 $0xFFFFD800  }
0x5b: {  	[spmem:s1] =	stream.indirect.scatter.add.f32 [tilespmem:s25], [sflag:$0x3], $0x80, s3, s24, $0xb8;
	[tilespmem:$0x19200] =	vst v63  }
0x5c: {  	_ =	swait.ge [sflag:s0], $0x2800  }
0x5d: {  	s13 =	sshrl.u32 s11, $0x3;
	[sflag:s0] =	ssyncset.done $0x0  }
0x5e: {  	s14 =	sadd.s32 s5, s13;
	[sflag:s0] =	ssyncadd.s32 $0xFFFFD800  }
0x5f: {  	[tilespmem:s3], [sflag:$0x5] =	stream.linear.gather [hbm4b:s14+s3], $0x50, $0x38;
	[tilespmem:$0x19200] =	vst v63  }
0x60: {  	s13 =	sadd.s32 s6, s13  }
0x61: {  	[tilespmem:s22], [sflag:$0x5] =	stream.linear.gather [hbm4b:s13+s3], $0x50, $0x38;
	[tilespmem:$0x19200] =	vst v63  }
0x62: {  	_ =	swait.ge [sflag:s23], $0x50  }
0x63: {  	[sflag:s23] =	ssyncset.done $0x0  }
0x64: {  	[sflag:s23] =	ssyncadd.s32 $0xFFFFFFB0  }
0x65: {  	_ =	swait.ge [sflag:s23], $0x50  }
0x66: {  	[sflag:s23] =	ssyncset.done $0x0  }
0x67: {  	[sflag:s23] =	ssyncadd.s32 $0xFFFFFFB0  }
0x68: {  	[tilespmem:s25], [sflag:$0x1] =	stream.indirect.gather [hbm4b:s4+s24], $0x80, s22, s24, $0xb8;
	[tilespmem:$0x19200] =	vst v63  }
0x69: {  	_ =	swait.ge [sflag:s2], $0x2800  }
0x6a: {  	[sflag:s2] =	ssyncset.done $0x0  }
0x6b: {  	[sflag:s2] =	ssyncadd.s32 $0xFFFFD800  }
0x6c: {  	[spmem:s1] =	stream.indirect.scatter.add.f32 [tilespmem:s30], [sflag:$0x4], $0x80, s26, s24, $0xb8;
	[tilespmem:$0x19200] =	vst v63  }
0x6d: {  	_ =	swait.ge [sflag:s7], $0x2800  }
0x6e: {  	[sflag:s7] =	ssyncset.done $0x0  }
0x6f: {  	s13 =	sadd.s32 s12, s18;
	[sflag:s7] =	ssyncadd.s32 $0xFFFFD800  }
0x70: {  	[tilespmem:s26], [sflag:$0x6] =	stream.linear.gather [hbm4b:s13+s3], $0x50, $0x38;
	[tilespmem:$0x19200] =	vst v63  }
0x71: {  	s12 =	sadd.s32 s12, s17  }
0x72: {  	[tilespmem:s28], [sflag:$0x6] =	stream.linear.gather [hbm4b:s12+s3], $0x50, $0x38;
	[tilespmem:$0x19200] =	vst v63  }
0x73: {  	_ =	swait.ge [sflag:s29], $0x50  }
.Ltmp0:
0x74: {  	[sflag:s29] =	ssyncset.done $0x0;
	(pc) =	sbr.rel @p0 .LBB2_2-.Ltmp0, $4  }
0x75: {  	[sflag:s29] =	ssyncadd.s32 $0xFFFFFFB0  }
0x76: {  	_ =	swait.ge [sflag:s29], $0x50  }
0x77: {  	[sflag:s29] =	ssyncset.done $0x0  }
0x78: {  	s11 =	sadd.s32 $0xA0, s11;
	[sflag:s29] =	ssyncadd.s32 $0xFFFFFFB0  }
0x79: {  	[tilespmem:s30], [sflag:$0x2] =	stream.indirect.gather [hbm4b:s4+s24], $0x80, s28, s24, $0xb8;
	[tilespmem:$0x19200] =	vst v63  }
0x7a: {  	_ =	swait.ge [sflag:s31], $0x2800  }
0x7b: {  	[sflag:s31] =	ssyncset.done $0x0  }
0x7c: {  	[sflag:s31] =	ssyncadd.s32 $0xFFFFD800  }
0x7d: {  	[spmem:s1] =	stream.indirect.scatter.add.f32 [tilespmem:s25], [sflag:$0x3], $0x80, s3, s24, $0xb8;
	[tilespmem:$0x19200] =	vst v63  }
0x7e: {  	_ =	swait.ge [sflag:s0], $0x2800  }
0x7f: {  	[sflag:s0] =	ssyncset.done $0x0  }
0x80: {  	[sflag:s0] =	ssyncadd.s32 $0xFFFFD800  }
0x81: {  	[tilespmem:s3], [sflag:$0x5] =	stream.linear.gather [hbm4b:s15+s3], $0x50, $0x38;
	[tilespmem:$0x19200] =	vst v63  }
0x82: {  	_ = 	snop  }
0x83: {  	[tilespmem:s22], [sflag:$0x5] =	stream.linear.gather [hbm4b:s16+s3], $0x50, $0x38;
	[tilespmem:$0x19200] =	vst v63  }
0x84: {  	_ =	swait.ge [sflag:s23], $0x50  }
0x85: {  	[sflag:s23] =	ssyncset.done $0x0  }
0x86: {  	[sflag:s23] =	ssyncadd.s32 $0xFFFFFFB0  }
0x87: {  	_ =	swait.ge [sflag:s23], $0x50  }
0x88: {  	[sflag:s23] =	ssyncset.done $0x0  }
0x89: {  	[sflag:s23] =	ssyncadd.s32 $0xFFFFFFB0  }
0x8a: {  	[tilespmem:s25], [sflag:$0x1] =	stream.indirect.gather [hbm4b:s4+s24], $0x80, s22, s24, $0xb8;
	[tilespmem:$0x19200] =	vst v63  }
0x8b: {  	_ =	swait.ge [sflag:s2], $0x2800  }
0x8c: {  	[sflag:s2] =	ssyncset.done $0x0  }
0x8d: {  	[sflag:s2] =	ssyncadd.s32 $0xFFFFD800  }
0x8e: {  	[spmem:s1] =	stream.indirect.scatter.add.f32 [tilespmem:s30], [sflag:$0x4], $0x80, s26, s24, $0xb8;
	[tilespmem:$0x19200] =	vst v63  }
0x8f: {  	_ =	swait.ge [sflag:s31], $0x2800  }
0x90: {  	[sflag:s31] =	ssyncset.done $0x0  }
0x91: {  	[sflag:s31] =	ssyncadd.s32 $0xFFFFD800  }
0x92: {  	[spmem:s1] =	stream.indirect.scatter.add.f32 [tilespmem:s25], [sflag:$0x3], $0x80, s3, s24, $0xb8;
	[tilespmem:$0x19200] =	vst v63  }
0x93: {  	_ =	swait.ge [sflag:s0], $0x2800  }
0x94: {  	[sflag:s0] =	ssyncset.done $0x0  }
0x95: {  	[sflag:s0] =	ssyncadd.s32 $0xFFFFD800  }
0x96: {  	_ =	swait.ge [sflag:s7], $0x2800  }
0x97: {  	[sflag:s7] =	ssyncset.done $0x0  }
0x98: {  	[sflag:s7] =	ssyncadd.s32 $0xFFFFD800  }
0x99: {  	[bflag:$0x0] =	sbarrier.arrive $0xFFFF  }
0x9a: {  	s10 =	rddreg [dreg:$0x8]  }
0x9b: {  	[hbm:s10], [sflag:s8] =	dma.local [spmem:s20], $0x2800  }
0x9c: {  	_ =	swait.ge [sflag:s21], $0x2800  }
0x9d: {  	s9 =	sadd.s32 $0x1, s9;
	s14 =	rddreg [dreg:$0x9]  }
0x9e: {  	p0 =	sne.s32 s9, s14  }
.Ltmp1:
0x9f: {  	_ = 	snop;
	(pc) =	sbr.rel @p0 .LBB2_1-.Ltmp1, $3  }
0xa0: {  	_ =	sdelay $0x1  }
0xa1: {  	[sflag:s21] =	ssyncset.done $0x0  }
0xa2: {  	[sflag:s21] =	ssyncadd.s32 $0xFFFFD800  }
0xa3: {  	_ =	sfence.sel $0x180000  }
0xa4: {  	[bflag:$0x0] =	sbarrier.arrive $0xFFFF  }
0xa5: {  	_ =	strace $0x9000004D  }
0xa6: {  	s0 =	stileid.u32;
	[bflag:$0x2] =	sbarrier.arrive $0xFFFF  }
0xa7: {  	p0 =	sne.s32 s0, $0x0;
	s0 =	rddreg [dreg:$0x2]  }
0xa8: {  	s0 =	sadd.s32 @!p0 $0x100000, s0  }
0xa9: {  	[sflag:s0] =	ssyncadd.tile.s32 @!p0 $0x1;
	_ =	shalt  }
.Lfunc_end2:
_tile_overlayer_lowered:
.L_overlay_start_2:
0xaa: {  	(tag) =	ssettag $0x2  }
0xab: {  	s0 =	rddreg [dreg:$0x0];
	s2 =	stileid.u32  }
0xac: {  	s1 =	rddreg [dreg:$0x1];
	p0 =	sne.s32 s2, $0x0  }
0xad: {  	s3 =	rddreg [dreg:$0x2];
	[bflag:$0x3] =	sbarrier.arrive $0xFFFF;
	s2 =	simm.s32 @!p0 $0x1C07  }
0xae: {  	[timem:s3], [sflag:s2] =	dma.local @!p0 [hbm:s0], s1  }
0xaf: {  	s0 =	simm.s32 @!p0 $0x7  }
0xb0: {  	_ =	swait.ge @!p0 [sflag:s0], s1  }
0xb1: {  	s1 =	ssub.s32 @!p0 $0x0, s1;
	[sflag:s0] =	ssyncset.done @!p0 $0x0  }
0xb2: {  	[sflag:s0] =	ssyncadd.s32 @!p0 s1  }
0xb3: {  	[bflag:$0x3] =	sbarrier.arrive $0xFFFF  }
0xb4: {  	_ =	shalt  }

// kernel: kernel.9.cloned.1.call-start
scs
__scs_entry_jumppad:
0x0: {  	(pc) =	sbr.rel $0x88, $3  }
0x1: {  	(tag) =	ssettag $0x0;
	lr =	simm.s32 $0x1  }
0x2: {  	[smem:$0x3F8D] =	sst lr;
	_ =	strace $0xD0000000  }
0x3: {  	_ = 	snop  }
0x4: {  	_ = 	snop  }
0x5: {  	_ = 	snop  }
0x6: {  	_ = 	snop  }
0x7: {  	_ = 	snop  }
__scs_overlays_trampoline_lowered:
0x8: {  	[smem:$0x3F9C] =	sst s0  }
0x9: {  	[smem:$0x3F9D] =	sst s1  }
0xa: {  	[smem:$0x3F9E] =	sst s2  }
0xb: {  	[smem:$0x3F9F] =	sst s3  }
0xc: {  	[smem:$0x3FA0] =	sst s4  }
0xd: {  	[smem:$0x3FA1] =	sst s5  }
0xe: {  	[smem:$0x3FA2] =	sst s6  }
0xf: {  	[smem:$0x3FA3] =	sst s7  }
0x10: {  	[smem:$0x3FA4] =	sst s8  }
0x11: {  	[smem:$0x3FA5] =	sst s9;
	s0 =	simm.s32 @!p0 $0x0  }
0x12: {  	s1 =	sld [smem:$0x3F8B];
	s0 =	simm.s32 @p0 $0x1  }
0x13: {  	[smem:$0x3FA6] =	sst s0;
	s0 =	simm.s32 @!p1 $0x0  }
0x14: {  	s2 =	sld [smem:$0x3F8A];
	s0 =	simm.s32 @p1 $0x1  }
0x15: {  	[smem:$0x3FA7] =	sst s0;
	s0 =	simm.s32 @!p2 $0x0  }
0x16: {  	s3 =	sld [smem:$0x3FDB];
	s0 =	simm.s32 @p2 $0x1  }
0x17: {  	s4 =	simm.s32 $0x1BF5;
	[smem:$0x3FA9] =	sst s0  }
0x18: {  	s0 =	sld [smem:$0x3F8C];
	_ =	swait.ge [sflag:s4], $0x0  }
0x19: {  	s7 =	sld [smem:$0x3F8D]  }
0x1a: {  	s8 =	sadd.s32 $0xFFFFE003, lr  }
0x1b: {  	s9 =	sadd.s32 $0xFFFFFEF7, lr;
	s5 =	simm.s32 $0xFFFFFFFF;
	p2 =	slt.u32 s8, $0xFFFFF086  }
0x1c: {  	p1 =	slt.u32 s9, $0xF7A;
	s5 =	simm.s32 @!p2 $0x0  }
0x1d: {  	s5 =	simm.s32 @p1 $0x1;
	p0 =	seq.s32 s7, s2  }
0x1e: {  	s7 =	smul.u32 @!p0 $0xF7A, s2;
	p2 =	seq.s32 @!p0 s5, $0x0  }
0x1f: {  	s9 =	smul.u32 $0xF7A, s1;
	s8 =	simm.s32 @!p0 $0x1BF5;
	p2 =	por !p2, p0  }
0x20: {  	[sflag:s8] =	ssyncset.s32 @!p0 $0xFFFFF086;
	s6 =	sadd.s32 @!p0 s3, s7;
	s7 =	simm.s32 @!p0 $0x108  }
0x21: {  	s3 =	sadd.s32 s3, s9;
	s6 =	sadd.s32 @!p0 $0x88, s6;
	s7 =	simm.s32 @p2 $0x1082  }
0x22: {  	[simem:s7], [sflag:s8] =	dma.local @!p0 [hbm:s6], $0xF7A  }
0x23: {  	s9 =	sor.u32 $0xD0000000, s2;
	s6 =	simm.s32 $0x108;
	_ =	swait.ge @!p0 [sflag:s8], $0x0  }
0x24: {  	s3 =	sadd.s32 $0x88, s3;
	s6 =	simm.s32 @!p1 $0x1082;
	[sflag:s4] =	ssyncset.s32 $0xFFFFF086  }
0x25: {  	[simem:s6], [sflag:s4] =	dma.local [hbm:s3], $0xF7A  }
0x26: {  	[smem:$0x3F8D] =	sst s1;
	(tag) =	ssettag s2;
	_ =	strace s9  }
0x27: {  	s1 =	sld [smem:$0x3F9D]  }
0x28: {  	s2 =	sld [smem:$0x3F9E]  }
0x29: {  	s4 =	sld [smem:$0x3FA0]  }
0x2a: {  	p0 =	seq.s32 s5, $0x0;
	s5 =	sld [smem:$0x3FA1]  }
0x2b: {  	s6 =	sld [smem:$0x3FA2]  }
0x2c: {  	s7 =	sld [smem:$0x3FA3]  }
0x2d: {  	s3 =	simm.s32 $0x108;
	s8 =	sld [smem:$0x3FA4]  }
0x2e: {  	s3 =	simm.s32 @!p0 $0x1082;
	s9 =	sld [smem:$0x3FA5]  }
0x2f: {  	lr =	sadd.s32 s0, s3;
	s0 =	sld [smem:$0x3F9C]  }
0x30: {  	s3 =	sld [smem:$0x3F9F]  }
0x31: {  	[smem:$0x3FA8] =	sst s10  }
0x32: {  	s10 =	sld [smem:$0x3FA6];
	_ =	sdelay $0x3  }
0x33: {  	p0 =	seq.s32 s10, $0x1;
	s10 =	sld [smem:$0x3FA8];
	_ =	sdelay $0x3  }
0x34: {  	[smem:$0x3FA8] =	sst s10  }
0x35: {  	s10 =	sld [smem:$0x3FA7];
	_ =	sdelay $0x3  }
0x36: {  	p1 =	seq.s32 s10, $0x1;
	s10 =	sld [smem:$0x3FA8];
	_ =	sdelay $0x3  }
0x37: {  	[smem:$0x3FA8] =	sst s10  }
0x38: {  	s10 =	sld [smem:$0x3FA9]  }
0x39: {  	_ = 	snop;
	(pc) =	sbr.ind lr, $3  }
0x3a: {  	_ = 	snop  }
0x3b: {  	_ = 	snop  }
0x3c: {  	p2 =	seq.s32 s10, $0x1;
	s10 =	sld [smem:$0x3FA8]  }
0x3d: {  	_ =	shalt  }
0x3e: {  	_ =	shalt  }
0x3f: {  	_ =	shalt  }
0x40: {  	_ =	shalt  }
0x41: {  	_ =	shalt  }
0x42: {  	_ =	shalt  }
0x43: {  	_ =	shalt  }
0x44: {  	_ =	shalt  }
0x45: {  	_ =	shalt  }
0x46: {  	_ =	shalt  }
0x47: {  	_ =	shalt  }
0x48: {  	_ =	shalt  }
0x49: {  	_ =	shalt  }
0x4a: {  	_ =	shalt  }
0x4b: {  	_ =	shalt  }
0x4c: {  	_ =	shalt  }
0x4d: {  	_ =	shalt  }
0x4e: {  	_ =	shalt  }
0x4f: {  	_ =	shalt  }
0x50: {  	_ =	shalt  }
0x51: {  	_ =	shalt  }
0x52: {  	_ =	shalt  }
0x53: {  	_ =	shalt  }
0x54: {  	_ =	shalt  }
0x55: {  	_ =	shalt  }
0x56: {  	_ =	shalt  }
0x57: {  	_ =	shalt  }
0x58: {  	_ =	shalt  }
0x59: {  	_ =	shalt  }
0x5a: {  	_ =	shalt  }
0x5b: {  	_ =	shalt  }
0x5c: {  	_ =	shalt  }
0x5d: {  	_ =	shalt  }
0x5e: {  	_ =	shalt  }
0x5f: {  	_ =	shalt  }
0x60: {  	_ =	shalt  }
0x61: {  	_ =	shalt  }
0x62: {  	_ =	shalt  }
0x63: {  	_ =	shalt  }
0x64: {  	_ =	shalt  }
0x65: {  	_ =	shalt  }
0x66: {  	_ =	shalt  }
0x67: {  	_ =	shalt  }
0x68: {  	_ =	shalt  }
0x69: {  	_ =	shalt  }
0x6a: {  	_ =	shalt  }
0x6b: {  	_ =	shalt  }
0x6c: {  	_ =	shalt  }
0x6d: {  	_ =	shalt  }
0x6e: {  	_ =	shalt  }
0x6f: {  	_ =	shalt  }
0x70: {  	_ =	shalt  }
0x71: {  	_ =	shalt  }
0x72: {  	_ =	shalt  }
0x73: {  	_ =	shalt  }
0x74: {  	_ =	shalt  }
0x75: {  	_ =	shalt  }
0x76: {  	_ =	shalt  }
0x77: {  	_ =	shalt  }
0x78: {  	_ =	shalt  }
0x79: {  	_ =	shalt  }
0x7a: {  	_ =	shalt  }
0x7b: {  	_ =	shalt  }
0x7c: {  	_ =	shalt  }
0x7d: {  	_ =	shalt  }
0x7e: {  	_ =	shalt  }
0x7f: {  	_ =	shalt  }
0x80: {  	_ =	shalt  }
0x81: {  	_ =	shalt  }
0x82: {  	_ =	shalt  }
0x83: {  	_ =	shalt  }
0x84: {  	_ =	shalt  }
0x85: {  	_ =	shalt  }
0x86: {  	_ =	shalt  }
0x87: {  	_ =	shalt  }
.Lfunc_end0:
.L_simem_size_0:
called_computation_lowered:
.L_overlay_start_0:
0x88: {  	s2 =	sld [smem:$0x3FD9]  }
0x89: {  	s3 =	sld [smem:$0x3FFE];
	_ =	sdelay $0x1  }
0x8a: {  	s1 =	srdreg.scid  }
0x8b: {  	s0 =	sand.u32 $0x1, s1  }
0x8c: {  	s16 =	sshll.u32 s0, $0xA;
	s2 =	sadd.s32 s3, s2  }
0x8d: {  	s2 =	sadd.s32 s2, s16  }
0x8e: {  	[smem:$0x3FB4] =	sst s2  }
0x8f: {  	_ = 	snop  }
0x90: {  	(tm) =	ssettm $0x1  }
0x91: {  	s17 =	sld [smem:$0x3FFB];
	_ =	sdelay $0x3  }
0x92: {  	_ =	strace s17  }
0x93: {  	s2 =	sld [smem:$0x3FFC];
	_ =	sdelay $0x3  }
0x94: {  	_ =	strace s2  }
0x95: {  	s2 =	sld [smem:$0x3FFD];
	_ =	sdelay $0x3  }
0x96: {  	_ =	strace s2  }
0x97: {  	_ =	strace $0x8FFFFFFF  }
0x98: {  	s18 =	sld [smem:$0x3FDB];
	_ =	sdelay $0x1  }
0x99: {  	s19 =	simm.s32 $_scs_section_size  }
0x9a: {  	s4 =	simm.s32 $_size__tile_overlayer_lowered;
	s5 =	simm.s32 $_tile_overlayer_lowered  }
0x9b: {  	s22 =	simm.s32 $0x1BFF;
	s21 =	sshll.u32 s5, $0x1;
	s2 =	sadd.s32 s19, s18  }
0x9c: {  	s6 =	simm.s32 $0x0;
	s20 =	sshll.u32 s4, $0x1;
	s4 =	sadd.s32 s21, s2  }
0x9d: {  	[timem:s6], [sflag:s22] =	dma.local [hbm:s4], s20  }
0x9e: {  	_ =	swait.ge [sflag:s22], s20  }
0x9f: {  	s3 =	ssub.s32 $0x0, s20;
	[sflag:s22] =	ssyncset.done $0x0  }
0xa0: {  	[sflag:s22] =	ssyncadd.s32 s3;
	_ =	sdelay $0x1  }
0xa1: {  	s23 =	simm.s32 $0x1B8B  }
0xa2: {  	_ =	swait.ge [sflag:s23], $0x1  }
0xa3: {  	[sflag:s23] =	ssyncset.done $0x0  }
0xa4: {  	s25 =	simm.s32 $0x1B8E;
	s24 =	sld [smem:$0x3FFE];
	[sflag:s23] =	ssyncadd.s32 $0xFFFFFFFF  }
0xa5: {  	s26 =	simm.s32 $execute0_lowered;
	[smem:$0x3FD2] =	sst s25  }
0xa6: {  	s4 =	sshll.u32 s26, $0x1;
	_ =	strace $0x80000046;
	[dreg:$0x1] =	wrdreg $0xFFFFFFFF  }
0xa7: {  	s28 =	simm.s32 $_size_execute0_lowered;
	s2 =	sadd.s32 s2, s4;
	[dreg:$0x0] =	wrdreg $0x0  }
0xa8: {  	s4 =	sshll.u32 s28, $0x1;
	[dreg:$0x2] =	wrdreg s2  }
0xa9: {  	[dreg:$0x3] =	wrdreg s4  }
0xaa: {  	[dreg:$0x4] =	wrdreg $0xC0  }
0xab: {  	_ =	task [dreg:s6], $0x5FFFF  }
0xac: {  	[dreg:$0x1] =	wrdreg $0xFFFFFFFF  }
0xad: {  	[dreg:$0x0] =	wrdreg $0x60  }
0xae: {  	[dreg:$0x2] =	wrdreg s24  }
0xaf: {  	[dreg:$0x3] =	wrdreg $0x9  }
0xb0: {  	_ =	task.clear_ibuf [dreg:s6], $0x4FFFF;
	_ =	strace $0x90000046  }
0xb1: {  	s29 =	simm.s32 $0x9;
	_ =	strace $0x80000048  }
0xb2: {  	_ =	swait.ge [sflag:s29], $0x1  }
0xb3: {  	[sflag:s29] =	ssyncadd.s32 $0xFFFFFFFF  }
0xb4: {  	_ =	strace $0x90000048  }
0xb5: {  	_ =	sfence  }
0xb6: {  	s30 =	sld [smem:$0x0];
	_ =	sdelay $0x2  }
0xb7: {  	s31 =	sshll.u32 s1, $0xD;
	s1 =	sshrl.u32 s1, $0x2  }
0xb8: {  	s3 =	sand.u32 $0x4000, s31;
	s1 =	sadd.s32 s1, s30  }
0xb9: {  	s0 =	sor.u32 s3, s0;
	s1 =	sshll.u32 s1, $0x11  }
0xba: {  	s0 =	sor.u32 s1, s0  }
0xbb: {  	s0 =	sadd.s32 $0x8F2B, s0  }
0xbc: {  	[sflag:s0] =	ssyncadd.remote.s32 $0x1  }
0xbd: {  	_ =	sfence.sel $0xFFFF  }
0xbe: {  	[dreg:$0x0] =	wrdreg $0xFFFFFFFF;
	(pc) =	sbr.abs _section_cstart, $3  }
0xbf: {  	[dreg:$0x1] =	wrdreg $0xFFFFFFFF  }
0xc0: {  	_ =	task.clear_ibuf [dreg:s6], $0x2FFFF;
	_ =	strace $0x9FFFFFFF  }
0xc1: {  	(tm) =	ssettm $0x7FFFFFFF  }
tec
execute0_lowered:
.L_overlay_start_1:
0x0: {  	(tag) =	ssettag $0x1  }
0x1: {  	s6 =	rddreg [dreg:$0x0]  }
0x2: {  	s1 =	srdreg.scid;
	s0 =	rddreg [dreg:$0x1]  }
0x3: {  	s2 =	simm.s32 $0x0;
	s13 =	simm.s32 $0x2;
	s14 =	simm.s32 $0x2780  }
0x4: {  	s15 =	simm.s32 $0x2710;
	s16 =	simm.s32 $0x4F00;
	s17 =	simm.s32 $0x7680  }
0x5: {  	s18 =	simm.s32 $0x9E00;
	s19 =	simm.s32 $0xC580;
	s20 =	simm.s32 $0xED00  }
0x6: {  	s21 =	simm.s32 $0x11480;
	s22 =	simm.s32 $0x1;
	s3 =	sand.u32 $0x1, s1  }
0x7: {  	s23 =	simm.s32 $0x0;
	s1 =	stileid.u32;
	s4 =	sshll.u32 s3, $0x4  }
0x8: {  	[smem:$0x7FF] =	sst s2;
	s8 =	ssub.s32 $0x2, s3;
	s4 =	sor.u32 s1, s4  }
0x9: {  	s5 =	sadd.s32 $0x4E00, s6;
	s9 =	sshrl.u32 s8, $0x1;
	s7 =	smul.u32 $0x4E2, s4  }
0xa: {  	_ =	strace $0x80000047;
	s3 =	sadd.s32 $0x5A00, s6;
	s12 =	ssub.s32 s8, s9  }
0xb: {  	s4 =	sadd.s32 $0x5400, s6;
	s12 =	smax.u32 s12, $0x1;
	s11 =	sadd.s32 s7, s6  }
0xc: {  	s6 =	sadd.s32 $0xFE00, s11;
	s7 =	sadd.s32 $0x6000, s11;
	s8 =	sadd.s32 $0x19C00, s11  }
0xd: {  	s9 =	sadd.s32 $0x23A00, s11;
	s10 =	sadd.s32 $0x2D800, s11;
	s11 =	sadd.s32 $0x37600, s11  }
.LBB2_1:
0xe: {  	[tilespmem:s2], [sflag:$0x2] =	stream.linear.gather [hbm4b:s6+s2], $0x2710, $0x38;
	[tilespmem:$0x13C00] =	vst v63  }
0xf: {  	_ =	swait.ge [sflag:s13], $0x2710  }
0x10: {  	[sflag:s13] =	ssyncset.done $0x0  }
0x11: {  	[sflag:s13] =	ssyncadd.s32 $0xFFFFD8F0  }
0x12: {  	[tilespmem:s14], [sflag:$0x2] =	stream.linear.gather [hbm4b:s7+s2], $0x2710, $0x38;
	[tilespmem:$0x13C00] =	vst v63  }
0x13: {  	_ =	swait.ge [sflag:s13], $0x2710  }
0x14: {  	[sflag:s13] =	ssyncset.done $0x0  }
0x15: {  	[sflag:s13] =	ssyncadd.s32 $0xFFFFD8F0  }
0x16: {  	[tilespmem:s16], [sflag:$0x1] =	stream.indirect.gather [hbm4b:s3+s15], $0x1, s2, s15, $0xb8;
	[tilespmem:$0x13C00] =	vst v63  }
0x17: {  	_ = 	snop  }
0x18: {  	[tilespmem:s17], [sflag:$0x1] =	stream.indirect.gather [hbm4b:s4+s15], $0x1, s2, s15, $0xb8;
	[tilespmem:$0x13C00] =	vst v63  }
0x19: {  	_ = 	snop  }
0x1a: {  	[tilespmem:s18], [sflag:$0x1] =	stream.indirect.gather [hbm4b:s5+s15], $0x1, s2, s15, $0xb8;
	[tilespmem:$0x13C00] =	vst v63  }
0x1b: {  	_ = 	snop  }
0x1c: {  	[tilespmem:s19], [sflag:$0x1] =	stream.indirect.gather [hbm4b:s3+s15], $0x1, s14, s15, $0xb8;
	[tilespmem:$0x13C00] =	vst v63  }
0x1d: {  	_ = 	snop  }
0x1e: {  	[tilespmem:s20], [sflag:$0x1] =	stream.indirect.gather [hbm4b:s4+s15], $0x1, s14, s15, $0xb8;
	[tilespmem:$0x13C00] =	vst v63  }
0x1f: {  	_ = 	snop  }
0x20: {  	[tilespmem:s21], [sflag:$0x1] =	stream.indirect.gather [hbm4b:s5+s15], $0x1, s14, s15, $0xb8;
	[tilespmem:$0x13C00] =	vst v63  }
0x21: {  	_ =	swait.ge [sflag:s22], $0x2710  }
0x22: {  	[sflag:s22] =	ssyncset.done $0x0  }
0x23: {  	[sflag:s22] =	ssyncadd.s32 $0xFFFFD8F0  }
0x24: {  	_ =	swait.ge [sflag:s22], $0x2710  }
0x25: {  	[sflag:s22] =	ssyncset.done $0x0  }
0x26: {  	[sflag:s22] =	ssyncadd.s32 $0xFFFFD8F0  }
0x27: {  	_ =	swait.ge [sflag:s22], $0x2710  }
0x28: {  	[sflag:s22] =	ssyncset.done $0x0  }
0x29: {  	[sflag:s22] =	ssyncadd.s32 $0xFFFFD8F0  }
0x2a: {  	_ =	swait.ge [sflag:s22], $0x2710  }
0x2b: {  	[sflag:s22] =	ssyncset.done $0x0  }
0x2c: {  	[sflag:s22] =	ssyncadd.s32 $0xFFFFD8F0  }
0x2d: {  	_ =	swait.ge [sflag:s22], $0x2710  }
0x2e: {  	[sflag:s22] =	ssyncset.done $0x0  }
0x2f: {  	[sflag:s22] =	ssyncadd.s32 $0xFFFFD8F0  }
0x30: {  	_ =	swait.ge [sflag:s22], $0x2710  }
0x31: {  	[sflag:s22] =	ssyncset.done $0x0  }
0x32: {  	s24 =	simm.s32 $0x0;
	[sflag:s22] =	ssyncadd.s32 $0xFFFFD8F0  }
0x33: {  	v2 =	vld [tilespmem:s24+$0x9E00]  }
0x34: {  	v4 =	vld [tilespmem:s24+$0x11480]  }
0x35: {  	v5 =	vld [tilespmem:s24+$0xED00]  }
0x36: {  	v6 =	vld [tilespmem:s24+$0xC580]  }
0x37: {  	v7 =	vld [tilespmem:s24+$0x7680]  }
0x38: {  	v8 =	vld [tilespmem:s24+$0x4F00]  }
0x39: {  	v0 =	vmul.f32 v2, v2  }
0x3a: {  	v1 =	vmul.f32 v4, v2;
	v3 =	vmul.f32 v4, v4  }
0x3b: {  	v9 =	vmul.f32 v6, v6;
	v10 =	vmul.f32 v5, v5  }
0x3c: {  	v11 =	vsub.f32 v7, v5;
	v2 =	vsub.f32 v2, v4;
	v12 =	vmul.f32 v5, v7  }
0x3d: {  	v5 =	vsub.f32 v8, v6;
	v13 =	vmul.f32 v6, v8;
	v4 =	vmul.f32 v7, v7  }
0x3e: {  	v7 =	vmul.f32 v8, v8;
	v2 =	vmul.f32 v2, v2;
	v9 =	vadd.f32 v10, v9  }
0x3f: {  	s26 =	simm.s32 $0x40;
	s25 =	simm.s32 $0x80;
	v5 =	vmul.f32 v5, v5;
	v6 =	vmul.f32 v11, v11;
	v8 =	vadd.f32 v12, v13  }
.LBB2_2:
0x40: {  	p0 =	sne.s32 s25, $0x9C00  }
0x41: {  	s28 =	sshra.s32 s26, $0x2;
	v4 =	vadd.f32 v4, v7;
	v3 =	vadd.f32 v3, v9;
	s26 =	smov.u32 s25;
	s25 =	sadd.s32 $0x40, s25  }
0x42: {  	v7 =	vld [tilespmem:s28+$0x9E00];
	v5 =	vadd.f32 v6, v5;
	v1 =	vadd.f32 v1, v8  }
0x43: {  	v6 =	vld [tilespmem:s28+$0x11480];
	v0 =	vadd.f32 v0, v4;
	[tilespmem:s24+$0xED00] =	vst v3  }
0x44: {  	v4 =	vld [tilespmem:s28+$0xED00];
	v2 =	vadd.f32 v2, v5;
	[tilespmem:s24+$0xC580] =	vst v1  }
0x45: {  	v5 =	vld [tilespmem:s28+$0xC580];
	[tilespmem:s24+$0x7680] =	vst v0  }
0x46: {  	v8 =	vld [tilespmem:s28+$0x7680];
	[tilespmem:s24+$0x4F00] =	vst v2;
	s24 =	smov.u32 s28  }
0x47: {  	v9 =	vld [tilespmem:s24+$0x4F00];
	v0 =	vmul.f32 v7, v7  }
0x48: {  	v1 =	vmul.f32 v6, v7  }
0x49: {  	v3 =	vmul.f32 v6, v6  }
.Ltmp0:
0x4a: {  	v11 =	vmul.f32 v4, v4;
	v10 =	vmul.f32 v5, v5;
	(pc) =	sbr.rel @p0 .LBB2_2-.Ltmp0, $4  }
0x4b: {  	v2 =	vsub.f32 v7, v6;
	v12 =	vsub.f32 v8, v4;
	v13 =	vmul.f32 v4, v8  }
0x4c: {  	v4 =	vmul.f32 v8, v8;
	v6 =	vsub.f32 v9, v5;
	v14 =	vmul.f32 v5, v9  }
0x4d: {  	v2 =	vmul.f32 v2, v2;
	v7 =	vmul.f32 v9, v9;
	v9 =	vadd.f32 v11, v10  }
0x4e: {  	v5 =	vmul.f32 v6, v6;
	v6 =	vmul.f32 v12, v12;
	v8 =	vadd.f32 v13, v14  }
0x4f: {  	s25 =	sshra.s32 s26, $0x2;
	v3 =	vadd.f32 v3, v9;
	v4 =	vadd.f32 v4, v7  }
0x50: {  	v52 =	vld [tilespmem:s25+$0x9E00];
	v1 =	vadd.f32 v1, v8;
	v5 =	vadd.f32 v6, v5  }
0x51: {  	v10 =	vld [tilespmem:s25+$0x11480];
	[tilespmem:s24+$0xED00] =	vst v3;
	v0 =	vadd.f32 v0, v4  }
0x52: {  	v3 =	vld [tilespmem:s25+$0xED00];
	[tilespmem:s24+$0xC580] =	vst v1;
	v2 =	vadd.f32 v2, v5  }
0x53: {  	v1 =	vld [tilespmem:s25+$0xC580];
	[tilespmem:s24+$0x7680] =	vst v0  }
0x54: {  	v0 =	vld [tilespmem:s25+$0x7680];
	[tilespmem:s24+$0x4F00] =	vst v2  }
0x55: {  	v2 =	vld [tilespmem:s25+$0x4F00];
	_ =	sdelay $0x2  }
0x56: {  	v53 =	vmul.f32 v10, v52;
	v54 =	vmul.f32 v10, v10;
	v10 =	vsub.f32 v52, v10  }
0x57: {  	v56 =	vmul.f32 v3, v3;
	v55 =	vmul.f32 v1, v1;
	v57 =	vsub.f32 v0, v3  }
0x58: {  	v3 =	vmul.f32 v3, v0;
	v11 =	vsub.f32 v2, v1;
	v1 =	vmul.f32 v1, v2  }
0x59: {  	v0 =	vmul.f32 v0, v0;
	v2 =	vmul.f32 v2, v2;
	v6 =	vadd.f32 v56, v55  }
0x5a: {  	v8 =	vmul.f32 v57, v57;
	v58 =	vmul.f32 v11, v11;
	v1 =	vadd.f32 v3, v1  }
0x5b: {  	v59 =	vmul.f32 v52, v52;
	v0 =	vadd.f32 v0, v2;
	v60 =	vadd.f32 v54, v6  }
0x5c: {  	v61 =	vmul.f32 v10, v10;
	v62 =	vadd.f32 v8, v58;
	v1 =	vadd.f32 v53, v1  }
0x5d: {  	v0 =	vadd.f32 v59, v0;
	[tilespmem:s25+$0xED00] =	vst v60  }
0x5e: {  	v63 =	vadd.f32 v61, v62;
	[tilespmem:s25+$0xC580] =	vst v1  }
0x5f: {  	[tilespmem:s25+$0x7680] =	vst v0  }
0x60: {  	[tilespmem:s25+$0x4F00] =	vst v63  }
0x61: {  	[hbm4b:s8+s2] =	stream.linear.scatter [tilespmem:s16], [sflag:$0x2], $0x2710, $0x38;
	[tilespmem:$0x13C00] =	vst v63  }
0x62: {  	_ =	swait.ge [sflag:s13], $0x2710  }
0x63: {  	[sflag:s13] =	ssyncset.done $0x0  }
0x64: {  	[sflag:s13] =	ssyncadd.s32 $0xFFFFD8F0  }
0x65: {  	[hbm4b:s9+s2] =	stream.linear.scatter [tilespmem:s19], [sflag:$0x2], $0x2710, $0x38;
	[tilespmem:$0x13C00] =	vst v63  }
0x66: {  	_ =	swait.ge [sflag:s13], $0x2710  }
0x67: {  	[sflag:s13] =	ssyncset.done $0x0  }
0x68: {  	[sflag:s13] =	ssyncadd.s32 $0xFFFFD8F0  }
0x69: {  	[hbm4b:s10+s2] =	stream.linear.scatter [tilespmem:s17], [sflag:$0x2], $0x2710, $0x38;
	[tilespmem:$0x13C00] =	vst v63  }
0x6a: {  	s23 =	sadd.s32 $0x1, s23;
	_ =	swait.ge [sflag:s13], $0x2710  }
0x6b: {  	p0 =	sne.s32 s23, s12;
	[sflag:s13] =	ssyncset.done $0x0  }
.Ltmp1:
0x6c: {  	[sflag:s13] =	ssyncadd.s32 $0xFFFFD8F0;
	(pc) =	sbr.rel @p0 .LBB2_1-.Ltmp1, $4  }
0x6d: {  	[hbm4b:s11+s2] =	stream.linear.scatter [tilespmem:s20], [sflag:$0x2], $0x2710, $0x38;
	[tilespmem:$0x13C00] =	vst v63  }
0x6e: {  	_ =	swait.ge [sflag:s13], $0x2710  }
0x6f: {  	[sflag:s13] =	ssyncset.done $0x0  }
0x70: {  	[sflag:s13] =	ssyncadd.s32 $0xFFFFD8F0  }
0x71: {  	_ =	sfence.sel $0x180000  }
0x72: {  	[bflag:$0x0] =	sbarrier.arrive $0xFFFF  }
0x73: {  	p0 =	sne.s32 s1, $0x0;
	_ =	strace $0x90000047  }
0x74: {  	s0 =	sadd.s32 @!p0 $0x100000, s0;
	[bflag:$0x2] =	sbarrier.arrive $0xFFFF  }
0x75: {  	[sflag:s0] =	ssyncadd.tile.s32 @!p0 $0x1;
	_ =	shalt  }
.Lfunc_end2:
_tile_overlayer_lowered:
.L_overlay_start_2:
0x76: {  	(tag) =	ssettag $0x2  }
0x77: {  	s0 =	rddreg [dreg:$0x0];
	s2 =	stileid.u32  }
0x78: {  	s1 =	rddreg [dreg:$0x1];
	p0 =	sne.s32 s2, $0x0  }
0x79: {  	s3 =	rddreg [dreg:$0x2];
	[bflag:$0x3] =	sbarrier.arrive $0xFFFF;
	s2 =	simm.s32 @!p0 $0x1C02  }
0x7a: {  	[timem:s3], [sflag:s2] =	dma.local @!p0 [hbm:s0], s1  }
0x7b: {  	s0 =	simm.s32 @!p0 $0x2  }
0x7c: {  	_ =	swait.ge @!p0 [sflag:s0], s1  }
0x7d: {  	s1 =	ssub.s32 @!p0 $0x0, s1;
	[sflag:s0] =	ssyncset.done @!p0 $0x0  }
0x7e: {  	[sflag:s0] =	ssyncadd.s32 @!p0 s1  }
0x7f: {  	[bflag:$0x3] =	sbarrier.arrive $0xFFFF  }
0x80: {  	_ =	shalt  }

</sc_bundles>
